<compile_context>
chip_gen: v7x
topology: tpu7x:2x2x1
jax: 0.10.2.dev20260603
libtpu: 0.0.44.dev20260713+nightly
codegen_flags: <defaults>
</compile_context>

<pallas_src>
import jax
import jax.numpy as jnp
from jax import lax
from jax.experimental import pallas as pl
from jax.experimental.pallas import tpu as pltpu
from jax.experimental.pallas import tpu_sc as plsc

N = 10000
E = 320000
H = 128
HEADS = 8
HD = H // HEADS

NC = 2
NS = 16
NW = NC * NS
EW = E // NW
C = 40
NCHUNK = EW // C
NP = 10240
RPS = NP // NS
NB = 10
BN = N // NB


def _qkv_body(x_ref, wq_ref, wk_ref, wv_ref, bq_ref, bk_ref, bv_ref,
              q_ref, kv_ref):
    xb = x_ref[...]
    q = jnp.dot(xb, wq_ref[...], preferred_element_type=jnp.float32) + bq_ref[...]
    k = jnp.dot(xb, wk_ref[...], preferred_element_type=jnp.float32) + bk_ref[...]
    v = jnp.dot(xb, wv_ref[...], preferred_element_type=jnp.float32) + bv_ref[...]
    q_ref[...] = q
    kv_ref[...] = jnp.concatenate([k, v], axis=1)


def _qkv_call(x, Wq, bq, Wk, bk, Wv, bv):
    f32 = jnp.float32
    return pl.pallas_call(
        _qkv_body,
        grid=(NB,),
        in_specs=[
            pl.BlockSpec((BN, H), lambda i: (i, 0)),
            pl.BlockSpec((H, H), lambda i: (0, 0)),
            pl.BlockSpec((H, H), lambda i: (0, 0)),
            pl.BlockSpec((H, H), lambda i: (0, 0)),
            pl.BlockSpec((1, H), lambda i: (0, 0)),
            pl.BlockSpec((1, H), lambda i: (0, 0)),
            pl.BlockSpec((1, H), lambda i: (0, 0)),
        ],
        out_specs=[
            pl.BlockSpec((BN, H), lambda i: (i, 0)),
            pl.BlockSpec((BN, 2 * H), lambda i: (i, 0)),
        ],
        out_shape=[
            jax.ShapeDtypeStruct((N, H), f32),
            jax.ShapeDtypeStruct((N, 2 * H), f32),
        ],
    )(x, Wq.T, Wk.T, Wv.T, bq.reshape(1, H), bk.reshape(1, H),
      bv.reshape(1, H))


def _edge_body(q_hbm, kv_hbm, src_hbm, dst_hbm, p_out, z_out,
               srcidx0, dstidx0, qe0, kve0, srcidx1, dstidx1, qe1, kve1,
               uref, zvmem, shared, dsts0, dsts1, wv0, wv1,
               semq0, semk0, semq1, semk1,
               semi0, semi1, semd0, semd1, semw0, semw1):
    c = lax.axis_index("c")
    s = lax.axis_index("s")
    wid = s * NC + c

    srcidx = (srcidx0, srcidx1)
    dstidx = (dstidx0, dstidx1)
    qe = (qe0, qe1)
    kve = (kve0, kve1)
    semq = (semq0, semq1)
    semk = (semk0, semk1)
    semi = (semi0, semi1)
    dsts = (dsts0, dsts1)
    semd = (semd0, semd1)
    wv = (wv0, wv1)
    semw = (semw0, semw1)

    def _zrow_body(r, carry):
        for j in range(H // 16):
            qe0[r, pl.ds(j * 16, 16)] = jnp.zeros((16,), jnp.float32)
        return carry
    lax.fori_loop(0, C, _zrow_body, 0)
    for j in range(RPS // C):
        pltpu.sync_copy(qe0, shared.at[pl.ds(s * RPS + j * C, C)])
    plsc.subcore_barrier()

    lane = lax.iota(jnp.int32, 16)
    halfsel = lax.shift_right_logical(lane, 3)
    colbase = lax.bitwise_and(lane, 7) * HD

    def _issue_idx(b, ci):
        base = wid * EW + ci * C
        pltpu.async_copy(src_hbm.at[pl.ds(base, C)], srcidx[b], semi[b])
        pltpu.async_copy(dst_hbm.at[pl.ds(base, C)], dstidx[b], semi[b])

    def _wait_idx(b, ci):
        base = wid * EW + ci * C
        pltpu.make_async_copy(src_hbm.at[pl.ds(base, C)], srcidx[b], semi[b]).wait()
        pltpu.make_async_copy(dst_hbm.at[pl.ds(base, C)], dstidx[b], semi[b]).wait()

    def _issue_rows(b, ci, first=jnp.bool_(False)):
        base = wid * EW + ci * C
        pltpu.async_copy(q_hbm.at[dstidx[b]], qe[b], semq[b])
        pltpu.async_copy(kv_hbm.at[srcidx[b]], kve[b], semk[b])
        @pl.when(jnp.logical_not(first))
        def _():
            _scatter_wait(b)
        pltpu.async_copy(dst_hbm.at[pl.ds(base, C)], dsts[b], semd[b])

    def _wait_rows(b, ci):
        base = wid * EW + ci * C
        pltpu.make_async_copy(q_hbm.at[dstidx[b]], qe[b], semq[b]).wait()
        pltpu.make_async_copy(kv_hbm.at[srcidx[b]], kve[b], semk[b]).wait()
        pltpu.make_async_copy(dst_hbm.at[pl.ds(base, C)], dsts[b], semd[b]).wait()

    def _scatter_wait(b):
        pltpu.make_async_copy(wv[b], shared.at[dsts[b]], semw[b]).wait()

    def _compute(b, zacc):
        qe_b, kve_b, wv_b = qe[b], kve[b], wv[b]

        def _score_body(g, zin):
            rowv = 2 * g + halfsel
            acc = jnp.zeros((16,), jnp.float32)
            for d in range(HD):
                colv = colbase + d
                qv = plsc.load_gather(qe_b, [rowv, colv])
                kv = plsc.load_gather(kve_b, [rowv, colv])
                acc = acc + qv * kv
            u2 = jnp.exp(acc * 0.25)
            uref[g, :] = u2
            return zin + u2
        zacc = lax.fori_loop(0, C // 2, _score_body, zacc)

        def _scale_body(g, carry):
            uvec = uref[g, :]
            for par in range(2):
                i = 2 * g + par
                for h in range(HEADS):
                    w = uvec[par * 8 + h]
                    vvec = kve_b[i, pl.ds(H + h * HD, HD)]
                    wv_b[i, pl.ds(h * HD, HD)] = vvec * w
            return carry
        lax.fori_loop(0, C // 2, _scale_body, 0)

        pltpu.make_async_copy(wv_b, shared.at[dsts[b]], semw[b]).start(add=True)
        return zacc

    _issue_idx(0, 0)
    _wait_idx(0, 0)
    _issue_rows(0, 0, first=jnp.bool_(True))
    _issue_idx(1, 1)

    def _super_body(mc, zacc):
        a = 2 * mc
        a2 = lax.rem(a + 2, NCHUNK)
        _wait_idx(1, a + 1)
        _issue_rows(1, a + 1, first=(mc == 0))
        _wait_rows(0, a)
        _issue_idx(0, a2)
        zacc = _compute(0, zacc)
        _wait_idx(0, a2)
        _issue_rows(0, a2)
        _wait_rows(1, a + 1)
        _issue_idx(1, lax.rem(a + 3, NCHUNK))
        zacc = _compute(1, zacc)
        return zacc

    zacc = lax.fori_loop(0, NCHUNK // 2, _super_body,
                         jnp.zeros((16,), jnp.float32))
    _wait_rows(0, 0)
    _wait_idx(1, 1)
    _scatter_wait(1)

    zvmem[...] = zacc
    pltpu.sync_copy(zvmem, z_out.at[wid])

    plsc.subcore_barrier()
    pltpu.sync_copy(shared.at[pl.ds(s * RPS, RPS)],
                    p_out.at[c, pl.ds(s * RPS, RPS)])


def _edge_call(q, kv, src, dst):
    f32 = jnp.float32
    mesh = plsc.VectorSubcoreMesh(core_axis_name="c", subcore_axis_name="s",
                                  num_cores=NC, num_subcores=NS)
    return pl.kernel(
        _edge_body,
        out_type=[
            jax.ShapeDtypeStruct((NC, NP, H), f32),
            jax.ShapeDtypeStruct((NW, 16), f32),
        ],
        mesh=mesh,
        compiler_params=pltpu.CompilerParams(needs_layout_passes=False),
        scratch_types=[
            pltpu.VMEM((C,), jnp.int32),
            pltpu.VMEM((C,), jnp.int32),
            pltpu.VMEM((C, H), f32),
            pltpu.VMEM((C, 2 * H), f32),
            pltpu.VMEM((C,), jnp.int32),
            pltpu.VMEM((C,), jnp.int32),
            pltpu.VMEM((C, H), f32),
            pltpu.VMEM((C, 2 * H), f32),
            pltpu.VMEM((C // 2, 16), f32),
            pltpu.VMEM((16,), f32),
            pltpu.VMEM_SHARED((NP, H), f32),
            pltpu.VMEM((C,), jnp.int32),
            pltpu.VMEM((C,), jnp.int32),
            pltpu.VMEM((C, H), f32),
            pltpu.VMEM((C, H), f32),
            pltpu.SemaphoreType.DMA,
            pltpu.SemaphoreType.DMA,
            pltpu.SemaphoreType.DMA,
            pltpu.SemaphoreType.DMA,
            pltpu.SemaphoreType.DMA,
            pltpu.SemaphoreType.DMA,
            pltpu.SemaphoreType.DMA,
            pltpu.SemaphoreType.DMA,
            pltpu.SemaphoreType.DMA,
            pltpu.SemaphoreType.DMA,
        ],
    )(q, kv, src, dst)


def _out_body(x_ref, p_ref, zp_ref, wo_ref, bo_ref, o_ref):
    zp = zp_ref[...]
    ones = jnp.ones((1, NW), jnp.float32)
    z16 = jnp.dot(ones, zp, preferred_element_type=jnp.float32)
    z8 = z16[:, :8] + z16[:, 8:]
    invz = 1.0 / z8
    rowi = lax.broadcasted_iota(jnp.int32, (HEADS, H), 0)
    coli = lax.broadcasted_iota(jnp.int32, (HEADS, H), 1)
    expand = jnp.where(coli // HD == rowi, 1.0, 0.0).astype(jnp.float32)
    scale = jnp.dot(invz, expand, preferred_element_type=jnp.float32)
    att = (p_ref[0] + p_ref[1]) * scale
    o_ref[...] = (x_ref[...]
                  + jnp.dot(att, wo_ref[...], preferred_element_type=jnp.float32)
                  + bo_ref[...])


def _out_call(x, p, zp, Wo, bo):
    f32 = jnp.float32
    return pl.pallas_call(
        _out_body,
        grid=(NB,),
        in_specs=[
            pl.BlockSpec((BN, H), lambda i: (i, 0)),
            pl.BlockSpec((NC, BN, H), lambda i: (0, i, 0)),
            pl.BlockSpec((NW, 16), lambda i: (0, 0)),
            pl.BlockSpec((H, H), lambda i: (0, 0)),
            pl.BlockSpec((1, H), lambda i: (0, 0)),
        ],
        out_specs=pl.BlockSpec((BN, H), lambda i: (i, 0)),
        out_shape=jax.ShapeDtypeStruct((N, H), f32),
    )(x, p, zp, Wo.T, bo.reshape(1, H))


def kernel(x, gap_edge_index, Wq, bq, Wk, bk, Wv, bv, Wo, bo):
    src = gap_edge_index[0]
    dst = gap_edge_index[1]
    q, kv = _qkv_call(x, Wq, bq, Wk, bk, Wv, bv)
    p, zp = _edge_call(q, kv, src, dst)
    return _out_call(x, p, zp, Wo, bo)

# --- scband reference (transcript-rebuilt; emitter-appended) ---
"""Pipeline reference for scband-gap-aware-attention-25812753449151 (READ-ONLY COPY).

The authoritative reference and input builder live on the scoring server;
editing this copy changes nothing except your own understanding.
"""

import jax, jax.numpy as jnp
import numpy as np

N = 10000
E = 320000
H = 128
HEADS = 8
HD = H // HEADS


def setup_inputs(seed: int = 0) -> dict:
    key = jax.random.key(seed)
    ks = jax.random.split(key, 12)
    s = 1.0 / np.sqrt(H)
    x = jax.random.normal(ks[0], (N, H), dtype=jnp.float32)
    gap_edge_index = jax.random.randint(ks[1], (2, E), 0, N, dtype=jnp.int32)
    Wq = jax.random.normal(ks[2], (H, H), dtype=jnp.float32) * s
    bq = jax.random.normal(ks[3], (H,), dtype=jnp.float32) * s
    Wk = jax.random.normal(ks[4], (H, H), dtype=jnp.float32) * s
    bk = jax.random.normal(ks[5], (H,), dtype=jnp.float32) * s
    Wv = jax.random.normal(ks[6], (H, H), dtype=jnp.float32) * s
    bv = jax.random.normal(ks[7], (H,), dtype=jnp.float32) * s
    Wo = jax.random.normal(ks[8], (H, H), dtype=jnp.float32) * s
    bo = jax.random.normal(ks[9], (H,), dtype=jnp.float32) * s
    return {"x": x, "gap_edge_index": gap_edge_index, "Wq": Wq, "bq": bq, "Wk": Wk, "bk": bk, "Wv": Wv, "bv": bv, "Wo": Wo, "bo": bo}


def reference(x, gap_edge_index, Wq, bq, Wk, bk, Wv, bv, Wo, bo):
    q = (x @ Wq.T + bq).reshape(-1, HEADS, HD)
    k = (x @ Wk.T + bk).reshape(-1, HEADS, HD)
    v = (x @ Wv.T + bv).reshape(-1, HEADS, HD)
    src = gap_edge_index[0]
    dst = gap_edge_index[1]
    # per-edge, per-head attention scores (gather on q/k)
    attention_scores = (q[dst] * k[src]).sum(axis=-1) / (HD ** 0.5)  # [E, HEADS]
    # faithful to torch: softmax over ALL edges (dim=0)
    attention_weights = jax.nn.softmax(attention_scores, axis=0)  # [E, HEADS]
    # scatter-add of weighted values into destination nodes
    attended = jnp.zeros_like(v).at[dst].add(attention_weights[:, :, None] * v[src])
    attended = attended.reshape(-1, HEADS * HD)
    return x + (attended @ Wo.T + bo)

if __name__ == "__main__":
    import jax
    _d = setup_inputs()
    print(jax.jit(kernel)(*tuple(_d.values())))

</pallas_src>

<mosaic_0001>
#map = affine_map<(d0, d1) -> (0, 0)>
#map1 = affine_map<(d0, d1) -> (0)>
#map2 = affine_map<(d0, d1) -> (0, 0, 0)>
module attributes {stable_mosaic.version = 14 : i64} {
  func.func @_edge_body(%arg0: i32, %arg1: i32, %arg2: memref<10000x128xf32, #tpu.memory_space<hbm>>, %arg3: memref<10000x256xf32, #tpu.memory_space<hbm>>, %arg4: memref<320000xi32, #tpu.memory_space<hbm>>, %arg5: memref<320000xi32, #tpu.memory_space<hbm>>, %arg6: memref<2x10240x128xf32, #tpu.memory_space<hbm>>, %arg7: memref<32x16xf32, #tpu.memory_space<hbm>>, %arg8: memref<40xi32, #tpu.memory_space<vmem>>, %arg9: memref<40xi32, #tpu.memory_space<vmem>>, %arg10: memref<40x128xf32, #tpu.memory_space<vmem>>, %arg11: memref<40x256xf32, #tpu.memory_space<vmem>>, %arg12: memref<40xi32, #tpu.memory_space<vmem>>, %arg13: memref<40xi32, #tpu.memory_space<vmem>>, %arg14: memref<40x128xf32, #tpu.memory_space<vmem>>, %arg15: memref<40x256xf32, #tpu.memory_space<vmem>>, %arg16: memref<20x16xf32, #tpu.memory_space<vmem>>, %arg17: memref<16xf32, #tpu.memory_space<vmem>>, %arg18: memref<10240x128xf32, #tpu.memory_space<vmem_shared>>, %arg19: memref<40xi32, #tpu.memory_space<vmem>>, %arg20: memref<40xi32, #tpu.memory_space<vmem>>, %arg21: memref<40x128xf32, #tpu.memory_space<vmem>>, %arg22: memref<40x128xf32, #tpu.memory_space<vmem>>, %arg23: memref<!tpu.dma_semaphore, #tpu.memory_space<semaphore_mem>>, %arg24: memref<!tpu.dma_semaphore, #tpu.memory_space<semaphore_mem>>, %arg25: memref<!tpu.dma_semaphore, #tpu.memory_space<semaphore_mem>>, %arg26: memref<!tpu.dma_semaphore, #tpu.memory_space<semaphore_mem>>, %arg27: memref<!tpu.dma_semaphore, #tpu.memory_space<semaphore_mem>>, %arg28: memref<!tpu.dma_semaphore, #tpu.memory_space<semaphore_mem>>, %arg29: memref<!tpu.dma_semaphore, #tpu.memory_space<semaphore_mem>>, %arg30: memref<!tpu.dma_semaphore, #tpu.memory_space<semaphore_mem>>, %arg31: memref<!tpu.dma_semaphore, #tpu.memory_space<semaphore_mem>>, %arg32: memref<!tpu.dma_semaphore, #tpu.memory_space<semaphore_mem>>) attributes {dimension_semantics = [#tpu.dimension_semantics<core_parallel>, #tpu.dimension_semantics<subcore_parallel>], iteration_bounds = array<i64: 2, 16>, scalar_prefetch = 0 : i64, scratch_operands = 25 : i64, tpu.core_type = #tpu.core_type<sc_vector_subcore>, window_params = [{transform_indices = #map}, {transform_indices = #map}, {transform_indices = #map1}, {transform_indices = #map1}, {transform_indices = #map2}, {transform_indices = #map}]} {
    %mul3A = arith.constant 2 : i32
    %mul3A_0 = arith.muli %arg1, %mul3A : i32
    %add3A = arith.addi %mul3A_0, %arg0 : i32
    %scan3A = arith.constant 0 : i32
    %scan3A_1 = arith.constant 0 : i32
    %scan3A_2 = arith.constant 40 : i32
    %scan3A_3 = arith.addi %scan3A_1, %scan3A_2 : i32
    %scan3A_4 = arith.constant 1 : i32
    scf.for %scan3A_151 = %scan3A_1 to %scan3A_3 step %scan3A_4  : i32 {
      %broadcast_in_dim3A_152 = arith.constant 0.000000e+00 : f32
      %broadcast_in_dim3A_153 = vector.broadcast %broadcast_in_dim3A_152 : f32 to vector<16xf32>
      %swap3A_154 = arith.index_cast %scan3A_151 : i32 to index
      %swap3A_155 = arith.constant 0 : index
      %swap3A_156 = tpu.vector_load %arg10[%swap3A_154, %swap3A_155] {strides = array<i32>} : memref<40x128xf32, #tpu.memory_space<vmem>>, vector<16xf32>,
      tpu.vector_store %arg10[%swap3A_154, %swap3A_155], %broadcast_in_dim3A_153 {strides = array<i32>} : memref<40x128xf32, #tpu.memory_space<vmem>>, vector<16xf32>,
      %broadcast_in_dim3A_157 = arith.constant 0.000000e+00 : f32
      %broadcast_in_dim3A_158 = vector.broadcast %broadcast_in_dim3A_157 : f32 to vector<16xf32>
      %swap3A_159 = arith.index_cast %scan3A_151 : i32 to index
      %swap3A_160 = arith.constant 16 : index
      %swap3A_161 = tpu.vector_load %arg10[%swap3A_159, %swap3A_160] {strides = array<i32>} : memref<40x128xf32, #tpu.memory_space<vmem>>, vector<16xf32>,
      tpu.vector_store %arg10[%swap3A_159, %swap3A_160], %broadcast_in_dim3A_158 {strides = array<i32>} : memref<40x128xf32, #tpu.memory_space<vmem>>, vector<16xf32>,
      %broadcast_in_dim3A_162 = arith.constant 0.000000e+00 : f32
      %broadcast_in_dim3A_163 = vector.broadcast %broadcast_in_dim3A_162 : f32 to vector<16xf32>
      %swap3A_164 = arith.index_cast %scan3A_151 : i32 to index
      %swap3A_165 = arith.constant 32 : index
      %swap3A_166 = tpu.vector_load %arg10[%swap3A_164, %swap3A_165] {strides = array<i32>} : memref<40x128xf32, #tpu.memory_space<vmem>>, vector<16xf32>,
      tpu.vector_store %arg10[%swap3A_164, %swap3A_165], %broadcast_in_dim3A_163 {strides = array<i32>} : memref<40x128xf32, #tpu.memory_space<vmem>>, vector<16xf32>,
      %broadcast_in_dim3A_167 = arith.constant 0.000000e+00 : f32
      %broadcast_in_dim3A_168 = vector.broadcast %broadcast_in_dim3A_167 : f32 to vector<16xf32>
      %swap3A_169 = arith.index_cast %scan3A_151 : i32 to index
      %swap3A_170 = arith.constant 48 : index
      %swap3A_171 = tpu.vector_load %arg10[%swap3A_169, %swap3A_170] {strides = array<i32>} : memref<40x128xf32, #tpu.memory_space<vmem>>, vector<16xf32>,
      tpu.vector_store %arg10[%swap3A_169, %swap3A_170], %broadcast_in_dim3A_168 {strides = array<i32>} : memref<40x128xf32, #tpu.memory_space<vmem>>, vector<16xf32>,
      %broadcast_in_dim3A_172 = arith.constant 0.000000e+00 : f32
      %broadcast_in_dim3A_173 = vector.broadcast %broadcast_in_dim3A_172 : f32 to vector<16xf32>
      %swap3A_174 = arith.index_cast %scan3A_151 : i32 to index
      %swap3A_175 = arith.constant 64 : index
      %swap3A_176 = tpu.vector_load %arg10[%swap3A_174, %swap3A_175] {strides = array<i32>} : memref<40x128xf32, #tpu.memory_space<vmem>>, vector<16xf32>,
      tpu.vector_store %arg10[%swap3A_174, %swap3A_175], %broadcast_in_dim3A_173 {strides = array<i32>} : memref<40x128xf32, #tpu.memory_space<vmem>>, vector<16xf32>,
      %broadcast_in_dim3A_177 = arith.constant 0.000000e+00 : f32
      %broadcast_in_dim3A_178 = vector.broadcast %broadcast_in_dim3A_177 : f32 to vector<16xf32>
      %swap3A_179 = arith.index_cast %scan3A_151 : i32 to index
      %swap3A_180 = arith.constant 80 : index
      %swap3A_181 = tpu.vector_load %arg10[%swap3A_179, %swap3A_180] {strides = array<i32>} : memref<40x128xf32, #tpu.memory_space<vmem>>, vector<16xf32>,
      tpu.vector_store %arg10[%swap3A_179, %swap3A_180], %broadcast_in_dim3A_178 {strides = array<i32>} : memref<40x128xf32, #tpu.memory_space<vmem>>, vector<16xf32>,
      %broadcast_in_dim3A_182 = arith.constant 0.000000e+00 : f32
      %broadcast_in_dim3A_183 = vector.broadcast %broadcast_in_dim3A_182 : f32 to vector<16xf32>
      %swap3A_184 = arith.index_cast %scan3A_151 : i32 to index
      %swap3A_185 = arith.constant 96 : index
      %swap3A_186 = tpu.vector_load %arg10[%swap3A_184, %swap3A_185] {strides = array<i32>} : memref<40x128xf32, #tpu.memory_space<vmem>>, vector<16xf32>,
      tpu.vector_store %arg10[%swap3A_184, %swap3A_185], %broadcast_in_dim3A_183 {strides = array<i32>} : memref<40x128xf32, #tpu.memory_space<vmem>>, vector<16xf32>,
      %broadcast_in_dim3A_187 = arith.constant 0.000000e+00 : f32
      %broadcast_in_dim3A_188 = vector.broadcast %broadcast_in_dim3A_187 : f32 to vector<16xf32>
      %swap3A_189 = arith.index_cast %scan3A_151 : i32 to index
      %swap3A_190 = arith.constant 112 : index
      %swap3A_191 = tpu.vector_load %arg10[%swap3A_189, %swap3A_190] {strides = array<i32>} : memref<40x128xf32, #tpu.memory_space<vmem>>, vector<16xf32>,
      tpu.vector_store %arg10[%swap3A_189, %swap3A_190], %broadcast_in_dim3A_188 {strides = array<i32>} : memref<40x128xf32, #tpu.memory_space<vmem>>, vector<16xf32>,
    }
    %scan3A_5 = arith.constant 40 : i32
    %mul3A_6 = arith.constant 640 : i32
    %mul3A_7 = arith.muli %arg1, %mul3A_6 : i32
    %add3A_8 = arith.constant 0 : i32
    %add3A_9 = arith.addi %mul3A_7, %add3A_8 : i32
    "tpu.region"() ({
      %run_scoped3A = tpu.sem_alloc : memref<!tpu.dma_semaphore, #tpu.memory_space<semaphore_mem>>
      %dma_start3A_151 = arith.constant 0 : i32
      %dma_start3A_152 = tpu.memref_slice %arg18[%add3A_9, %dma_start3A_151] : memref<10240x128xf32, #tpu.memory_space<vmem_shared>> -> memref<40x128xf32, #tpu.memory_space<vmem_shared>>
      %dma_start3A_153 = arith.constant 0 : i32
      %dma_start3A_154 = tpu.memref_slice %arg18[%add3A_9, %dma_start3A_153] : memref<10240x128xf32, #tpu.memory_space<vmem_shared>> -> memref<40x128xf32, #tpu.memory_space<vmem_shared>>
      tpu.enqueue_dma source(%arg10 : memref<40x128xf32, #tpu.memory_space<vmem>>) target(%dma_start3A_154 : memref<40x128xf32, #tpu.memory_space<vmem_shared>>) target_semaphore(%run_scoped3A : memref<!tpu.dma_semaphore, #tpu.memory_space<semaphore_mem>>)
      %dma_wait3A_155 = arith.constant 0 : i32
      %dma_wait3A_156 = tpu.memref_slice %arg18[%add3A_9, %dma_wait3A_155] : memref<10240x128xf32, #tpu.memory_space<vmem_shared>> -> memref<40x128xf32, #tpu.memory_space<vmem_shared>>
      %dma_wait3A_157 = arith.constant 0 : i32
      %dma_wait3A_158 = tpu.memref_slice %arg18[%add3A_9, %dma_wait3A_157] : memref<10240x128xf32, #tpu.memory_space<vmem_shared>> -> memref<40x128xf32, #tpu.memory_space<vmem_shared>>
      tpu.wait_dma2 semaphore(%run_scoped3A : memref<!tpu.dma_semaphore, #tpu.memory_space<semaphore_mem>>) src(%arg10 : memref<40x128xf32, #tpu.memory_space<vmem>>) dst(%dma_wait3A_158 : memref<40x128xf32, #tpu.memory_space<vmem_shared>>)
      tpu.yield
    }) : () -> ()
    %mul3A_10 = arith.constant 640 : i32
    %mul3A_11 = arith.muli %arg1, %mul3A_10 : i32
    %add3A_12 = arith.constant 40 : i32
    %add3A_13 = arith.addi %mul3A_11, %add3A_12 : i32
    "tpu.region"() ({
      %run_scoped3A = tpu.sem_alloc : memref<!tpu.dma_semaphore, #tpu.memory_space<semaphore_mem>>
      %dma_start3A_151 = arith.constant 0 : i32
      %dma_start3A_152 = tpu.memref_slice %arg18[%add3A_13, %dma_start3A_151] : memref<10240x128xf32, #tpu.memory_space<vmem_shared>> -> memref<40x128xf32, #tpu.memory_space<vmem_shared>>
      %dma_start3A_153 = arith.constant 0 : i32
      %dma_start3A_154 = tpu.memref_slice %arg18[%add3A_13, %dma_start3A_153] : memref<10240x128xf32, #tpu.memory_space<vmem_shared>> -> memref<40x128xf32, #tpu.memory_space<vmem_shared>>
      tpu.enqueue_dma source(%arg10 : memref<40x128xf32, #tpu.memory_space<vmem>>) target(%dma_start3A_154 : memref<40x128xf32, #tpu.memory_space<vmem_shared>>) target_semaphore(%run_scoped3A : memref<!tpu.dma_semaphore, #tpu.memory_space<semaphore_mem>>)
      %dma_wait3A_155 = arith.constant 0 : i32
      %dma_wait3A_156 = tpu.memref_slice %arg18[%add3A_13, %dma_wait3A_155] : memref<10240x128xf32, #tpu.memory_space<vmem_shared>> -> memref<40x128xf32, #tpu.memory_space<vmem_shared>>
      %dma_wait3A_157 = arith.constant 0 : i32
      %dma_wait3A_158 = tpu.memref_slice %arg18[%add3A_13, %dma_wait3A_157] : memref<10240x128xf32, #tpu.memory_space<vmem_shared>> -> memref<40x128xf32, #tpu.memory_space<vmem_shared>>
      tpu.wait_dma2 semaphore(%run_scoped3A : memref<!tpu.dma_semaphore, #tpu.memory_space<semaphore_mem>>) src(%arg10 : memref<40x128xf32, #tpu.memory_space<vmem>>) dst(%dma_wait3A_158 : memref<40x128xf32, #tpu.memory_space<vmem_shared>>)
      tpu.yield
    }) : () -> ()
    %mul3A_14 = arith.constant 640 : i32
    %mul3A_15 = arith.muli %arg1, %mul3A_14 : i32
    %add3A_16 = arith.constant 80 : i32
    %add3A_17 = arith.addi %mul3A_15, %add3A_16 : i32
    "tpu.region"() ({
      %run_scoped3A = tpu.sem_alloc : memref<!tpu.dma_semaphore, #tpu.memory_space<semaphore_mem>>
      %dma_start3A_151 = arith.constant 0 : i32
      %dma_start3A_152 = tpu.memref_slice %arg18[%add3A_17, %dma_start3A_151] : memref<10240x128xf32, #tpu.memory_space<vmem_shared>> -> memref<40x128xf32, #tpu.memory_space<vmem_shared>>
      %dma_start3A_153 = arith.constant 0 : i32
      %dma_start3A_154 = tpu.memref_slice %arg18[%add3A_17, %dma_start3A_153] : memref<10240x128xf32, #tpu.memory_space<vmem_shared>> -> memref<40x128xf32, #tpu.memory_space<vmem_shared>>
      tpu.enqueue_dma source(%arg10 : memref<40x128xf32, #tpu.memory_space<vmem>>) target(%dma_start3A_154 : memref<40x128xf32, #tpu.memory_space<vmem_shared>>) target_semaphore(%run_scoped3A : memref<!tpu.dma_semaphore, #tpu.memory_space<semaphore_mem>>)
      %dma_wait3A_155 = arith.constant 0 : i32
      %dma_wait3A_156 = tpu.memref_slice %arg18[%add3A_17, %dma_wait3A_155] : memref<10240x128xf32, #tpu.memory_space<vmem_shared>> -> memref<40x128xf32, #tpu.memory_space<vmem_shared>>
      %dma_wait3A_157 = arith.constant 0 : i32
      %dma_wait3A_158 = tpu.memref_slice %arg18[%add3A_17, %dma_wait3A_157] : memref<10240x128xf32, #tpu.memory_space<vmem_shared>> -> memref<40x128xf32, #tpu.memory_space<vmem_shared>>
      tpu.wait_dma2 semaphore(%run_scoped3A : memref<!tpu.dma_semaphore, #tpu.memory_space<semaphore_mem>>) src(%arg10 : memref<40x128xf32, #tpu.memory_space<vmem>>) dst(%dma_wait3A_158 : memref<40x128xf32, #tpu.memory_space<vmem_shared>>)
      tpu.yield
    }) : () -> ()
    %mul3A_18 = arith.constant 640 : i32
    %mul3A_19 = arith.muli %arg1, %mul3A_18 : i32
    %add3A_20 = arith.constant 120 : i32
    %add3A_21 = arith.addi %mul3A_19, %add3A_20 : i32
    "tpu.region"() ({
      %run_scoped3A = tpu.sem_alloc : memref<!tpu.dma_semaphore, #tpu.memory_space<semaphore_mem>>
      %dma_start3A_151 = arith.constant 0 : i32
      %dma_start3A_152 = tpu.memref_slice %arg18[%add3A_21, %dma_start3A_151] : memref<10240x128xf32, #tpu.memory_space<vmem_shared>> -> memref<40x128xf32, #tpu.memory_space<vmem_shared>>
      %dma_start3A_153 = arith.constant 0 : i32
      %dma_start3A_154 = tpu.memref_slice %arg18[%add3A_21, %dma_start3A_153] : memref<10240x128xf32, #tpu.memory_space<vmem_shared>> -> memref<40x128xf32, #tpu.memory_space<vmem_shared>>
      tpu.enqueue_dma source(%arg10 : memref<40x128xf32, #tpu.memory_space<vmem>>) target(%dma_start3A_154 : memref<40x128xf32, #tpu.memory_space<vmem_shared>>) target_semaphore(%run_scoped3A : memref<!tpu.dma_semaphore, #tpu.memory_space<semaphore_mem>>)
      %dma_wait3A_155 = arith.constant 0 : i32
      %dma_wait3A_156 = tpu.memref_slice %arg18[%add3A_21, %dma_wait3A_155] : memref<10240x128xf32, #tpu.memory_space<vmem_shared>> -> memref<40x128xf32, #tpu.memory_space<vmem_shared>>
      %dma_wait3A_157 = arith.constant 0 : i32
      %dma_wait3A_158 = tpu.memref_slice %arg18[%add3A_21, %dma_wait3A_157] : memref<10240x128xf32, #tpu.memory_space<vmem_shared>> -> memref<40x128xf32, #tpu.memory_space<vmem_shared>>
      tpu.wait_dma2 semaphore(%run_scoped3A : memref<!tpu.dma_semaphore, #tpu.memory_space<semaphore_mem>>) src(%arg10 : memref<40x128xf32, #tpu.memory_space<vmem>>) dst(%dma_wait3A_158 : memref<40x128xf32, #tpu.memory_space<vmem_shared>>)
      tpu.yield
    }) : () -> ()
    %mul3A_22 = arith.constant 640 : i32
    %mul3A_23 = arith.muli %arg1, %mul3A_22 : i32
    %add3A_24 = arith.constant 160 : i32
    %add3A_25 = arith.addi %mul3A_23, %add3A_24 : i32
    "tpu.region"() ({
      %run_scoped3A = tpu.sem_alloc : memref<!tpu.dma_semaphore, #tpu.memory_space<semaphore_mem>>
      %dma_start3A_151 = arith.constant 0 : i32
      %dma_start3A_152 = tpu.memref_slice %arg18[%add3A_25, %dma_start3A_151] : memref<10240x128xf32, #tpu.memory_space<vmem_shared>> -> memref<40x128xf32, #tpu.memory_space<vmem_shared>>
      %dma_start3A_153 = arith.constant 0 : i32
      %dma_start3A_154 = tpu.memref_slice %arg18[%add3A_25, %dma_start3A_153] : memref<10240x128xf32, #tpu.memory_space<vmem_shared>> -> memref<40x128xf32, #tpu.memory_space<vmem_shared>>
      tpu.enqueue_dma source(%arg10 : memref<40x128xf32, #tpu.memory_space<vmem>>) target(%dma_start3A_154 : memref<40x128xf32, #tpu.memory_space<vmem_shared>>) target_semaphore(%run_scoped3A : memref<!tpu.dma_semaphore, #tpu.memory_space<semaphore_mem>>)
      %dma_wait3A_155 = arith.constant 0 : i32
      %dma_wait3A_156 = tpu.memref_slice %arg18[%add3A_25, %dma_wait3A_155] : memref<10240x128xf32, #tpu.memory_space<vmem_shared>> -> memref<40x128xf32, #tpu.memory_space<vmem_shared>>
      %dma_wait3A_157 = arith.constant 0 : i32
      %dma_wait3A_158 = tpu.memref_slice %arg18[%add3A_25, %dma_wait3A_157] : memref<10240x128xf32, #tpu.memory_space<vmem_shared>> -> memref<40x128xf32, #tpu.memory_space<vmem_shared>>
      tpu.wait_dma2 semaphore(%run_scoped3A : memref<!tpu.dma_semaphore, #tpu.memory_space<semaphore_mem>>) src(%arg10 : memref<40x128xf32, #tpu.memory_space<vmem>>) dst(%dma_wait3A_158 : memref<40x128xf32, #tpu.memory_space<vmem_shared>>)
      tpu.yield
    }) : () -> ()
    %mul3A_26 = arith.constant 640 : i32
    %mul3A_27 = arith.muli %arg1, %mul3A_26 : i32
    %add3A_28 = arith.constant 200 : i32
    %add3A_29 = arith.addi %mul3A_27, %add3A_28 : i32
    "tpu.region"() ({
      %run_scoped3A = tpu.sem_alloc : memref<!tpu.dma_semaphore, #tpu.memory_space<semaphore_mem>>
      %dma_start3A_151 = arith.constant 0 : i32
      %dma_start3A_152 = tpu.memref_slice %arg18[%add3A_29, %dma_start3A_151] : memref<10240x128xf32, #tpu.memory_space<vmem_shared>> -> memref<40x128xf32, #tpu.memory_space<vmem_shared>>
      %dma_start3A_153 = arith.constant 0 : i32
      %dma_start3A_154 = tpu.memref_slice %arg18[%add3A_29, %dma_start3A_153] : memref<10240x128xf32, #tpu.memory_space<vmem_shared>> -> memref<40x128xf32, #tpu.memory_space<vmem_shared>>
      tpu.enqueue_dma source(%arg10 : memref<40x128xf32, #tpu.memory_space<vmem>>) target(%dma_start3A_154 : memref<40x128xf32, #tpu.memory_space<vmem_shared>>) target_semaphore(%run_scoped3A : memref<!tpu.dma_semaphore, #tpu.memory_space<semaphore_mem>>)
      %dma_wait3A_155 = arith.constant 0 : i32
      %dma_wait3A_156 = tpu.memref_slice %arg18[%add3A_29, %dma_wait3A_155] : memref<10240x128xf32, #tpu.memory_space<vmem_shared>> -> memref<40x128xf32, #tpu.memory_space<vmem_shared>>
      %dma_wait3A_157 = arith.constant 0 : i32
      %dma_wait3A_158 = tpu.memref_slice %arg18[%add3A_29, %dma_wait3A_157] : memref<10240x128xf32, #tpu.memory_space<vmem_shared>> -> memref<40x128xf32, #tpu.memory_space<vmem_shared>>
      tpu.wait_dma2 semaphore(%run_scoped3A : memref<!tpu.dma_semaphore, #tpu.memory_space<semaphore_mem>>) src(%arg10 : memref<40x128xf32, #tpu.memory_space<vmem>>) dst(%dma_wait3A_158 : memref<40x128xf32, #tpu.memory_space<vmem_shared>>)
      tpu.yield
    }) : () -> ()
    %mul3A_30 = arith.constant 640 : i32
    %mul3A_31 = arith.muli %arg1, %mul3A_30 : i32
    %add3A_32 = arith.constant 240 : i32
    %add3A_33 = arith.addi %mul3A_31, %add3A_32 : i32
    "tpu.region"() ({
      %run_scoped3A = tpu.sem_alloc : memref<!tpu.dma_semaphore, #tpu.memory_space<semaphore_mem>>
      %dma_start3A_151 = arith.constant 0 : i32
      %dma_start3A_152 = tpu.memref_slice %arg18[%add3A_33, %dma_start3A_151] : memref<10240x128xf32, #tpu.memory_space<vmem_shared>> -> memref<40x128xf32, #tpu.memory_space<vmem_shared>>
      %dma_start3A_153 = arith.constant 0 : i32
      %dma_start3A_154 = tpu.memref_slice %arg18[%add3A_33, %dma_start3A_153] : memref<10240x128xf32, #tpu.memory_space<vmem_shared>> -> memref<40x128xf32, #tpu.memory_space<vmem_shared>>
      tpu.enqueue_dma source(%arg10 : memref<40x128xf32, #tpu.memory_space<vmem>>) target(%dma_start3A_154 : memref<40x128xf32, #tpu.memory_space<vmem_shared>>) target_semaphore(%run_scoped3A : memref<!tpu.dma_semaphore, #tpu.memory_space<semaphore_mem>>)
      %dma_wait3A_155 = arith.constant 0 : i32
      %dma_wait3A_156 = tpu.memref_slice %arg18[%add3A_33, %dma_wait3A_155] : memref<10240x128xf32, #tpu.memory_space<vmem_shared>> -> memref<40x128xf32, #tpu.memory_space<vmem_shared>>
      %dma_wait3A_157 = arith.constant 0 : i32
      %dma_wait3A_158 = tpu.memref_slice %arg18[%add3A_33, %dma_wait3A_157] : memref<10240x128xf32, #tpu.memory_space<vmem_shared>> -> memref<40x128xf32, #tpu.memory_space<vmem_shared>>
      tpu.wait_dma2 semaphore(%run_scoped3A : memref<!tpu.dma_semaphore, #tpu.memory_space<semaphore_mem>>) src(%arg10 : memref<40x128xf32, #tpu.memory_space<vmem>>) dst(%dma_wait3A_158 : memref<40x128xf32, #tpu.memory_space<vmem_shared>>)
      tpu.yield
    }) : () -> ()
    %mul3A_34 = arith.constant 640 : i32
    %mul3A_35 = arith.muli %arg1, %mul3A_34 : i32
    %add3A_36 = arith.constant 280 : i32
    %add3A_37 = arith.addi %mul3A_35, %add3A_36 : i32
    "tpu.region"() ({
      %run_scoped3A = tpu.sem_alloc : memref<!tpu.dma_semaphore, #tpu.memory_space<semaphore_mem>>
      %dma_start3A_151 = arith.constant 0 : i32
      %dma_start3A_152 = tpu.memref_slice %arg18[%add3A_37, %dma_start3A_151] : memref<10240x128xf32, #tpu.memory_space<vmem_shared>> -> memref<40x128xf32, #tpu.memory_space<vmem_shared>>
      %dma_start3A_153 = arith.constant 0 : i32
      %dma_start3A_154 = tpu.memref_slice %arg18[%add3A_37, %dma_start3A_153] : memref<10240x128xf32, #tpu.memory_space<vmem_shared>> -> memref<40x128xf32, #tpu.memory_space<vmem_shared>>
      tpu.enqueue_dma source(%arg10 : memref<40x128xf32, #tpu.memory_space<vmem>>) target(%dma_start3A_154 : memref<40x128xf32, #tpu.memory_space<vmem_shared>>) target_semaphore(%run_scoped3A : memref<!tpu.dma_semaphore, #tpu.memory_space<semaphore_mem>>)
      %dma_wait3A_155 = arith.constant 0 : i32
      %dma_wait3A_156 = tpu.memref_slice %arg18[%add3A_37, %dma_wait3A_155] : memref<10240x128xf32, #tpu.memory_space<vmem_shared>> -> memref<40x128xf32, #tpu.memory_space<vmem_shared>>
      %dma_wait3A_157 = arith.constant 0 : i32
      %dma_wait3A_158 = tpu.memref_slice %arg18[%add3A_37, %dma_wait3A_157] : memref<10240x128xf32, #tpu.memory_space<vmem_shared>> -> memref<40x128xf32, #tpu.memory_space<vmem_shared>>
      tpu.wait_dma2 semaphore(%run_scoped3A : memref<!tpu.dma_semaphore, #tpu.memory_space<semaphore_mem>>) src(%arg10 : memref<40x128xf32, #tpu.memory_space<vmem>>) dst(%dma_wait3A_158 : memref<40x128xf32, #tpu.memory_space<vmem_shared>>)
      tpu.yield
    }) : () -> ()
    %mul3A_38 = arith.constant 640 : i32
    %mul3A_39 = arith.muli %arg1, %mul3A_38 : i32
    %add3A_40 = arith.constant 320 : i32
    %add3A_41 = arith.addi %mul3A_39, %add3A_40 : i32
    "tpu.region"() ({
      %run_scoped3A = tpu.sem_alloc : memref<!tpu.dma_semaphore, #tpu.memory_space<semaphore_mem>>
      %dma_start3A_151 = arith.constant 0 : i32
      %dma_start3A_152 = tpu.memref_slice %arg18[%add3A_41, %dma_start3A_151] : memref<10240x128xf32, #tpu.memory_space<vmem_shared>> -> memref<40x128xf32, #tpu.memory_space<vmem_shared>>
      %dma_start3A_153 = arith.constant 0 : i32
      %dma_start3A_154 = tpu.memref_slice %arg18[%add3A_41, %dma_start3A_153] : memref<10240x128xf32, #tpu.memory_space<vmem_shared>> -> memref<40x128xf32, #tpu.memory_space<vmem_shared>>
      tpu.enqueue_dma source(%arg10 : memref<40x128xf32, #tpu.memory_space<vmem>>) target(%dma_start3A_154 : memref<40x128xf32, #tpu.memory_space<vmem_shared>>) target_semaphore(%run_scoped3A : memref<!tpu.dma_semaphore, #tpu.memory_space<semaphore_mem>>)
      %dma_wait3A_155 = arith.constant 0 : i32
      %dma_wait3A_156 = tpu.memref_slice %arg18[%add3A_41, %dma_wait3A_155] : memref<10240x128xf32, #tpu.memory_space<vmem_shared>> -> memref<40x128xf32, #tpu.memory_space<vmem_shared>>
      %dma_wait3A_157 = arith.constant 0 : i32
      %dma_wait3A_158 = tpu.memref_slice %arg18[%add3A_41, %dma_wait3A_157] : memref<10240x128xf32, #tpu.memory_space<vmem_shared>> -> memref<40x128xf32, #tpu.memory_space<vmem_shared>>
      tpu.wait_dma2 semaphore(%run_scoped3A : memref<!tpu.dma_semaphore, #tpu.memory_space<semaphore_mem>>) src(%arg10 : memref<40x128xf32, #tpu.memory_space<vmem>>) dst(%dma_wait3A_158 : memref<40x128xf32, #tpu.memory_space<vmem_shared>>)
      tpu.yield
    }) : () -> ()
    %mul3A_42 = arith.constant 640 : i32
    %mul3A_43 = arith.muli %arg1, %mul3A_42 : i32
    %add3A_44 = arith.constant 360 : i32
    %add3A_45 = arith.addi %mul3A_43, %add3A_44 : i32
    "tpu.region"() ({
      %run_scoped3A = tpu.sem_alloc : memref<!tpu.dma_semaphore, #tpu.memory_space<semaphore_mem>>
      %dma_start3A_151 = arith.constant 0 : i32
      %dma_start3A_152 = tpu.memref_slice %arg18[%add3A_45, %dma_start3A_151] : memref<10240x128xf32, #tpu.memory_space<vmem_shared>> -> memref<40x128xf32, #tpu.memory_space<vmem_shared>>
      %dma_start3A_153 = arith.constant 0 : i32
      %dma_start3A_154 = tpu.memref_slice %arg18[%add3A_45, %dma_start3A_153] : memref<10240x128xf32, #tpu.memory_space<vmem_shared>> -> memref<40x128xf32, #tpu.memory_space<vmem_shared>>
      tpu.enqueue_dma source(%arg10 : memref<40x128xf32, #tpu.memory_space<vmem>>) target(%dma_start3A_154 : memref<40x128xf32, #tpu.memory_space<vmem_shared>>) target_semaphore(%run_scoped3A : memref<!tpu.dma_semaphore, #tpu.memory_space<semaphore_mem>>)
      %dma_wait3A_155 = arith.constant 0 : i32
      %dma_wait3A_156 = tpu.memref_slice %arg18[%add3A_45, %dma_wait3A_155] : memref<10240x128xf32, #tpu.memory_space<vmem_shared>> -> memref<40x128xf32, #tpu.memory_space<vmem_shared>>
      %dma_wait3A_157 = arith.constant 0 : i32
      %dma_wait3A_158 = tpu.memref_slice %arg18[%add3A_45, %dma_wait3A_157] : memref<10240x128xf32, #tpu.memory_space<vmem_shared>> -> memref<40x128xf32, #tpu.memory_space<vmem_shared>>
      tpu.wait_dma2 semaphore(%run_scoped3A : memref<!tpu.dma_semaphore, #tpu.memory_space<semaphore_mem>>) src(%arg10 : memref<40x128xf32, #tpu.memory_space<vmem>>) dst(%dma_wait3A_158 : memref<40x128xf32, #tpu.memory_space<vmem_shared>>)
      tpu.yield
    }) : () -> ()
    %mul3A_46 = arith.constant 640 : i32
    %mul3A_47 = arith.muli %arg1, %mul3A_46 : i32
    %add3A_48 = arith.constant 400 : i32
    %add3A_49 = arith.addi %mul3A_47, %add3A_48 : i32
    "tpu.region"() ({
      %run_scoped3A = tpu.sem_alloc : memref<!tpu.dma_semaphore, #tpu.memory_space<semaphore_mem>>
      %dma_start3A_151 = arith.constant 0 : i32
      %dma_start3A_152 = tpu.memref_slice %arg18[%add3A_49, %dma_start3A_151] : memref<10240x128xf32, #tpu.memory_space<vmem_shared>> -> memref<40x128xf32, #tpu.memory_space<vmem_shared>>
      %dma_start3A_153 = arith.constant 0 : i32
      %dma_start3A_154 = tpu.memref_slice %arg18[%add3A_49, %dma_start3A_153] : memref<10240x128xf32, #tpu.memory_space<vmem_shared>> -> memref<40x128xf32, #tpu.memory_space<vmem_shared>>
      tpu.enqueue_dma source(%arg10 : memref<40x128xf32, #tpu.memory_space<vmem>>) target(%dma_start3A_154 : memref<40x128xf32, #tpu.memory_space<vmem_shared>>) target_semaphore(%run_scoped3A : memref<!tpu.dma_semaphore, #tpu.memory_space<semaphore_mem>>)
      %dma_wait3A_155 = arith.constant 0 : i32
      %dma_wait3A_156 = tpu.memref_slice %arg18[%add3A_49, %dma_wait3A_155] : memref<10240x128xf32, #tpu.memory_space<vmem_shared>> -> memref<40x128xf32, #tpu.memory_space<vmem_shared>>
      %dma_wait3A_157 = arith.constant 0 : i32
      %dma_wait3A_158 = tpu.memref_slice %arg18[%add3A_49, %dma_wait3A_157] : memref<10240x128xf32, #tpu.memory_space<vmem_shared>> -> memref<40x128xf32, #tpu.memory_space<vmem_shared>>
      tpu.wait_dma2 semaphore(%run_scoped3A : memref<!tpu.dma_semaphore, #tpu.memory_space<semaphore_mem>>) src(%arg10 : memref<40x128xf32, #tpu.memory_space<vmem>>) dst(%dma_wait3A_158 : memref<40x128xf32, #tpu.memory_space<vmem_shared>>)
      tpu.yield
    }) : () -> ()
    %mul3A_50 = arith.constant 640 : i32
    %mul3A_51 = arith.muli %arg1, %mul3A_50 : i32
    %add3A_52 = arith.constant 440 : i32
    %add3A_53 = arith.addi %mul3A_51, %add3A_52 : i32
    "tpu.region"() ({
      %run_scoped3A = tpu.sem_alloc : memref<!tpu.dma_semaphore, #tpu.memory_space<semaphore_mem>>
      %dma_start3A_151 = arith.constant 0 : i32
      %dma_start3A_152 = tpu.memref_slice %arg18[%add3A_53, %dma_start3A_151] : memref<10240x128xf32, #tpu.memory_space<vmem_shared>> -> memref<40x128xf32, #tpu.memory_space<vmem_shared>>
      %dma_start3A_153 = arith.constant 0 : i32
      %dma_start3A_154 = tpu.memref_slice %arg18[%add3A_53, %dma_start3A_153] : memref<10240x128xf32, #tpu.memory_space<vmem_shared>> -> memref<40x128xf32, #tpu.memory_space<vmem_shared>>
      tpu.enqueue_dma source(%arg10 : memref<40x128xf32, #tpu.memory_space<vmem>>) target(%dma_start3A_154 : memref<40x128xf32, #tpu.memory_space<vmem_shared>>) target_semaphore(%run_scoped3A : memref<!tpu.dma_semaphore, #tpu.memory_space<semaphore_mem>>)
      %dma_wait3A_155 = arith.constant 0 : i32
      %dma_wait3A_156 = tpu.memref_slice %arg18[%add3A_53, %dma_wait3A_155] : memref<10240x128xf32, #tpu.memory_space<vmem_shared>> -> memref<40x128xf32, #tpu.memory_space<vmem_shared>>
      %dma_wait3A_157 = arith.constant 0 : i32
      %dma_wait3A_158 = tpu.memref_slice %arg18[%add3A_53, %dma_wait3A_157] : memref<10240x128xf32, #tpu.memory_space<vmem_shared>> -> memref<40x128xf32, #tpu.memory_space<vmem_shared>>
      tpu.wait_dma2 semaphore(%run_scoped3A : memref<!tpu.dma_semaphore, #tpu.memory_space<semaphore_mem>>) src(%arg10 : memref<40x128xf32, #tpu.memory_space<vmem>>) dst(%dma_wait3A_158 : memref<40x128xf32, #tpu.memory_space<vmem_shared>>)
      tpu.yield
    }) : () -> ()
    %mul3A_54 = arith.constant 640 : i32
    %mul3A_55 = arith.muli %arg1, %mul3A_54 : i32
    %add3A_56 = arith.constant 480 : i32
    %add3A_57 = arith.addi %mul3A_55, %add3A_56 : i32
    "tpu.region"() ({
      %run_scoped3A = tpu.sem_alloc : memref<!tpu.dma_semaphore, #tpu.memory_space<semaphore_mem>>
      %dma_start3A_151 = arith.constant 0 : i32
      %dma_start3A_152 = tpu.memref_slice %arg18[%add3A_57, %dma_start3A_151] : memref<10240x128xf32, #tpu.memory_space<vmem_shared>> -> memref<40x128xf32, #tpu.memory_space<vmem_shared>>
      %dma_start3A_153 = arith.constant 0 : i32
      %dma_start3A_154 = tpu.memref_slice %arg18[%add3A_57, %dma_start3A_153] : memref<10240x128xf32, #tpu.memory_space<vmem_shared>> -> memref<40x128xf32, #tpu.memory_space<vmem_shared>>
      tpu.enqueue_dma source(%arg10 : memref<40x128xf32, #tpu.memory_space<vmem>>) target(%dma_start3A_154 : memref<40x128xf32, #tpu.memory_space<vmem_shared>>) target_semaphore(%run_scoped3A : memref<!tpu.dma_semaphore, #tpu.memory_space<semaphore_mem>>)
      %dma_wait3A_155 = arith.constant 0 : i32
      %dma_wait3A_156 = tpu.memref_slice %arg18[%add3A_57, %dma_wait3A_155] : memref<10240x128xf32, #tpu.memory_space<vmem_shared>> -> memref<40x128xf32, #tpu.memory_space<vmem_shared>>
      %dma_wait3A_157 = arith.constant 0 : i32
      %dma_wait3A_158 = tpu.memref_slice %arg18[%add3A_57, %dma_wait3A_157] : memref<10240x128xf32, #tpu.memory_space<vmem_shared>> -> memref<40x128xf32, #tpu.memory_space<vmem_shared>>
      tpu.wait_dma2 semaphore(%run_scoped3A : memref<!tpu.dma_semaphore, #tpu.memory_space<semaphore_mem>>) src(%arg10 : memref<40x128xf32, #tpu.memory_space<vmem>>) dst(%dma_wait3A_158 : memref<40x128xf32, #tpu.memory_space<vmem_shared>>)
      tpu.yield
    }) : () -> ()
    %mul3A_58 = arith.constant 640 : i32
    %mul3A_59 = arith.muli %arg1, %mul3A_58 : i32
    %add3A_60 = arith.constant 520 : i32
    %add3A_61 = arith.addi %mul3A_59, %add3A_60 : i32
    "tpu.region"() ({
      %run_scoped3A = tpu.sem_alloc : memref<!tpu.dma_semaphore, #tpu.memory_space<semaphore_mem>>
      %dma_start3A_151 = arith.constant 0 : i32
      %dma_start3A_152 = tpu.memref_slice %arg18[%add3A_61, %dma_start3A_151] : memref<10240x128xf32, #tpu.memory_space<vmem_shared>> -> memref<40x128xf32, #tpu.memory_space<vmem_shared>>
      %dma_start3A_153 = arith.constant 0 : i32
      %dma_start3A_154 = tpu.memref_slice %arg18[%add3A_61, %dma_start3A_153] : memref<10240x128xf32, #tpu.memory_space<vmem_shared>> -> memref<40x128xf32, #tpu.memory_space<vmem_shared>>
      tpu.enqueue_dma source(%arg10 : memref<40x128xf32, #tpu.memory_space<vmem>>) target(%dma_start3A_154 : memref<40x128xf32, #tpu.memory_space<vmem_shared>>) target_semaphore(%run_scoped3A : memref<!tpu.dma_semaphore, #tpu.memory_space<semaphore_mem>>)
      %dma_wait3A_155 = arith.constant 0 : i32
      %dma_wait3A_156 = tpu.memref_slice %arg18[%add3A_61, %dma_wait3A_155] : memref<10240x128xf32, #tpu.memory_space<vmem_shared>> -> memref<40x128xf32, #tpu.memory_space<vmem_shared>>
      %dma_wait3A_157 = arith.constant 0 : i32
      %dma_wait3A_158 = tpu.memref_slice %arg18[%add3A_61, %dma_wait3A_157] : memref<10240x128xf32, #tpu.memory_space<vmem_shared>> -> memref<40x128xf32, #tpu.memory_space<vmem_shared>>
      tpu.wait_dma2 semaphore(%run_scoped3A : memref<!tpu.dma_semaphore, #tpu.memory_space<semaphore_mem>>) src(%arg10 : memref<40x128xf32, #tpu.memory_space<vmem>>) dst(%dma_wait3A_158 : memref<40x128xf32, #tpu.memory_space<vmem_shared>>)
      tpu.yield
    }) : () -> ()
    %mul3A_62 = arith.constant 640 : i32
    %mul3A_63 = arith.muli %arg1, %mul3A_62 : i32
    %add3A_64 = arith.constant 560 : i32
    %add3A_65 = arith.addi %mul3A_63, %add3A_64 : i32
    "tpu.region"() ({
      %run_scoped3A = tpu.sem_alloc : memref<!tpu.dma_semaphore, #tpu.memory_space<semaphore_mem>>
      %dma_start3A_151 = arith.constant 0 : i32
      %dma_start3A_152 = tpu.memref_slice %arg18[%add3A_65, %dma_start3A_151] : memref<10240x128xf32, #tpu.memory_space<vmem_shared>> -> memref<40x128xf32, #tpu.memory_space<vmem_shared>>
      %dma_start3A_153 = arith.constant 0 : i32
      %dma_start3A_154 = tpu.memref_slice %arg18[%add3A_65, %dma_start3A_153] : memref<10240x128xf32, #tpu.memory_space<vmem_shared>> -> memref<40x128xf32, #tpu.memory_space<vmem_shared>>
      tpu.enqueue_dma source(%arg10 : memref<40x128xf32, #tpu.memory_space<vmem>>) target(%dma_start3A_154 : memref<40x128xf32, #tpu.memory_space<vmem_shared>>) target_semaphore(%run_scoped3A : memref<!tpu.dma_semaphore, #tpu.memory_space<semaphore_mem>>)
      %dma_wait3A_155 = arith.constant 0 : i32
      %dma_wait3A_156 = tpu.memref_slice %arg18[%add3A_65, %dma_wait3A_155] : memref<10240x128xf32, #tpu.memory_space<vmem_shared>> -> memref<40x128xf32, #tpu.memory_space<vmem_shared>>
      %dma_wait3A_157 = arith.constant 0 : i32
      %dma_wait3A_158 = tpu.memref_slice %arg18[%add3A_65, %dma_wait3A_157] : memref<10240x128xf32, #tpu.memory_space<vmem_shared>> -> memref<40x128xf32, #tpu.memory_space<vmem_shared>>
      tpu.wait_dma2 semaphore(%run_scoped3A : memref<!tpu.dma_semaphore, #tpu.memory_space<semaphore_mem>>) src(%arg10 : memref<40x128xf32, #tpu.memory_space<vmem>>) dst(%dma_wait3A_158 : memref<40x128xf32, #tpu.memory_space<vmem_shared>>)
      tpu.yield
    }) : () -> ()
    %mul3A_66 = arith.constant 640 : i32
    %mul3A_67 = arith.muli %arg1, %mul3A_66 : i32
    %add3A_68 = arith.constant 600 : i32
    %add3A_69 = arith.addi %mul3A_67, %add3A_68 : i32
    "tpu.region"() ({
      %run_scoped3A = tpu.sem_alloc : memref<!tpu.dma_semaphore, #tpu.memory_space<semaphore_mem>>
      %dma_start3A_151 = arith.constant 0 : i32
      %dma_start3A_152 = tpu.memref_slice %arg18[%add3A_69, %dma_start3A_151] : memref<10240x128xf32, #tpu.memory_space<vmem_shared>> -> memref<40x128xf32, #tpu.memory_space<vmem_shared>>
      %dma_start3A_153 = arith.constant 0 : i32
      %dma_start3A_154 = tpu.memref_slice %arg18[%add3A_69, %dma_start3A_153] : memref<10240x128xf32, #tpu.memory_space<vmem_shared>> -> memref<40x128xf32, #tpu.memory_space<vmem_shared>>
      tpu.enqueue_dma source(%arg10 : memref<40x128xf32, #tpu.memory_space<vmem>>) target(%dma_start3A_154 : memref<40x128xf32, #tpu.memory_space<vmem_shared>>) target_semaphore(%run_scoped3A : memref<!tpu.dma_semaphore, #tpu.memory_space<semaphore_mem>>)
      %dma_wait3A_155 = arith.constant 0 : i32
      %dma_wait3A_156 = tpu.memref_slice %arg18[%add3A_69, %dma_wait3A_155] : memref<10240x128xf32, #tpu.memory_space<vmem_shared>> -> memref<40x128xf32, #tpu.memory_space<vmem_shared>>
      %dma_wait3A_157 = arith.constant 0 : i32
      %dma_wait3A_158 = tpu.memref_slice %arg18[%add3A_69, %dma_wait3A_157] : memref<10240x128xf32, #tpu.memory_space<vmem_shared>> -> memref<40x128xf32, #tpu.memory_space<vmem_shared>>
      tpu.wait_dma2 semaphore(%run_scoped3A : memref<!tpu.dma_semaphore, #tpu.memory_space<semaphore_mem>>) src(%arg10 : memref<40x128xf32, #tpu.memory_space<vmem>>) dst(%dma_wait3A_158 : memref<40x128xf32, #tpu.memory_space<vmem_shared>>)
      tpu.yield
    }) : () -> ()
    %barrier3A = arith.constant 0 : index
    tpu.barrier barrier_id(%barrier3A)
    %iota3A = tpu.iota {dimensions = array<i32: 0>} : vector<16xi32>
    %shift_right_logical3A = arith.constant 3 : i32
    %shift_right_logical3A_70 = vector.broadcast %shift_right_logical3A : i32 to vector<16xi32>
    %shift_right_logical3A_71 = arith.shrui %iota3A, %shift_right_logical3A_70 : vector<16xi32>
    %and3A = arith.constant 7 : i32
    %and3A_72 = vector.broadcast %and3A : i32 to vector<16xi32>
    %and3A_73 = arith.andi %iota3A, %and3A_72 : vector<16xi32>
    %mul3A_74 = arith.constant 16 : i32
    %mul3A_75 = vector.broadcast %mul3A_74 : i32 to vector<16xi32>
    %mul3A_76 = arith.muli %and3A_73, %mul3A_75 : vector<16xi32>
    %mul3A_77 = arith.constant 10000 : i32
    %mul3A_78 = arith.muli %add3A, %mul3A_77 : i32
    %add3A_79 = arith.constant 0 : i32
    %add3A_80 = arith.addi %mul3A_78, %add3A_79 : i32
    %dma_start3A = tpu.memref_slice %arg4[%add3A_80] : memref<320000xi32, #tpu.memory_space<hbm>> -> memref<40xi32, #tpu.memory_space<hbm>>
    %dma_start3A_81 = tpu.memref_slice %arg4[%add3A_80] : memref<320000xi32, #tpu.memory_space<hbm>> -> memref<40xi32, #tpu.memory_space<hbm>>
    tpu.enqueue_dma source(%dma_start3A_81 : memref<40xi32, #tpu.memory_space<hbm>>) target(%arg8 : memref<40xi32, #tpu.memory_space<vmem>>) target_semaphore(%arg27 : memref<!tpu.dma_semaphore, #tpu.memory_space<semaphore_mem>>)
    %dma_start3A_82 = tpu.memref_slice %arg5[%add3A_80] : memref<320000xi32, #tpu.memory_space<hbm>> -> memref<40xi32, #tpu.memory_space<hbm>>
    %dma_start3A_83 = tpu.memref_slice %arg5[%add3A_80] : memref<320000xi32, #tpu.memory_space<hbm>> -> memref<40xi32, #tpu.memory_space<hbm>>
    tpu.enqueue_dma source(%dma_start3A_83 : memref<40xi32, #tpu.memory_space<hbm>>) target(%arg9 : memref<40xi32, #tpu.memory_space<vmem>>) target_semaphore(%arg27 : memref<!tpu.dma_semaphore, #tpu.memory_space<semaphore_mem>>)
    %mul3A_84 = arith.constant 10000 : i32
    %mul3A_85 = arith.muli %add3A, %mul3A_84 : i32
    %add3A_86 = arith.constant 0 : i32
    %add3A_87 = arith.addi %mul3A_85, %add3A_86 : i32
    %dma_wait3A = tpu.memref_slice %arg4[%add3A_87] : memref<320000xi32, #tpu.memory_space<hbm>> -> memref<40xi32, #tpu.memory_space<hbm>>
    %dma_wait3A_88 = tpu.memref_slice %arg4[%add3A_87] : memref<320000xi32, #tpu.memory_space<hbm>> -> memref<40xi32, #tpu.memory_space<hbm>>
    tpu.wait_dma2 semaphore(%arg27 : memref<!tpu.dma_semaphore, #tpu.memory_space<semaphore_mem>>) src(%dma_wait3A_88 : memref<40xi32, #tpu.memory_space<hbm>>) dst(%arg8 : memref<40xi32, #tpu.memory_space<vmem>>)
    %dma_wait3A_89 = tpu.memref_slice %arg5[%add3A_87] : memref<320000xi32, #tpu.memory_space<hbm>> -> memref<40xi32, #tpu.memory_space<hbm>>
    %dma_wait3A_90 = tpu.memref_slice %arg5[%add3A_87] : memref<320000xi32, #tpu.memory_space<hbm>> -> memref<40xi32, #tpu.memory_space<hbm>>
    tpu.wait_dma2 semaphore(%arg27 : memref<!tpu.dma_semaphore, #tpu.memory_space<semaphore_mem>>) src(%dma_wait3A_90 : memref<40xi32, #tpu.memory_space<hbm>>) dst(%arg9 : memref<40xi32, #tpu.memory_space<vmem>>)
    %mul3A_91 = arith.constant 10000 : i32
    %mul3A_92 = arith.muli %add3A, %mul3A_91 : i32
    %add3A_93 = arith.constant 0 : i32
    %add3A_94 = arith.addi %mul3A_92, %add3A_93 : i32
    %dma_start3A_95 = arith.constant 0 : i32
    %dma_start3A_96 = arith.constant 0 : i32
    %dma_start3A_97 = tpu.memref_slice %arg2[%dma_start3A_95, %dma_start3A_96] : memref<10000x128xf32, #tpu.memory_space<hbm>> -> memref<10000x128xf32, #tpu.memory_space<hbm>>
    tpu.enqueue_indirect_dma source(%dma_start3A_97 : memref<10000x128xf32, #tpu.memory_space<hbm>>) target(%arg10 : memref<40x128xf32, #tpu.memory_space<vmem>>) offsets(%arg9 : memref<40xi32, #tpu.memory_space<vmem>>) semaphore(%arg23 : memref<!tpu.dma_semaphore, #tpu.memory_space<semaphore_mem>>)
    %dma_start3A_98 = arith.constant 0 : i32
    %dma_start3A_99 = arith.constant 0 : i32
    %dma_start3A_100 = tpu.memref_slice %arg3[%dma_start3A_98, %dma_start3A_99] : memref<10000x256xf32, #tpu.memory_space<hbm>> -> memref<10000x256xf32, #tpu.memory_space<hbm>>
    tpu.enqueue_indirect_dma source(%dma_start3A_100 : memref<10000x256xf32, #tpu.memory_space<hbm>>) target(%arg11 : memref<40x256xf32, #tpu.memory_space<vmem>>) offsets(%arg8 : memref<40xi32, #tpu.memory_space<vmem>>) semaphore(%arg24 : memref<!tpu.dma_semaphore, #tpu.memory_space<semaphore_mem>>)
    %not3A = arith.constant true
    %not3A_101 = arith.constant true
    %not3A_102 = arith.xori %not3A, %not3A_101 : i1
    %convert_element_type3A = arith.extui %not3A_102 : i1 to i32
    %cond3A = arith.constant 0 : i32
    %cond3A_103 = arith.cmpi ne, %convert_element_type3A, %cond3A : i32
    scf.if %cond3A_103 {
      %dma_wait3A_151 = arith.constant 0 : i32
      %dma_wait3A_152 = arith.constant 0 : i32
      %dma_wait3A_153 = tpu.memref_slice %arg18[%dma_wait3A_151, %dma_wait3A_152] : memref<10240x128xf32, #tpu.memory_space<vmem_shared>> -> memref<10240x128xf32, #tpu.memory_space<vmem_shared>>
      tpu.wait_indirect_dma semaphore(%arg31 : memref<!tpu.dma_semaphore, #tpu.memory_space<semaphore_mem>>) src(%arg21 : memref<40x128xf32, #tpu.memory_space<vmem>>) dst(%dma_wait3A_153 : memref<10240x128xf32, #tpu.memory_space<vmem_shared>>)
    } else {
    }
    %dma_start3A_104 = tpu.memref_slice %arg5[%add3A_94] : memref<320000xi32, #tpu.memory_space<hbm>> -> memref<40xi32, #tpu.memory_space<hbm>>
    %dma_start3A_105 = tpu.memref_slice %arg5[%add3A_94] : memref<320000xi32, #tpu.memory_space<hbm>> -> memref<40xi32, #tpu.memory_space<hbm>>
    tpu.enqueue_dma source(%dma_start3A_105 : memref<40xi32, #tpu.memory_space<hbm>>) target(%arg19 : memref<40xi32, #tpu.memory_space<vmem>>) target_semaphore(%arg29 : memref<!tpu.dma_semaphore, #tpu.memory_space<semaphore_mem>>)
    %mul3A_106 = arith.constant 10000 : i32
    %mul3A_107 = arith.muli %add3A, %mul3A_106 : i32
    %add3A_108 = arith.constant 40 : i32
    %add3A_109 = arith.addi %mul3A_107, %add3A_108 : i32
    %dma_start3A_110 = tpu.memref_slice %arg4[%add3A_109] : memref<320000xi32, #tpu.memory_space<hbm>> -> memref<40xi32, #tpu.memory_space<hbm>>
    %dma_start3A_111 = tpu.memref_slice %arg4[%add3A_109] : memref<320000xi32, #tpu.memory_space<hbm>> -> memref<40xi32, #tpu.memory_space<hbm>>
    tpu.enqueue_dma source(%dma_start3A_111 : memref<40xi32, #tpu.memory_space<hbm>>) target(%arg12 : memref<40xi32, #tpu.memory_space<vmem>>) target_semaphore(%arg28 : memref<!tpu.dma_semaphore, #tpu.memory_space<semaphore_mem>>)
    %dma_start3A_112 = tpu.memref_slice %arg5[%add3A_109] : memref<320000xi32, #tpu.memory_space<hbm>> -> memref<40xi32, #tpu.memory_space<hbm>>
    %dma_start3A_113 = tpu.memref_slice %arg5[%add3A_109] : memref<320000xi32, #tpu.memory_space<hbm>> -> memref<40xi32, #tpu.memory_space<hbm>>
    tpu.enqueue_dma source(%dma_start3A_113 : memref<40xi32, #tpu.memory_space<hbm>>) target(%arg13 : memref<40xi32, #tpu.memory_space<vmem>>) target_semaphore(%arg28 : memref<!tpu.dma_semaphore, #tpu.memory_space<semaphore_mem>>)
    %broadcast_in_dim3A = arith.constant 0.000000e+00 : f32
    %broadcast_in_dim3A_114 = vector.broadcast %broadcast_in_dim3A : f32 to vector<16xf32>
    %scan3A_115 = arith.constant false
    %scan3A_116 = arith.constant 0 : i32
    %scan3A_117 = arith.constant 125 : i32
    %scan3A_118 = arith.addi %scan3A_116, %scan3A_117 : i32
    %scan3A_119 = arith.constant 1 : i32
    %scan3A_120 = scf.for %scan3A_151 = %scan3A_116 to %scan3A_118 step %scan3A_119 iter_args(%scan3A_152 = %broadcast_in_dim3A_114) -> (vector<16xf32>)  : i32 {
      %mul3A_153 = arith.constant 2 : i32
      %mul3A_154 = arith.muli %mul3A_153, %scan3A_151 : i32
      %add3A_155 = arith.constant 2 : i32
      %add3A_156 = arith.addi %mul3A_154, %add3A_155 : i32
      %rem3A = arith.constant 250 : i32
      %rem3A_157 = arith.remsi %add3A_156, %rem3A : i32
      %add3A_158 = arith.constant 1 : i32
      %add3A_159 = arith.addi %mul3A_154, %add3A_158 : i32
      %mul3A_160 = arith.constant 10000 : i32
      %mul3A_161 = arith.muli %add3A, %mul3A_160 : i32
      %mul3A_162 = arith.constant 40 : i32
      %mul3A_163 = arith.muli %add3A_159, %mul3A_162 : i32
      %add3A_164 = arith.addi %mul3A_161, %mul3A_163 : i32
      %dma_wait3A_165 = tpu.memref_slice %arg4[%add3A_164] : memref<320000xi32, #tpu.memory_space<hbm>> -> memref<40xi32, #tpu.memory_space<hbm>>
      %dma_wait3A_166 = tpu.memref_slice %arg4[%add3A_164] : memref<320000xi32, #tpu.memory_space<hbm>> -> memref<40xi32, #tpu.memory_space<hbm>>
      tpu.wait_dma2 semaphore(%arg28 : memref<!tpu.dma_semaphore, #tpu.memory_space<semaphore_mem>>) src(%dma_wait3A_166 : memref<40xi32, #tpu.memory_space<hbm>>) dst(%arg12 : memref<40xi32, #tpu.memory_space<vmem>>)
      %dma_wait3A_167 = tpu.memref_slice %arg5[%add3A_164] : memref<320000xi32, #tpu.memory_space<hbm>> -> memref<40xi32, #tpu.memory_space<hbm>>
      %dma_wait3A_168 = tpu.memref_slice %arg5[%add3A_164] : memref<320000xi32, #tpu.memory_space<hbm>> -> memref<40xi32, #tpu.memory_space<hbm>>
      tpu.wait_dma2 semaphore(%arg28 : memref<!tpu.dma_semaphore, #tpu.memory_space<semaphore_mem>>) src(%dma_wait3A_168 : memref<40xi32, #tpu.memory_space<hbm>>) dst(%arg13 : memref<40xi32, #tpu.memory_space<vmem>>)
      %add3A_169 = arith.constant 1 : i32
      %add3A_170 = arith.addi %mul3A_154, %add3A_169 : i32
      %eq3A = arith.constant 0 : i32
      %eq3A_171 = arith.cmpi eq, %scan3A_151, %eq3A : i32
      %mul3A_172 = arith.constant 10000 : i32
      %mul3A_173 = arith.muli %add3A, %mul3A_172 : i32
      %mul3A_174 = arith.constant 40 : i32
      %mul3A_175 = arith.muli %add3A_170, %mul3A_174 : i32
      %add3A_176 = arith.addi %mul3A_173, %mul3A_175 : i32
      %dma_start3A_177 = arith.constant 0 : i32
      %dma_start3A_178 = arith.constant 0 : i32
      %dma_start3A_179 = tpu.memref_slice %arg2[%dma_start3A_177, %dma_start3A_178] : memref<10000x128xf32, #tpu.memory_space<hbm>> -> memref<10000x128xf32, #tpu.memory_space<hbm>>
      tpu.enqueue_indirect_dma source(%dma_start3A_179 : memref<10000x128xf32, #tpu.memory_space<hbm>>) target(%arg14 : memref<40x128xf32, #tpu.memory_space<vmem>>) offsets(%arg13 : memref<40xi32, #tpu.memory_space<vmem>>) semaphore(%arg25 : memref<!tpu.dma_semaphore, #tpu.memory_space<semaphore_mem>>)
      %dma_start3A_180 = arith.constant 0 : i32
      %dma_start3A_181 = arith.constant 0 : i32
      %dma_start3A_182 = tpu.memref_slice %arg3[%dma_start3A_180, %dma_start3A_181] : memref<10000x256xf32, #tpu.memory_space<hbm>> -> memref<10000x256xf32, #tpu.memory_space<hbm>>
      tpu.enqueue_indirect_dma source(%dma_start3A_182 : memref<10000x256xf32, #tpu.memory_space<hbm>>) target(%arg15 : memref<40x256xf32, #tpu.memory_space<vmem>>) offsets(%arg12 : memref<40xi32, #tpu.memory_space<vmem>>) semaphore(%arg26 : memref<!tpu.dma_semaphore, #tpu.memory_space<semaphore_mem>>)
      %not3A_183 = arith.constant true
      %not3A_184 = arith.xori %eq3A_171, %not3A_183 : i1
      %convert_element_type3A_185 = arith.extui %not3A_184 : i1 to i32
      %cond3A_186 = arith.constant 0 : i32
      %cond3A_187 = arith.cmpi ne, %convert_element_type3A_185, %cond3A_186 : i32
      scf.if %cond3A_187 {
        %dma_wait3A_297 = arith.constant 0 : i32
        %dma_wait3A_298 = arith.constant 0 : i32
        %dma_wait3A_299 = tpu.memref_slice %arg18[%dma_wait3A_297, %dma_wait3A_298] : memref<10240x128xf32, #tpu.memory_space<vmem_shared>> -> memref<10240x128xf32, #tpu.memory_space<vmem_shared>>
        tpu.wait_indirect_dma semaphore(%arg32 : memref<!tpu.dma_semaphore, #tpu.memory_space<semaphore_mem>>) src(%arg22 : memref<40x128xf32, #tpu.memory_space<vmem>>) dst(%dma_wait3A_299 : memref<10240x128xf32, #tpu.memory_space<vmem_shared>>)
      } else {
      }
      %dma_start3A_188 = tpu.memref_slice %arg5[%add3A_176] : memref<320000xi32, #tpu.memory_space<hbm>> -> memref<40xi32, #tpu.memory_space<hbm>>
      %dma_start3A_189 = tpu.memref_slice %arg5[%add3A_176] : memref<320000xi32, #tpu.memory_space<hbm>> -> memref<40xi32, #tpu.memory_space<hbm>>
      tpu.enqueue_dma source(%dma_start3A_189 : memref<40xi32, #tpu.memory_space<hbm>>) target(%arg20 : memref<40xi32, #tpu.memory_space<vmem>>) target_semaphore(%arg30 : memref<!tpu.dma_semaphore, #tpu.memory_space<semaphore_mem>>)
      %mul3A_190 = arith.constant 10000 : i32
      %mul3A_191 = arith.muli %add3A, %mul3A_190 : i32
      %mul3A_192 = arith.constant 40 : i32
      %mul3A_193 = arith.muli %mul3A_154, %mul3A_192 : i32
      %add3A_194 = arith.addi %mul3A_191, %mul3A_193 : i32
      %dma_wait3A_195 = arith.constant 0 : i32
      %dma_wait3A_196 = arith.constant 0 : i32
      %dma_wait3A_197 = tpu.memref_slice %arg2[%dma_wait3A_195, %dma_wait3A_196] : memref<10000x128xf32, #tpu.memory_space<hbm>> -> memref<10000x128xf32, #tpu.memory_space<hbm>>
      tpu.wait_indirect_dma semaphore(%arg23 : memref<!tpu.dma_semaphore, #tpu.memory_space<semaphore_mem>>) src(%dma_wait3A_197 : memref<10000x128xf32, #tpu.memory_space<hbm>>) dst(%arg10 : memref<40x128xf32, #tpu.memory_space<vmem>>)
      %dma_wait3A_198 = arith.constant 0 : i32
      %dma_wait3A_199 = arith.constant 0 : i32
      %dma_wait3A_200 = tpu.memref_slice %arg3[%dma_wait3A_198, %dma_wait3A_199] : memref<10000x256xf32, #tpu.memory_space<hbm>> -> memref<10000x256xf32, #tpu.memory_space<hbm>>
      tpu.wait_indirect_dma semaphore(%arg24 : memref<!tpu.dma_semaphore, #tpu.memory_space<semaphore_mem>>) src(%dma_wait3A_200 : memref<10000x256xf32, #tpu.memory_space<hbm>>) dst(%arg11 : memref<40x256xf32, #tpu.memory_space<vmem>>)
      %dma_wait3A_201 = tpu.memref_slice %arg5[%add3A_194] : memref<320000xi32, #tpu.memory_space<hbm>> -> memref<40xi32, #tpu.memory_space<hbm>>
      %dma_wait3A_202 = tpu.memref_slice %arg5[%add3A_194] : memref<320000xi32, #tpu.memory_space<hbm>> -> memref<40xi32, #tpu.memory_space<hbm>>
      tpu.wait_dma2 semaphore(%arg29 : memref<!tpu.dma_semaphore, #tpu.memory_space<semaphore_mem>>) src(%dma_wait3A_202 : memref<40xi32, #tpu.memory_space<hbm>>) dst(%arg19 : memref<40xi32, #tpu.memory_space<vmem>>)
      %mul3A_203 = arith.constant 10000 : i32
      %mul3A_204 = arith.muli %add3A, %mul3A_203 : i32
      %mul3A_205 = arith.constant 40 : i32
      %mul3A_206 = arith.muli %rem3A_157, %mul3A_205 : i32
      %add3A_207 = arith.addi %mul3A_204, %mul3A_206 : i32
      %dma_start3A_208 = tpu.memref_slice %arg4[%add3A_207] : memref<320000xi32, #tpu.memory_space<hbm>> -> memref<40xi32, #tpu.memory_space<hbm>>
      %dma_start3A_209 = tpu.memref_slice %arg4[%add3A_207] : memref<320000xi32, #tpu.memory_space<hbm>> -> memref<40xi32, #tpu.memory_space<hbm>>
      tpu.enqueue_dma source(%dma_start3A_209 : memref<40xi32, #tpu.memory_space<hbm>>) target(%arg8 : memref<40xi32, #tpu.memory_space<vmem>>) target_semaphore(%arg27 : memref<!tpu.dma_semaphore, #tpu.memory_space<semaphore_mem>>)
      %dma_start3A_210 = tpu.memref_slice %arg5[%add3A_207] : memref<320000xi32, #tpu.memory_space<hbm>> -> memref<40xi32, #tpu.memory_space<hbm>>
      %dma_start3A_211 = tpu.memref_slice %arg5[%add3A_207] : memref<320000xi32, #tpu.memory_space<hbm>> -> memref<40xi32, #tpu.memory_space<hbm>>
      tpu.enqueue_dma source(%dma_start3A_211 : memref<40xi32, #tpu.memory_space<hbm>>) target(%arg9 : memref<40xi32, #tpu.memory_space<vmem>>) target_semaphore(%arg27 : memref<!tpu.dma_semaphore, #tpu.memory_space<semaphore_mem>>)
      %scan3A_212 = arith.constant 0 : i32
      %scan3A_213 = arith.constant 20 : i32
      %scan3A_214 = arith.addi %scan3A_212, %scan3A_213 : i32
      %scan3A_215 = arith.constant 1 : i32
      %scan3A_216 = scf.for %scan3A_297 = %scan3A_212 to %scan3A_214 step %scan3A_215 iter_args(%scan3A_298 = %scan3A_152) -> (vector<16xf32>)  : i32 {
        %mul3A_299 = arith.constant 2 : i32
        %mul3A_300 = arith.muli %mul3A_299, %scan3A_297 : i32
        %add3A_301 = vector.broadcast %mul3A_300 : i32 to vector<16xi32>
        %add3A_302 = arith.addi %add3A_301, %shift_right_logical3A_71 : vector<16xi32>
        %broadcast_in_dim3A_303 = arith.constant 0.000000e+00 : f32
        %broadcast_in_dim3A_304 = vector.broadcast %broadcast_in_dim3A_303 : f32 to vector<16xf32>
        %add3A_305 = arith.constant 0 : i32
        %add3A_306 = vector.broadcast %add3A_305 : i32 to vector<16xi32>
        %add3A_307 = arith.addi %mul3A_76, %add3A_306 : vector<16xi32>
        %gather3A = tpu.vector_load_idx %arg10[%add3A_302, %add3A_307] : memref<40x128xf32, #tpu.memory_space<vmem>>[vector<16xi32>, vector<16xi32>], vector<16xf32>,
        %gather3A_308 = tpu.vector_load_idx %arg11[%add3A_302, %add3A_307] : memref<40x256xf32, #tpu.memory_space<vmem>>[vector<16xi32>, vector<16xi32>], vector<16xf32>,
        %mul3A_309 = arith.mulf %gather3A, %gather3A_308 : vector<16xf32>
        %add3A_310 = arith.addf %broadcast_in_dim3A_304, %mul3A_309 : vector<16xf32>
        %add3A_311 = arith.constant 1 : i32
        %add3A_312 = vector.broadcast %add3A_311 : i32 to vector<16xi32>
        %add3A_313 = arith.addi %mul3A_76, %add3A_312 : vector<16xi32>
        %gather3A_314 = tpu.vector_load_idx %arg10[%add3A_302, %add3A_313] : memref<40x128xf32, #tpu.memory_space<vmem>>[vector<16xi32>, vector<16xi32>], vector<16xf32>,
        %gather3A_315 = tpu.vector_load_idx %arg11[%add3A_302, %add3A_313] : memref<40x256xf32, #tpu.memory_space<vmem>>[vector<16xi32>, vector<16xi32>], vector<16xf32>,
        %mul3A_316 = arith.mulf %gather3A_314, %gather3A_315 : vector<16xf32>
        %add3A_317 = arith.addf %add3A_310, %mul3A_316 : vector<16xf32>
        %add3A_318 = arith.constant 2 : i32
        %add3A_319 = vector.broadcast %add3A_318 : i32 to vector<16xi32>
        %add3A_320 = arith.addi %mul3A_76, %add3A_319 : vector<16xi32>
        %gather3A_321 = tpu.vector_load_idx %arg10[%add3A_302, %add3A_320] : memref<40x128xf32, #tpu.memory_space<vmem>>[vector<16xi32>, vector<16xi32>], vector<16xf32>,
        %gather3A_322 = tpu.vector_load_idx %arg11[%add3A_302, %add3A_320] : memref<40x256xf32, #tpu.memory_space<vmem>>[vector<16xi32>, vector<16xi32>], vector<16xf32>,
        %mul3A_323 = arith.mulf %gather3A_321, %gather3A_322 : vector<16xf32>
        %add3A_324 = arith.addf %add3A_317, %mul3A_323 : vector<16xf32>
        %add3A_325 = arith.constant 3 : i32
        %add3A_326 = vector.broadcast %add3A_325 : i32 to vector<16xi32>
        %add3A_327 = arith.addi %mul3A_76, %add3A_326 : vector<16xi32>
        %gather3A_328 = tpu.vector_load_idx %arg10[%add3A_302, %add3A_327] : memref<40x128xf32, #tpu.memory_space<vmem>>[vector<16xi32>, vector<16xi32>], vector<16xf32>,
        %gather3A_329 = tpu.vector_load_idx %arg11[%add3A_302, %add3A_327] : memref<40x256xf32, #tpu.memory_space<vmem>>[vector<16xi32>, vector<16xi32>], vector<16xf32>,
        %mul3A_330 = arith.mulf %gather3A_328, %gather3A_329 : vector<16xf32>
        %add3A_331 = arith.addf %add3A_324, %mul3A_330 : vector<16xf32>
        %add3A_332 = arith.constant 4 : i32
        %add3A_333 = vector.broadcast %add3A_332 : i32 to vector<16xi32>
        %add3A_334 = arith.addi %mul3A_76, %add3A_333 : vector<16xi32>
        %gather3A_335 = tpu.vector_load_idx %arg10[%add3A_302, %add3A_334] : memref<40x128xf32, #tpu.memory_space<vmem>>[vector<16xi32>, vector<16xi32>], vector<16xf32>,
        %gather3A_336 = tpu.vector_load_idx %arg11[%add3A_302, %add3A_334] : memref<40x256xf32, #tpu.memory_space<vmem>>[vector<16xi32>, vector<16xi32>], vector<16xf32>,
        %mul3A_337 = arith.mulf %gather3A_335, %gather3A_336 : vector<16xf32>
        %add3A_338 = arith.addf %add3A_331, %mul3A_337 : vector<16xf32>
        %add3A_339 = arith.constant 5 : i32
        %add3A_340 = vector.broadcast %add3A_339 : i32 to vector<16xi32>
        %add3A_341 = arith.addi %mul3A_76, %add3A_340 : vector<16xi32>
        %gather3A_342 = tpu.vector_load_idx %arg10[%add3A_302, %add3A_341] : memref<40x128xf32, #tpu.memory_space<vmem>>[vector<16xi32>, vector<16xi32>], vector<16xf32>,
        %gather3A_343 = tpu.vector_load_idx %arg11[%add3A_302, %add3A_341] : memref<40x256xf32, #tpu.memory_space<vmem>>[vector<16xi32>, vector<16xi32>], vector<16xf32>,
        %mul3A_344 = arith.mulf %gather3A_342, %gather3A_343 : vector<16xf32>
        %add3A_345 = arith.addf %add3A_338, %mul3A_344 : vector<16xf32>
        %add3A_346 = arith.constant 6 : i32
        %add3A_347 = vector.broadcast %add3A_346 : i32 to vector<16xi32>
        %add3A_348 = arith.addi %mul3A_76, %add3A_347 : vector<16xi32>
        %gather3A_349 = tpu.vector_load_idx %arg10[%add3A_302, %add3A_348] : memref<40x128xf32, #tpu.memory_space<vmem>>[vector<16xi32>, vector<16xi32>], vector<16xf32>,
        %gather3A_350 = tpu.vector_load_idx %arg11[%add3A_302, %add3A_348] : memref<40x256xf32, #tpu.memory_space<vmem>>[vector<16xi32>, vector<16xi32>], vector<16xf32>,
        %mul3A_351 = arith.mulf %gather3A_349, %gather3A_350 : vector<16xf32>
        %add3A_352 = arith.addf %add3A_345, %mul3A_351 : vector<16xf32>
        %add3A_353 = arith.constant 7 : i32
        %add3A_354 = vector.broadcast %add3A_353 : i32 to vector<16xi32>
        %add3A_355 = arith.addi %mul3A_76, %add3A_354 : vector<16xi32>
        %gather3A_356 = tpu.vector_load_idx %arg10[%add3A_302, %add3A_355] : memref<40x128xf32, #tpu.memory_space<vmem>>[vector<16xi32>, vector<16xi32>], vector<16xf32>,
        %gather3A_357 = tpu.vector_load_idx %arg11[%add3A_302, %add3A_355] : memref<40x256xf32, #tpu.memory_space<vmem>>[vector<16xi32>, vector<16xi32>], vector<16xf32>,
        %mul3A_358 = arith.mulf %gather3A_356, %gather3A_357 : vector<16xf32>
        %add3A_359 = arith.addf %add3A_352, %mul3A_358 : vector<16xf32>
        %add3A_360 = arith.constant 8 : i32
        %add3A_361 = vector.broadcast %add3A_360 : i32 to vector<16xi32>
        %add3A_362 = arith.addi %mul3A_76, %add3A_361 : vector<16xi32>
        %gather3A_363 = tpu.vector_load_idx %arg10[%add3A_302, %add3A_362] : memref<40x128xf32, #tpu.memory_space<vmem>>[vector<16xi32>, vector<16xi32>], vector<16xf32>,
        %gather3A_364 = tpu.vector_load_idx %arg11[%add3A_302, %add3A_362] : memref<40x256xf32, #tpu.memory_space<vmem>>[vector<16xi32>, vector<16xi32>], vector<16xf32>,
        %mul3A_365 = arith.mulf %gather3A_363, %gather3A_364 : vector<16xf32>
        %add3A_366 = arith.addf %add3A_359, %mul3A_365 : vector<16xf32>
        %add3A_367 = arith.constant 9 : i32
        %add3A_368 = vector.broadcast %add3A_367 : i32 to vector<16xi32>
        %add3A_369 = arith.addi %mul3A_76, %add3A_368 : vector<16xi32>
        %gather3A_370 = tpu.vector_load_idx %arg10[%add3A_302, %add3A_369] : memref<40x128xf32, #tpu.memory_space<vmem>>[vector<16xi32>, vector<16xi32>], vector<16xf32>,
        %gather3A_371 = tpu.vector_load_idx %arg11[%add3A_302, %add3A_369] : memref<40x256xf32, #tpu.memory_space<vmem>>[vector<16xi32>, vector<16xi32>], vector<16xf32>,
        %mul3A_372 = arith.mulf %gather3A_370, %gather3A_371 : vector<16xf32>
        %add3A_373 = arith.addf %add3A_366, %mul3A_372 : vector<16xf32>
        %add3A_374 = arith.constant 10 : i32
        %add3A_375 = vector.broadcast %add3A_374 : i32 to vector<16xi32>
        %add3A_376 = arith.addi %mul3A_76, %add3A_375 : vector<16xi32>
        %gather3A_377 = tpu.vector_load_idx %arg10[%add3A_302, %add3A_376] : memref<40x128xf32, #tpu.memory_space<vmem>>[vector<16xi32>, vector<16xi32>], vector<16xf32>,
        %gather3A_378 = tpu.vector_load_idx %arg11[%add3A_302, %add3A_376] : memref<40x256xf32, #tpu.memory_space<vmem>>[vector<16xi32>, vector<16xi32>], vector<16xf32>,
        %mul3A_379 = arith.mulf %gather3A_377, %gather3A_378 : vector<16xf32>
        %add3A_380 = arith.addf %add3A_373, %mul3A_379 : vector<16xf32>
        %add3A_381 = arith.constant 11 : i32
        %add3A_382 = vector.broadcast %add3A_381 : i32 to vector<16xi32>
        %add3A_383 = arith.addi %mul3A_76, %add3A_382 : vector<16xi32>
        %gather3A_384 = tpu.vector_load_idx %arg10[%add3A_302, %add3A_383] : memref<40x128xf32, #tpu.memory_space<vmem>>[vector<16xi32>, vector<16xi32>], vector<16xf32>,
        %gather3A_385 = tpu.vector_load_idx %arg11[%add3A_302, %add3A_383] : memref<40x256xf32, #tpu.memory_space<vmem>>[vector<16xi32>, vector<16xi32>], vector<16xf32>,
        %mul3A_386 = arith.mulf %gather3A_384, %gather3A_385 : vector<16xf32>
        %add3A_387 = arith.addf %add3A_380, %mul3A_386 : vector<16xf32>
        %add3A_388 = arith.constant 12 : i32
        %add3A_389 = vector.broadcast %add3A_388 : i32 to vector<16xi32>
        %add3A_390 = arith.addi %mul3A_76, %add3A_389 : vector<16xi32>
        %gather3A_391 = tpu.vector_load_idx %arg10[%add3A_302, %add3A_390] : memref<40x128xf32, #tpu.memory_space<vmem>>[vector<16xi32>, vector<16xi32>], vector<16xf32>,
        %gather3A_392 = tpu.vector_load_idx %arg11[%add3A_302, %add3A_390] : memref<40x256xf32, #tpu.memory_space<vmem>>[vector<16xi32>, vector<16xi32>], vector<16xf32>,
        %mul3A_393 = arith.mulf %gather3A_391, %gather3A_392 : vector<16xf32>
        %add3A_394 = arith.addf %add3A_387, %mul3A_393 : vector<16xf32>
        %add3A_395 = arith.constant 13 : i32
        %add3A_396 = vector.broadcast %add3A_395 : i32 to vector<16xi32>
        %add3A_397 = arith.addi %mul3A_76, %add3A_396 : vector<16xi32>
        %gather3A_398 = tpu.vector_load_idx %arg10[%add3A_302, %add3A_397] : memref<40x128xf32, #tpu.memory_space<vmem>>[vector<16xi32>, vector<16xi32>], vector<16xf32>,
        %gather3A_399 = tpu.vector_load_idx %arg11[%add3A_302, %add3A_397] : memref<40x256xf32, #tpu.memory_space<vmem>>[vector<16xi32>, vector<16xi32>], vector<16xf32>,
        %mul3A_400 = arith.mulf %gather3A_398, %gather3A_399 : vector<16xf32>
        %add3A_401 = arith.addf %add3A_394, %mul3A_400 : vector<16xf32>
        %add3A_402 = arith.constant 14 : i32
        %add3A_403 = vector.broadcast %add3A_402 : i32 to vector<16xi32>
        %add3A_404 = arith.addi %mul3A_76, %add3A_403 : vector<16xi32>
        %gather3A_405 = tpu.vector_load_idx %arg10[%add3A_302, %add3A_404] : memref<40x128xf32, #tpu.memory_space<vmem>>[vector<16xi32>, vector<16xi32>], vector<16xf32>,
        %gather3A_406 = tpu.vector_load_idx %arg11[%add3A_302, %add3A_404] : memref<40x256xf32, #tpu.memory_space<vmem>>[vector<16xi32>, vector<16xi32>], vector<16xf32>,
        %mul3A_407 = arith.mulf %gather3A_405, %gather3A_406 : vector<16xf32>
        %add3A_408 = arith.addf %add3A_401, %mul3A_407 : vector<16xf32>
        %add3A_409 = arith.constant 15 : i32
        %add3A_410 = vector.broadcast %add3A_409 : i32 to vector<16xi32>
        %add3A_411 = arith.addi %mul3A_76, %add3A_410 : vector<16xi32>
        %gather3A_412 = tpu.vector_load_idx %arg10[%add3A_302, %add3A_411] : memref<40x128xf32, #tpu.memory_space<vmem>>[vector<16xi32>, vector<16xi32>], vector<16xf32>,
        %gather3A_413 = tpu.vector_load_idx %arg11[%add3A_302, %add3A_411] : memref<40x256xf32, #tpu.memory_space<vmem>>[vector<16xi32>, vector<16xi32>], vector<16xf32>,
        %mul3A_414 = arith.mulf %gather3A_412, %gather3A_413 : vector<16xf32>
        %add3A_415 = arith.addf %add3A_408, %mul3A_414 : vector<16xf32>
        %mul3A_416 = arith.constant 2.500000e-01 : f32
        %mul3A_417 = vector.broadcast %mul3A_416 : f32 to vector<16xf32>
        %mul3A_418 = arith.mulf %add3A_415, %mul3A_417 : vector<16xf32>
        %exp3A = math.exp %mul3A_418 : vector<16xf32>
        %swap3A_419 = arith.index_cast %scan3A_297 : i32 to index
        %swap3A_420 = arith.constant 0 : index
        %swap3A_421 = tpu.vector_load %arg16[%swap3A_419, %swap3A_420] {strides = array<i32>} : memref<20x16xf32, #tpu.memory_space<vmem>>, vector<16xf32>,
        tpu.vector_store %arg16[%swap3A_419, %swap3A_420], %exp3A {strides = array<i32>} : memref<20x16xf32, #tpu.memory_space<vmem>>, vector<16xf32>,
        %add3A_422 = arith.addf %scan3A_298, %exp3A : vector<16xf32>
        scf.yield %add3A_422 : vector<16xf32>
      }
      %scan3A_217 = arith.constant 20 : i32
      %scan3A_218 = arith.constant 0 : i32
      %scan3A_219 = arith.constant 0 : i32
      %scan3A_220 = arith.constant 20 : i32
      %scan3A_221 = arith.addi %scan3A_219, %scan3A_220 : i32
      %scan3A_222 = arith.constant 1 : i32
      scf.for %scan3A_297 = %scan3A_219 to %scan3A_221 step %scan3A_222  : i32 {
        %get3A = arith.index_cast %scan3A_297 : i32 to index
        %get3A_298 = arith.constant 0 : index
        %get3A_299 = tpu.vector_load %arg16[%get3A, %get3A_298] {strides = array<i32>} : memref<20x16xf32, #tpu.memory_space<vmem>>, vector<16xf32>,
        %mul3A_300 = arith.constant 2 : i32
        %mul3A_301 = arith.muli %mul3A_300, %scan3A_297 : i32
        %add3A_302 = arith.constant 0 : i32
        %add3A_303 = arith.addi %mul3A_301, %add3A_302 : i32
        %slice3A = vector.extract_strided_slice %get3A_299 {offsets = [0], sizes = [1], strides = [1]} : vector<16xf32> to vector<1xf32>
        %squeeze3A = vector.extract %slice3A[0] : f32 from vector<1xf32>
        %get3A_304 = arith.index_cast %add3A_303 : i32 to index
        %get3A_305 = arith.constant 128 : index
        %get3A_306 = tpu.vector_load %arg11[%get3A_304, %get3A_305] {strides = array<i32>} : memref<40x256xf32, #tpu.memory_space<vmem>>, vector<16xf32>,
        %mul3A_307 = vector.broadcast %squeeze3A : f32 to vector<16xf32>
        %mul3A_308 = arith.mulf %get3A_306, %mul3A_307 : vector<16xf32>
        %swap3A_309 = arith.index_cast %add3A_303 : i32 to index
        %swap3A_310 = arith.constant 0 : index
        %swap3A_311 = tpu.vector_load %arg21[%swap3A_309, %swap3A_310] {strides = array<i32>} : memref<40x128xf32, #tpu.memory_space<vmem>>, vector<16xf32>,
        tpu.vector_store %arg21[%swap3A_309, %swap3A_310], %mul3A_308 {strides = array<i32>} : memref<40x128xf32, #tpu.memory_space<vmem>>, vector<16xf32>,
        %slice3A_312 = vector.extract_strided_slice %get3A_299 {offsets = [1], sizes = [1], strides = [1]} : vector<16xf32> to vector<1xf32>
        %squeeze3A_313 = vector.extract %slice3A_312[0] : f32 from vector<1xf32>
        %get3A_314 = arith.index_cast %add3A_303 : i32 to index
        %get3A_315 = arith.constant 144 : index
        %get3A_316 = tpu.vector_load %arg11[%get3A_314, %get3A_315] {strides = array<i32>} : memref<40x256xf32, #tpu.memory_space<vmem>>, vector<16xf32>,
        %mul3A_317 = vector.broadcast %squeeze3A_313 : f32 to vector<16xf32>
        %mul3A_318 = arith.mulf %get3A_316, %mul3A_317 : vector<16xf32>
        %swap3A_319 = arith.index_cast %add3A_303 : i32 to index
        %swap3A_320 = arith.constant 16 : index
        %swap3A_321 = tpu.vector_load %arg21[%swap3A_319, %swap3A_320] {strides = array<i32>} : memref<40x128xf32, #tpu.memory_space<vmem>>, vector<16xf32>,
        tpu.vector_store %arg21[%swap3A_319, %swap3A_320], %mul3A_318 {strides = array<i32>} : memref<40x128xf32, #tpu.memory_space<vmem>>, vector<16xf32>,
        %slice3A_322 = vector.extract_strided_slice %get3A_299 {offsets = [2], sizes = [1], strides = [1]} : vector<16xf32> to vector<1xf32>
        %squeeze3A_323 = vector.extract %slice3A_322[0] : f32 from vector<1xf32>
        %get3A_324 = arith.index_cast %add3A_303 : i32 to index
        %get3A_325 = arith.constant 160 : index
        %get3A_326 = tpu.vector_load %arg11[%get3A_324, %get3A_325] {strides = array<i32>} : memref<40x256xf32, #tpu.memory_space<vmem>>, vector<16xf32>,
        %mul3A_327 = vector.broadcast %squeeze3A_323 : f32 to vector<16xf32>
        %mul3A_328 = arith.mulf %get3A_326, %mul3A_327 : vector<16xf32>
        %swap3A_329 = arith.index_cast %add3A_303 : i32 to index
        %swap3A_330 = arith.constant 32 : index
        %swap3A_331 = tpu.vector_load %arg21[%swap3A_329, %swap3A_330] {strides = array<i32>} : memref<40x128xf32, #tpu.memory_space<vmem>>, vector<16xf32>,
        tpu.vector_store %arg21[%swap3A_329, %swap3A_330], %mul3A_328 {strides = array<i32>} : memref<40x128xf32, #tpu.memory_space<vmem>>, vector<16xf32>,
        %slice3A_332 = vector.extract_strided_slice %get3A_299 {offsets = [3], sizes = [1], strides = [1]} : vector<16xf32> to vector<1xf32>
        %squeeze3A_333 = vector.extract %slice3A_332[0] : f32 from vector<1xf32>
        %get3A_334 = arith.index_cast %add3A_303 : i32 to index
        %get3A_335 = arith.constant 176 : index
        %get3A_336 = tpu.vector_load %arg11[%get3A_334, %get3A_335] {strides = array<i32>} : memref<40x256xf32, #tpu.memory_space<vmem>>, vector<16xf32>,
        %mul3A_337 = vector.broadcast %squeeze3A_333 : f32 to vector<16xf32>
        %mul3A_338 = arith.mulf %get3A_336, %mul3A_337 : vector<16xf32>
        %swap3A_339 = arith.index_cast %add3A_303 : i32 to index
        %swap3A_340 = arith.constant 48 : index
        %swap3A_341 = tpu.vector_load %arg21[%swap3A_339, %swap3A_340] {strides = array<i32>} : memref<40x128xf32, #tpu.memory_space<vmem>>, vector<16xf32>,
        tpu.vector_store %arg21[%swap3A_339, %swap3A_340], %mul3A_338 {strides = array<i32>} : memref<40x128xf32, #tpu.memory_space<vmem>>, vector<16xf32>,
        %slice3A_342 = vector.extract_strided_slice %get3A_299 {offsets = [4], sizes = [1], strides = [1]} : vector<16xf32> to vector<1xf32>
        %squeeze3A_343 = vector.extract %slice3A_342[0] : f32 from vector<1xf32>
        %get3A_344 = arith.index_cast %add3A_303 : i32 to index
        %get3A_345 = arith.constant 192 : index
        %get3A_346 = tpu.vector_load %arg11[%get3A_344, %get3A_345] {strides = array<i32>} : memref<40x256xf32, #tpu.memory_space<vmem>>, vector<16xf32>,
        %mul3A_347 = vector.broadcast %squeeze3A_343 : f32 to vector<16xf32>
        %mul3A_348 = arith.mulf %get3A_346, %mul3A_347 : vector<16xf32>
        %swap3A_349 = arith.index_cast %add3A_303 : i32 to index
        %swap3A_350 = arith.constant 64 : index
        %swap3A_351 = tpu.vector_load %arg21[%swap3A_349, %swap3A_350] {strides = array<i32>} : memref<40x128xf32, #tpu.memory_space<vmem>>, vector<16xf32>,
        tpu.vector_store %arg21[%swap3A_349, %swap3A_350], %mul3A_348 {strides = array<i32>} : memref<40x128xf32, #tpu.memory_space<vmem>>, vector<16xf32>,
        %slice3A_352 = vector.extract_strided_slice %get3A_299 {offsets = [5], sizes = [1], strides = [1]} : vector<16xf32> to vector<1xf32>
        %squeeze3A_353 = vector.extract %slice3A_352[0] : f32 from vector<1xf32>
        %get3A_354 = arith.index_cast %add3A_303 : i32 to index
        %get3A_355 = arith.constant 208 : index
        %get3A_356 = tpu.vector_load %arg11[%get3A_354, %get3A_355] {strides = array<i32>} : memref<40x256xf32, #tpu.memory_space<vmem>>, vector<16xf32>,
        %mul3A_357 = vector.broadcast %squeeze3A_353 : f32 to vector<16xf32>
        %mul3A_358 = arith.mulf %get3A_356, %mul3A_357 : vector<16xf32>
        %swap3A_359 = arith.index_cast %add3A_303 : i32 to index
        %swap3A_360 = arith.constant 80 : index
        %swap3A_361 = tpu.vector_load %arg21[%swap3A_359, %swap3A_360] {strides = array<i32>} : memref<40x128xf32, #tpu.memory_space<vmem>>, vector<16xf32>,
        tpu.vector_store %arg21[%swap3A_359, %swap3A_360], %mul3A_358 {strides = array<i32>} : memref<40x128xf32, #tpu.memory_space<vmem>>, vector<16xf32>,
        %slice3A_362 = vector.extract_strided_slice %get3A_299 {offsets = [6], sizes = [1], strides = [1]} : vector<16xf32> to vector<1xf32>
        %squeeze3A_363 = vector.extract %slice3A_362[0] : f32 from vector<1xf32>
        %get3A_364 = arith.index_cast %add3A_303 : i32 to index
        %get3A_365 = arith.constant 224 : index
        %get3A_366 = tpu.vector_load %arg11[%get3A_364, %get3A_365] {strides = array<i32>} : memref<40x256xf32, #tpu.memory_space<vmem>>, vector<16xf32>,
        %mul3A_367 = vector.broadcast %squeeze3A_363 : f32 to vector<16xf32>
        %mul3A_368 = arith.mulf %get3A_366, %mul3A_367 : vector<16xf32>
        %swap3A_369 = arith.index_cast %add3A_303 : i32 to index
        %swap3A_370 = arith.constant 96 : index
        %swap3A_371 = tpu.vector_load %arg21[%swap3A_369, %swap3A_370] {strides = array<i32>} : memref<40x128xf32, #tpu.memory_space<vmem>>, vector<16xf32>,
        tpu.vector_store %arg21[%swap3A_369, %swap3A_370], %mul3A_368 {strides = array<i32>} : memref<40x128xf32, #tpu.memory_space<vmem>>, vector<16xf32>,
        %slice3A_372 = vector.extract_strided_slice %get3A_299 {offsets = [7], sizes = [1], strides = [1]} : vector<16xf32> to vector<1xf32>
        %squeeze3A_373 = vector.extract %slice3A_372[0] : f32 from vector<1xf32>
        %get3A_374 = arith.index_cast %add3A_303 : i32 to index
        %get3A_375 = arith.constant 240 : index
        %get3A_376 = tpu.vector_load %arg11[%get3A_374, %get3A_375] {strides = array<i32>} : memref<40x256xf32, #tpu.memory_space<vmem>>, vector<16xf32>,
        %mul3A_377 = vector.broadcast %squeeze3A_373 : f32 to vector<16xf32>
        %mul3A_378 = arith.mulf %get3A_376, %mul3A_377 : vector<16xf32>
        %swap3A_379 = arith.index_cast %add3A_303 : i32 to index
        %swap3A_380 = arith.constant 112 : index
        %swap3A_381 = tpu.vector_load %arg21[%swap3A_379, %swap3A_380] {strides = array<i32>} : memref<40x128xf32, #tpu.memory_space<vmem>>, vector<16xf32>,
        tpu.vector_store %arg21[%swap3A_379, %swap3A_380], %mul3A_378 {strides = array<i32>} : memref<40x128xf32, #tpu.memory_space<vmem>>, vector<16xf32>,
        %mul3A_382 = arith.constant 2 : i32
        %mul3A_383 = arith.muli %mul3A_382, %scan3A_297 : i32
        %add3A_384 = arith.constant 1 : i32
        %add3A_385 = arith.addi %mul3A_383, %add3A_384 : i32
        %slice3A_386 = vector.extract_strided_slice %get3A_299 {offsets = [8], sizes = [1], strides = [1]} : vector<16xf32> to vector<1xf32>
        %squeeze3A_387 = vector.extract %slice3A_386[0] : f32 from vector<1xf32>
        %get3A_388 = arith.index_cast %add3A_385 : i32 to index
        %get3A_389 = arith.constant 128 : index
        %get3A_390 = tpu.vector_load %arg11[%get3A_388, %get3A_389] {strides = array<i32>} : memref<40x256xf32, #tpu.memory_space<vmem>>, vector<16xf32>,
        %mul3A_391 = vector.broadcast %squeeze3A_387 : f32 to vector<16xf32>
        %mul3A_392 = arith.mulf %get3A_390, %mul3A_391 : vector<16xf32>
        %swap3A_393 = arith.index_cast %add3A_385 : i32 to index
        %swap3A_394 = arith.constant 0 : index
        %swap3A_395 = tpu.vector_load %arg21[%swap3A_393, %swap3A_394] {strides = array<i32>} : memref<40x128xf32, #tpu.memory_space<vmem>>, vector<16xf32>,
        tpu.vector_store %arg21[%swap3A_393, %swap3A_394], %mul3A_392 {strides = array<i32>} : memref<40x128xf32, #tpu.memory_space<vmem>>, vector<16xf32>,
        %slice3A_396 = vector.extract_strided_slice %get3A_299 {offsets = [9], sizes = [1], strides = [1]} : vector<16xf32> to vector<1xf32>
        %squeeze3A_397 = vector.extract %slice3A_396[0] : f32 from vector<1xf32>
        %get3A_398 = arith.index_cast %add3A_385 : i32 to index
        %get3A_399 = arith.constant 144 : index
        %get3A_400 = tpu.vector_load %arg11[%get3A_398, %get3A_399] {strides = array<i32>} : memref<40x256xf32, #tpu.memory_space<vmem>>, vector<16xf32>,
        %mul3A_401 = vector.broadcast %squeeze3A_397 : f32 to vector<16xf32>
        %mul3A_402 = arith.mulf %get3A_400, %mul3A_401 : vector<16xf32>
        %swap3A_403 = arith.index_cast %add3A_385 : i32 to index
        %swap3A_404 = arith.constant 16 : index
        %swap3A_405 = tpu.vector_load %arg21[%swap3A_403, %swap3A_404] {strides = array<i32>} : memref<40x128xf32, #tpu.memory_space<vmem>>, vector<16xf32>,
        tpu.vector_store %arg21[%swap3A_403, %swap3A_404], %mul3A_402 {strides = array<i32>} : memref<40x128xf32, #tpu.memory_space<vmem>>, vector<16xf32>,
        %slice3A_406 = vector.extract_strided_slice %get3A_299 {offsets = [10], sizes = [1], strides = [1]} : vector<16xf32> to vector<1xf32>
        %squeeze3A_407 = vector.extract %slice3A_406[0] : f32 from vector<1xf32>
        %get3A_408 = arith.index_cast %add3A_385 : i32 to index
        %get3A_409 = arith.constant 160 : index
        %get3A_410 = tpu.vector_load %arg11[%get3A_408, %get3A_409] {strides = array<i32>} : memref<40x256xf32, #tpu.memory_space<vmem>>, vector<16xf32>,
        %mul3A_411 = vector.broadcast %squeeze3A_407 : f32 to vector<16xf32>
        %mul3A_412 = arith.mulf %get3A_410, %mul3A_411 : vector<16xf32>
        %swap3A_413 = arith.index_cast %add3A_385 : i32 to index
        %swap3A_414 = arith.constant 32 : index
        %swap3A_415 = tpu.vector_load %arg21[%swap3A_413, %swap3A_414] {strides = array<i32>} : memref<40x128xf32, #tpu.memory_space<vmem>>, vector<16xf32>,
        tpu.vector_store %arg21[%swap3A_413, %swap3A_414], %mul3A_412 {strides = array<i32>} : memref<40x128xf32, #tpu.memory_space<vmem>>, vector<16xf32>,
        %slice3A_416 = vector.extract_strided_slice %get3A_299 {offsets = [11], sizes = [1], strides = [1]} : vector<16xf32> to vector<1xf32>
        %squeeze3A_417 = vector.extract %slice3A_416[0] : f32 from vector<1xf32>
        %get3A_418 = arith.index_cast %add3A_385 : i32 to index
        %get3A_419 = arith.constant 176 : index
        %get3A_420 = tpu.vector_load %arg11[%get3A_418, %get3A_419] {strides = array<i32>} : memref<40x256xf32, #tpu.memory_space<vmem>>, vector<16xf32>,
        %mul3A_421 = vector.broadcast %squeeze3A_417 : f32 to vector<16xf32>
        %mul3A_422 = arith.mulf %get3A_420, %mul3A_421 : vector<16xf32>
        %swap3A_423 = arith.index_cast %add3A_385 : i32 to index
        %swap3A_424 = arith.constant 48 : index
        %swap3A_425 = tpu.vector_load %arg21[%swap3A_423, %swap3A_424] {strides = array<i32>} : memref<40x128xf32, #tpu.memory_space<vmem>>, vector<16xf32>,
        tpu.vector_store %arg21[%swap3A_423, %swap3A_424], %mul3A_422 {strides = array<i32>} : memref<40x128xf32, #tpu.memory_space<vmem>>, vector<16xf32>,
        %slice3A_426 = vector.extract_strided_slice %get3A_299 {offsets = [12], sizes = [1], strides = [1]} : vector<16xf32> to vector<1xf32>
        %squeeze3A_427 = vector.extract %slice3A_426[0] : f32 from vector<1xf32>
        %get3A_428 = arith.index_cast %add3A_385 : i32 to index
        %get3A_429 = arith.constant 192 : index
        %get3A_430 = tpu.vector_load %arg11[%get3A_428, %get3A_429] {strides = array<i32>} : memref<40x256xf32, #tpu.memory_space<vmem>>, vector<16xf32>,
        %mul3A_431 = vector.broadcast %squeeze3A_427 : f32 to vector<16xf32>
        %mul3A_432 = arith.mulf %get3A_430, %mul3A_431 : vector<16xf32>
        %swap3A_433 = arith.index_cast %add3A_385 : i32 to index
        %swap3A_434 = arith.constant 64 : index
        %swap3A_435 = tpu.vector_load %arg21[%swap3A_433, %swap3A_434] {strides = array<i32>} : memref<40x128xf32, #tpu.memory_space<vmem>>, vector<16xf32>,
        tpu.vector_store %arg21[%swap3A_433, %swap3A_434], %mul3A_432 {strides = array<i32>} : memref<40x128xf32, #tpu.memory_space<vmem>>, vector<16xf32>,
        %slice3A_436 = vector.extract_strided_slice %get3A_299 {offsets = [13], sizes = [1], strides = [1]} : vector<16xf32> to vector<1xf32>
        %squeeze3A_437 = vector.extract %slice3A_436[0] : f32 from vector<1xf32>
        %get3A_438 = arith.index_cast %add3A_385 : i32 to index
        %get3A_439 = arith.constant 208 : index
        %get3A_440 = tpu.vector_load %arg11[%get3A_438, %get3A_439] {strides = array<i32>} : memref<40x256xf32, #tpu.memory_space<vmem>>, vector<16xf32>,
        %mul3A_441 = vector.broadcast %squeeze3A_437 : f32 to vector<16xf32>
        %mul3A_442 = arith.mulf %get3A_440, %mul3A_441 : vector<16xf32>
        %swap3A_443 = arith.index_cast %add3A_385 : i32 to index
        %swap3A_444 = arith.constant 80 : index
        %swap3A_445 = tpu.vector_load %arg21[%swap3A_443, %swap3A_444] {strides = array<i32>} : memref<40x128xf32, #tpu.memory_space<vmem>>, vector<16xf32>,
        tpu.vector_store %arg21[%swap3A_443, %swap3A_444], %mul3A_442 {strides = array<i32>} : memref<40x128xf32, #tpu.memory_space<vmem>>, vector<16xf32>,
        %slice3A_446 = vector.extract_strided_slice %get3A_299 {offsets = [14], sizes = [1], strides = [1]} : vector<16xf32> to vector<1xf32>
        %squeeze3A_447 = vector.extract %slice3A_446[0] : f32 from vector<1xf32>
        %get3A_448 = arith.index_cast %add3A_385 : i32 to index
        %get3A_449 = arith.constant 224 : index
        %get3A_450 = tpu.vector_load %arg11[%get3A_448, %get3A_449] {strides = array<i32>} : memref<40x256xf32, #tpu.memory_space<vmem>>, vector<16xf32>,
        %mul3A_451 = vector.broadcast %squeeze3A_447 : f32 to vector<16xf32>
        %mul3A_452 = arith.mulf %get3A_450, %mul3A_451 : vector<16xf32>
        %swap3A_453 = arith.index_cast %add3A_385 : i32 to index
        %swap3A_454 = arith.constant 96 : index
        %swap3A_455 = tpu.vector_load %arg21[%swap3A_453, %swap3A_454] {strides = array<i32>} : memref<40x128xf32, #tpu.memory_space<vmem>>, vector<16xf32>,
        tpu.vector_store %arg21[%swap3A_453, %swap3A_454], %mul3A_452 {strides = array<i32>} : memref<40x128xf32, #tpu.memory_space<vmem>>, vector<16xf32>,
        %slice3A_456 = vector.extract_strided_slice %get3A_299 {offsets = [15], sizes = [1], strides = [1]} : vector<16xf32> to vector<1xf32>
        %squeeze3A_457 = vector.extract %slice3A_456[0] : f32 from vector<1xf32>
        %get3A_458 = arith.index_cast %add3A_385 : i32 to index
        %get3A_459 = arith.constant 240 : index
        %get3A_460 = tpu.vector_load %arg11[%get3A_458, %get3A_459] {strides = array<i32>} : memref<40x256xf32, #tpu.memory_space<vmem>>, vector<16xf32>,
        %mul3A_461 = vector.broadcast %squeeze3A_457 : f32 to vector<16xf32>
        %mul3A_462 = arith.mulf %get3A_460, %mul3A_461 : vector<16xf32>
        %swap3A_463 = arith.index_cast %add3A_385 : i32 to index
        %swap3A_464 = arith.constant 112 : index
        %swap3A_465 = tpu.vector_load %arg21[%swap3A_463, %swap3A_464] {strides = array<i32>} : memref<40x128xf32, #tpu.memory_space<vmem>>, vector<16xf32>,
        tpu.vector_store %arg21[%swap3A_463, %swap3A_464], %mul3A_462 {strides = array<i32>} : memref<40x128xf32, #tpu.memory_space<vmem>>, vector<16xf32>,
      }
      %scan3A_223 = arith.constant 20 : i32
      %dma_start3A_224 = arith.constant 0 : i32
      %dma_start3A_225 = arith.constant 0 : i32
      %dma_start3A_226 = tpu.memref_slice %arg18[%dma_start3A_224, %dma_start3A_225] : memref<10240x128xf32, #tpu.memory_space<vmem_shared>> -> memref<10240x128xf32, #tpu.memory_space<vmem_shared>>
      tpu.enqueue_indirect_dma source(%arg21 : memref<40x128xf32, #tpu.memory_space<vmem>>) target(%dma_start3A_226 : memref<10240x128xf32, #tpu.memory_space<vmem_shared>>) offsets(%arg19 : memref<40xi32, #tpu.memory_space<vmem>>) semaphore(%arg31 : memref<!tpu.dma_semaphore, #tpu.memory_space<semaphore_mem>>) {add = true}
      %mul3A_227 = arith.constant 10000 : i32
      %mul3A_228 = arith.muli %add3A, %mul3A_227 : i32
      %mul3A_229 = arith.constant 40 : i32
      %mul3A_230 = arith.muli %rem3A_157, %mul3A_229 : i32
      %add3A_231 = arith.addi %mul3A_228, %mul3A_230 : i32
      %dma_wait3A_232 = tpu.memref_slice %arg4[%add3A_231] : memref<320000xi32, #tpu.memory_space<hbm>> -> memref<40xi32, #tpu.memory_space<hbm>>
      %dma_wait3A_233 = tpu.memref_slice %arg4[%add3A_231] : memref<320000xi32, #tpu.memory_space<hbm>> -> memref<40xi32, #tpu.memory_space<hbm>>
      tpu.wait_dma2 semaphore(%arg27 : memref<!tpu.dma_semaphore, #tpu.memory_space<semaphore_mem>>) src(%dma_wait3A_233 : memref<40xi32, #tpu.memory_space<hbm>>) dst(%arg8 : memref<40xi32, #tpu.memory_space<vmem>>)
      %dma_wait3A_234 = tpu.memref_slice %arg5[%add3A_231] : memref<320000xi32, #tpu.memory_space<hbm>> -> memref<40xi32, #tpu.memory_space<hbm>>
      %dma_wait3A_235 = tpu.memref_slice %arg5[%add3A_231] : memref<320000xi32, #tpu.memory_space<hbm>> -> memref<40xi32, #tpu.memory_space<hbm>>
      tpu.wait_dma2 semaphore(%arg27 : memref<!tpu.dma_semaphore, #tpu.memory_space<semaphore_mem>>) src(%dma_wait3A_235 : memref<40xi32, #tpu.memory_space<hbm>>) dst(%arg9 : memref<40xi32, #tpu.memory_space<vmem>>)
      %mul3A_236 = arith.constant 10000 : i32
      %mul3A_237 = arith.muli %add3A, %mul3A_236 : i32
      %mul3A_238 = arith.constant 40 : i32
      %mul3A_239 = arith.muli %rem3A_157, %mul3A_238 : i32
      %add3A_240 = arith.addi %mul3A_237, %mul3A_239 : i32
      %dma_start3A_241 = arith.constant 0 : i32
      %dma_start3A_242 = arith.constant 0 : i32
      %dma_start3A_243 = tpu.memref_slice %arg2[%dma_start3A_241, %dma_start3A_242] : memref<10000x128xf32, #tpu.memory_space<hbm>> -> memref<10000x128xf32, #tpu.memory_space<hbm>>
      tpu.enqueue_indirect_dma source(%dma_start3A_243 : memref<10000x128xf32, #tpu.memory_space<hbm>>) target(%arg10 : memref<40x128xf32, #tpu.memory_space<vmem>>) offsets(%arg9 : memref<40xi32, #tpu.memory_space<vmem>>) semaphore(%arg23 : memref<!tpu.dma_semaphore, #tpu.memory_space<semaphore_mem>>)
      %dma_start3A_244 = arith.constant 0 : i32
      %dma_start3A_245 = arith.constant 0 : i32
      %dma_start3A_246 = tpu.memref_slice %arg3[%dma_start3A_244, %dma_start3A_245] : memref<10000x256xf32, #tpu.memory_space<hbm>> -> memref<10000x256xf32, #tpu.memory_space<hbm>>
      tpu.enqueue_indirect_dma source(%dma_start3A_246 : memref<10000x256xf32, #tpu.memory_space<hbm>>) target(%arg11 : memref<40x256xf32, #tpu.memory_space<vmem>>) offsets(%arg8 : memref<40xi32, #tpu.memory_space<vmem>>) semaphore(%arg24 : memref<!tpu.dma_semaphore, #tpu.memory_space<semaphore_mem>>)
      %not3A_247 = arith.constant true
      %not3A_248 = arith.xori %scan3A_115, %not3A_247 : i1
      %convert_element_type3A_249 = arith.extui %not3A_248 : i1 to i32
      %cond3A_250 = arith.constant 0 : i32
      %cond3A_251 = arith.cmpi ne, %convert_element_type3A_249, %cond3A_250 : i32
      scf.if %cond3A_251 {
        %dma_wait3A_297 = arith.constant 0 : i32
        %dma_wait3A_298 = arith.constant 0 : i32
        %dma_wait3A_299 = tpu.memref_slice %arg18[%dma_wait3A_297, %dma_wait3A_298] : memref<10240x128xf32, #tpu.memory_space<vmem_shared>> -> memref<10240x128xf32, #tpu.memory_space<vmem_shared>>
        tpu.wait_indirect_dma semaphore(%arg31 : memref<!tpu.dma_semaphore, #tpu.memory_space<semaphore_mem>>) src(%arg21 : memref<40x128xf32, #tpu.memory_space<vmem>>) dst(%dma_wait3A_299 : memref<10240x128xf32, #tpu.memory_space<vmem_shared>>)
      } else {
      }
      %dma_start3A_252 = tpu.memref_slice %arg5[%add3A_240] : memref<320000xi32, #tpu.memory_space<hbm>> -> memref<40xi32, #tpu.memory_space<hbm>>
      %dma_start3A_253 = tpu.memref_slice %arg5[%add3A_240] : memref<320000xi32, #tpu.memory_space<hbm>> -> memref<40xi32, #tpu.memory_space<hbm>>
      tpu.enqueue_dma source(%dma_start3A_253 : memref<40xi32, #tpu.memory_space<hbm>>) target(%arg19 : memref<40xi32, #tpu.memory_space<vmem>>) target_semaphore(%arg29 : memref<!tpu.dma_semaphore, #tpu.memory_space<semaphore_mem>>)
      %add3A_254 = arith.constant 1 : i32
      %add3A_255 = arith.addi %mul3A_154, %add3A_254 : i32
      %mul3A_256 = arith.constant 10000 : i32
      %mul3A_257 = arith.muli %add3A, %mul3A_256 : i32
      %mul3A_258 = arith.constant 40 : i32
      %mul3A_259 = arith.muli %add3A_255, %mul3A_258 : i32
      %add3A_260 = arith.addi %mul3A_257, %mul3A_259 : i32
      %dma_wait3A_261 = arith.constant 0 : i32
      %dma_wait3A_262 = arith.constant 0 : i32
      %dma_wait3A_263 = tpu.memref_slice %arg2[%dma_wait3A_261, %dma_wait3A_262] : memref<10000x128xf32, #tpu.memory_space<hbm>> -> memref<10000x128xf32, #tpu.memory_space<hbm>>
      tpu.wait_indirect_dma semaphore(%arg25 : memref<!tpu.dma_semaphore, #tpu.memory_space<semaphore_mem>>) src(%dma_wait3A_263 : memref<10000x128xf32, #tpu.memory_space<hbm>>) dst(%arg14 : memref<40x128xf32, #tpu.memory_space<vmem>>)
      %dma_wait3A_264 = arith.constant 0 : i32
      %dma_wait3A_265 = arith.constant 0 : i32
      %dma_wait3A_266 = tpu.memref_slice %arg3[%dma_wait3A_264, %dma_wait3A_265] : memref<10000x256xf32, #tpu.memory_space<hbm>> -> memref<10000x256xf32, #tpu.memory_space<hbm>>
      tpu.wait_indirect_dma semaphore(%arg26 : memref<!tpu.dma_semaphore, #tpu.memory_space<semaphore_mem>>) src(%dma_wait3A_266 : memref<10000x256xf32, #tpu.memory_space<hbm>>) dst(%arg15 : memref<40x256xf32, #tpu.memory_space<vmem>>)
      %dma_wait3A_267 = tpu.memref_slice %arg5[%add3A_260] : memref<320000xi32, #tpu.memory_space<hbm>> -> memref<40xi32, #tpu.memory_space<hbm>>
      %dma_wait3A_268 = tpu.memref_slice %arg5[%add3A_260] : memref<320000xi32, #tpu.memory_space<hbm>> -> memref<40xi32, #tpu.memory_space<hbm>>
      tpu.wait_dma2 semaphore(%arg30 : memref<!tpu.dma_semaphore, #tpu.memory_space<semaphore_mem>>) src(%dma_wait3A_268 : memref<40xi32, #tpu.memory_space<hbm>>) dst(%arg20 : memref<40xi32, #tpu.memory_space<vmem>>)
      %add3A_269 = arith.constant 3 : i32
      %add3A_270 = arith.addi %mul3A_154, %add3A_269 : i32
      %rem3A_271 = arith.constant 250 : i32
      %rem3A_272 = arith.remsi %add3A_270, %rem3A_271 : i32
      %mul3A_273 = arith.constant 10000 : i32
      %mul3A_274 = arith.muli %add3A, %mul3A_273 : i32
      %mul3A_275 = arith.constant 40 : i32
      %mul3A_276 = arith.muli %rem3A_272, %mul3A_275 : i32
      %add3A_277 = arith.addi %mul3A_274, %mul3A_276 : i32
      %dma_start3A_278 = tpu.memref_slice %arg4[%add3A_277] : memref<320000xi32, #tpu.memory_space<hbm>> -> memref<40xi32, #tpu.memory_space<hbm>>
      %dma_start3A_279 = tpu.memref_slice %arg4[%add3A_277] : memref<320000xi32, #tpu.memory_space<hbm>> -> memref<40xi32, #tpu.memory_space<hbm>>
      tpu.enqueue_dma source(%dma_start3A_279 : memref<40xi32, #tpu.memory_space<hbm>>) target(%arg12 : memref<40xi32, #tpu.memory_space<vmem>>) target_semaphore(%arg28 : memref<!tpu.dma_semaphore, #tpu.memory_space<semaphore_mem>>)
      %dma_start3A_280 = tpu.memref_slice %arg5[%add3A_277] : memref<320000xi32, #tpu.memory_space<hbm>> -> memref<40xi32, #tpu.memory_space<hbm>>
      %dma_start3A_281 = tpu.memref_slice %arg5[%add3A_277] : memref<320000xi32, #tpu.memory_space<hbm>> -> memref<40xi32, #tpu.memory_space<hbm>>
      tpu.enqueue_dma source(%dma_start3A_281 : memref<40xi32, #tpu.memory_space<hbm>>) target(%arg13 : memref<40xi32, #tpu.memory_space<vmem>>) target_semaphore(%arg28 : memref<!tpu.dma_semaphore, #tpu.memory_space<semaphore_mem>>)
      %scan3A_282 = arith.constant 0 : i32
      %scan3A_283 = arith.constant 20 : i32
      %scan3A_284 = arith.addi %scan3A_282, %scan3A_283 : i32
      %scan3A_285 = arith.constant 1 : i32
      %scan3A_286 = scf.for %scan3A_297 = %scan3A_282 to %scan3A_284 step %scan3A_285 iter_args(%scan3A_298 = %scan3A_216) -> (vector<16xf32>)  : i32 {
        %mul3A_299 = arith.constant 2 : i32
        %mul3A_300 = arith.muli %mul3A_299, %scan3A_297 : i32
        %add3A_301 = vector.broadcast %mul3A_300 : i32 to vector<16xi32>
        %add3A_302 = arith.addi %add3A_301, %shift_right_logical3A_71 : vector<16xi32>
        %broadcast_in_dim3A_303 = arith.constant 0.000000e+00 : f32
        %broadcast_in_dim3A_304 = vector.broadcast %broadcast_in_dim3A_303 : f32 to vector<16xf32>
        %add3A_305 = arith.constant 0 : i32
        %add3A_306 = vector.broadcast %add3A_305 : i32 to vector<16xi32>
        %add3A_307 = arith.addi %mul3A_76, %add3A_306 : vector<16xi32>
        %gather3A = tpu.vector_load_idx %arg14[%add3A_302, %add3A_307] : memref<40x128xf32, #tpu.memory_space<vmem>>[vector<16xi32>, vector<16xi32>], vector<16xf32>,
        %gather3A_308 = tpu.vector_load_idx %arg15[%add3A_302, %add3A_307] : memref<40x256xf32, #tpu.memory_space<vmem>>[vector<16xi32>, vector<16xi32>], vector<16xf32>,
        %mul3A_309 = arith.mulf %gather3A, %gather3A_308 : vector<16xf32>
        %add3A_310 = arith.addf %broadcast_in_dim3A_304, %mul3A_309 : vector<16xf32>
        %add3A_311 = arith.constant 1 : i32
        %add3A_312 = vector.broadcast %add3A_311 : i32 to vector<16xi32>
        %add3A_313 = arith.addi %mul3A_76, %add3A_312 : vector<16xi32>
        %gather3A_314 = tpu.vector_load_idx %arg14[%add3A_302, %add3A_313] : memref<40x128xf32, #tpu.memory_space<vmem>>[vector<16xi32>, vector<16xi32>], vector<16xf32>,
        %gather3A_315 = tpu.vector_load_idx %arg15[%add3A_302, %add3A_313] : memref<40x256xf32, #tpu.memory_space<vmem>>[vector<16xi32>, vector<16xi32>], vector<16xf32>,
        %mul3A_316 = arith.mulf %gather3A_314, %gather3A_315 : vector<16xf32>
        %add3A_317 = arith.addf %add3A_310, %mul3A_316 : vector<16xf32>
        %add3A_318 = arith.constant 2 : i32
        %add3A_319 = vector.broadcast %add3A_318 : i32 to vector<16xi32>
        %add3A_320 = arith.addi %mul3A_76, %add3A_319 : vector<16xi32>
        %gather3A_321 = tpu.vector_load_idx %arg14[%add3A_302, %add3A_320] : memref<40x128xf32, #tpu.memory_space<vmem>>[vector<16xi32>, vector<16xi32>], vector<16xf32>,
        %gather3A_322 = tpu.vector_load_idx %arg15[%add3A_302, %add3A_320] : memref<40x256xf32, #tpu.memory_space<vmem>>[vector<16xi32>, vector<16xi32>], vector<16xf32>,
        %mul3A_323 = arith.mulf %gather3A_321, %gather3A_322 : vector<16xf32>
        %add3A_324 = arith.addf %add3A_317, %mul3A_323 : vector<16xf32>
        %add3A_325 = arith.constant 3 : i32
        %add3A_326 = vector.broadcast %add3A_325 : i32 to vector<16xi32>
        %add3A_327 = arith.addi %mul3A_76, %add3A_326 : vector<16xi32>
        %gather3A_328 = tpu.vector_load_idx %arg14[%add3A_302, %add3A_327] : memref<40x128xf32, #tpu.memory_space<vmem>>[vector<16xi32>, vector<16xi32>], vector<16xf32>,
        %gather3A_329 = tpu.vector_load_idx %arg15[%add3A_302, %add3A_327] : memref<40x256xf32, #tpu.memory_space<vmem>>[vector<16xi32>, vector<16xi32>], vector<16xf32>,
        %mul3A_330 = arith.mulf %gather3A_328, %gather3A_329 : vector<16xf32>
        %add3A_331 = arith.addf %add3A_324, %mul3A_330 : vector<16xf32>
        %add3A_332 = arith.constant 4 : i32
        %add3A_333 = vector.broadcast %add3A_332 : i32 to vector<16xi32>
        %add3A_334 = arith.addi %mul3A_76, %add3A_333 : vector<16xi32>
        %gather3A_335 = tpu.vector_load_idx %arg14[%add3A_302, %add3A_334] : memref<40x128xf32, #tpu.memory_space<vmem>>[vector<16xi32>, vector<16xi32>], vector<16xf32>,
        %gather3A_336 = tpu.vector_load_idx %arg15[%add3A_302, %add3A_334] : memref<40x256xf32, #tpu.memory_space<vmem>>[vector<16xi32>, vector<16xi32>], vector<16xf32>,
        %mul3A_337 = arith.mulf %gather3A_335, %gather3A_336 : vector<16xf32>
        %add3A_338 = arith.addf %add3A_331, %mul3A_337 : vector<16xf32>
        %add3A_339 = arith.constant 5 : i32
        %add3A_340 = vector.broadcast %add3A_339 : i32 to vector<16xi32>
        %add3A_341 = arith.addi %mul3A_76, %add3A_340 : vector<16xi32>
        %gather3A_342 = tpu.vector_load_idx %arg14[%add3A_302, %add3A_341] : memref<40x128xf32, #tpu.memory_space<vmem>>[vector<16xi32>, vector<16xi32>], vector<16xf32>,
        %gather3A_343 = tpu.vector_load_idx %arg15[%add3A_302, %add3A_341] : memref<40x256xf32, #tpu.memory_space<vmem>>[vector<16xi32>, vector<16xi32>], vector<16xf32>,
        %mul3A_344 = arith.mulf %gather3A_342, %gather3A_343 : vector<16xf32>
        %add3A_345 = arith.addf %add3A_338, %mul3A_344 : vector<16xf32>
        %add3A_346 = arith.constant 6 : i32
        %add3A_347 = vector.broadcast %add3A_346 : i32 to vector<16xi32>
        %add3A_348 = arith.addi %mul3A_76, %add3A_347 : vector<16xi32>
        %gather3A_349 = tpu.vector_load_idx %arg14[%add3A_302, %add3A_348] : memref<40x128xf32, #tpu.memory_space<vmem>>[vector<16xi32>, vector<16xi32>], vector<16xf32>,
        %gather3A_350 = tpu.vector_load_idx %arg15[%add3A_302, %add3A_348] : memref<40x256xf32, #tpu.memory_space<vmem>>[vector<16xi32>, vector<16xi32>], vector<16xf32>,
        %mul3A_351 = arith.mulf %gather3A_349, %gather3A_350 : vector<16xf32>
        %add3A_352 = arith.addf %add3A_345, %mul3A_351 : vector<16xf32>
        %add3A_353 = arith.constant 7 : i32
        %add3A_354 = vector.broadcast %add3A_353 : i32 to vector<16xi32>
        %add3A_355 = arith.addi %mul3A_76, %add3A_354 : vector<16xi32>
        %gather3A_356 = tpu.vector_load_idx %arg14[%add3A_302, %add3A_355] : memref<40x128xf32, #tpu.memory_space<vmem>>[vector<16xi32>, vector<16xi32>], vector<16xf32>,
        %gather3A_357 = tpu.vector_load_idx %arg15[%add3A_302, %add3A_355] : memref<40x256xf32, #tpu.memory_space<vmem>>[vector<16xi32>, vector<16xi32>], vector<16xf32>,
        %mul3A_358 = arith.mulf %gather3A_356, %gather3A_357 : vector<16xf32>
        %add3A_359 = arith.addf %add3A_352, %mul3A_358 : vector<16xf32>
        %add3A_360 = arith.constant 8 : i32
        %add3A_361 = vector.broadcast %add3A_360 : i32 to vector<16xi32>
        %add3A_362 = arith.addi %mul3A_76, %add3A_361 : vector<16xi32>
        %gather3A_363 = tpu.vector_load_idx %arg14[%add3A_302, %add3A_362] : memref<40x128xf32, #tpu.memory_space<vmem>>[vector<16xi32>, vector<16xi32>], vector<16xf32>,
        %gather3A_364 = tpu.vector_load_idx %arg15[%add3A_302, %add3A_362] : memref<40x256xf32, #tpu.memory_space<vmem>>[vector<16xi32>, vector<16xi32>], vector<16xf32>,
        %mul3A_365 = arith.mulf %gather3A_363, %gather3A_364 : vector<16xf32>
        %add3A_366 = arith.addf %add3A_359, %mul3A_365 : vector<16xf32>
        %add3A_367 = arith.constant 9 : i32
        %add3A_368 = vector.broadcast %add3A_367 : i32 to vector<16xi32>
        %add3A_369 = arith.addi %mul3A_76, %add3A_368 : vector<16xi32>
        %gather3A_370 = tpu.vector_load_idx %arg14[%add3A_302, %add3A_369] : memref<40x128xf32, #tpu.memory_space<vmem>>[vector<16xi32>, vector<16xi32>], vector<16xf32>,
        %gather3A_371 = tpu.vector_load_idx %arg15[%add3A_302, %add3A_369] : memref<40x256xf32, #tpu.memory_space<vmem>>[vector<16xi32>, vector<16xi32>], vector<16xf32>,
        %mul3A_372 = arith.mulf %gather3A_370, %gather3A_371 : vector<16xf32>
        %add3A_373 = arith.addf %add3A_366, %mul3A_372 : vector<16xf32>
        %add3A_374 = arith.constant 10 : i32
        %add3A_375 = vector.broadcast %add3A_374 : i32 to vector<16xi32>
        %add3A_376 = arith.addi %mul3A_76, %add3A_375 : vector<16xi32>
        %gather3A_377 = tpu.vector_load_idx %arg14[%add3A_302, %add3A_376] : memref<40x128xf32, #tpu.memory_space<vmem>>[vector<16xi32>, vector<16xi32>], vector<16xf32>,
        %gather3A_378 = tpu.vector_load_idx %arg15[%add3A_302, %add3A_376] : memref<40x256xf32, #tpu.memory_space<vmem>>[vector<16xi32>, vector<16xi32>], vector<16xf32>,
        %mul3A_379 = arith.mulf %gather3A_377, %gather3A_378 : vector<16xf32>
        %add3A_380 = arith.addf %add3A_373, %mul3A_379 : vector<16xf32>
        %add3A_381 = arith.constant 11 : i32
        %add3A_382 = vector.broadcast %add3A_381 : i32 to vector<16xi32>
        %add3A_383 = arith.addi %mul3A_76, %add3A_382 : vector<16xi32>
        %gather3A_384 = tpu.vector_load_idx %arg14[%add3A_302, %add3A_383] : memref<40x128xf32, #tpu.memory_space<vmem>>[vector<16xi32>, vector<16xi32>], vector<16xf32>,
        %gather3A_385 = tpu.vector_load_idx %arg15[%add3A_302, %add3A_383] : memref<40x256xf32, #tpu.memory_space<vmem>>[vector<16xi32>, vector<16xi32>], vector<16xf32>,
        %mul3A_386 = arith.mulf %gather3A_384, %gather3A_385 : vector<16xf32>
        %add3A_387 = arith.addf %add3A_380, %mul3A_386 : vector<16xf32>
        %add3A_388 = arith.constant 12 : i32
        %add3A_389 = vector.broadcast %add3A_388 : i32 to vector<16xi32>
        %add3A_390 = arith.addi %mul3A_76, %add3A_389 : vector<16xi32>
        %gather3A_391 = tpu.vector_load_idx %arg14[%add3A_302, %add3A_390] : memref<40x128xf32, #tpu.memory_space<vmem>>[vector<16xi32>, vector<16xi32>], vector<16xf32>,
        %gather3A_392 = tpu.vector_load_idx %arg15[%add3A_302, %add3A_390] : memref<40x256xf32, #tpu.memory_space<vmem>>[vector<16xi32>, vector<16xi32>], vector<16xf32>,
        %mul3A_393 = arith.mulf %gather3A_391, %gather3A_392 : vector<16xf32>
        %add3A_394 = arith.addf %add3A_387, %mul3A_393 : vector<16xf32>
        %add3A_395 = arith.constant 13 : i32
        %add3A_396 = vector.broadcast %add3A_395 : i32 to vector<16xi32>
        %add3A_397 = arith.addi %mul3A_76, %add3A_396 : vector<16xi32>
        %gather3A_398 = tpu.vector_load_idx %arg14[%add3A_302, %add3A_397] : memref<40x128xf32, #tpu.memory_space<vmem>>[vector<16xi32>, vector<16xi32>], vector<16xf32>,
        %gather3A_399 = tpu.vector_load_idx %arg15[%add3A_302, %add3A_397] : memref<40x256xf32, #tpu.memory_space<vmem>>[vector<16xi32>, vector<16xi32>], vector<16xf32>,
        %mul3A_400 = arith.mulf %gather3A_398, %gather3A_399 : vector<16xf32>
        %add3A_401 = arith.addf %add3A_394, %mul3A_400 : vector<16xf32>
        %add3A_402 = arith.constant 14 : i32
        %add3A_403 = vector.broadcast %add3A_402 : i32 to vector<16xi32>
        %add3A_404 = arith.addi %mul3A_76, %add3A_403 : vector<16xi32>
        %gather3A_405 = tpu.vector_load_idx %arg14[%add3A_302, %add3A_404] : memref<40x128xf32, #tpu.memory_space<vmem>>[vector<16xi32>, vector<16xi32>], vector<16xf32>,
        %gather3A_406 = tpu.vector_load_idx %arg15[%add3A_302, %add3A_404] : memref<40x256xf32, #tpu.memory_space<vmem>>[vector<16xi32>, vector<16xi32>], vector<16xf32>,
        %mul3A_407 = arith.mulf %gather3A_405, %gather3A_406 : vector<16xf32>
        %add3A_408 = arith.addf %add3A_401, %mul3A_407 : vector<16xf32>
        %add3A_409 = arith.constant 15 : i32
        %add3A_410 = vector.broadcast %add3A_409 : i32 to vector<16xi32>
        %add3A_411 = arith.addi %mul3A_76, %add3A_410 : vector<16xi32>
        %gather3A_412 = tpu.vector_load_idx %arg14[%add3A_302, %add3A_411] : memref<40x128xf32, #tpu.memory_space<vmem>>[vector<16xi32>, vector<16xi32>], vector<16xf32>,
        %gather3A_413 = tpu.vector_load_idx %arg15[%add3A_302, %add3A_411] : memref<40x256xf32, #tpu.memory_space<vmem>>[vector<16xi32>, vector<16xi32>], vector<16xf32>,
        %mul3A_414 = arith.mulf %gather3A_412, %gather3A_413 : vector<16xf32>
        %add3A_415 = arith.addf %add3A_408, %mul3A_414 : vector<16xf32>
        %mul3A_416 = arith.constant 2.500000e-01 : f32
        %mul3A_417 = vector.broadcast %mul3A_416 : f32 to vector<16xf32>
        %mul3A_418 = arith.mulf %add3A_415, %mul3A_417 : vector<16xf32>
        %exp3A = math.exp %mul3A_418 : vector<16xf32>
        %swap3A_419 = arith.index_cast %scan3A_297 : i32 to index
        %swap3A_420 = arith.constant 0 : index
        %swap3A_421 = tpu.vector_load %arg16[%swap3A_419, %swap3A_420] {strides = array<i32>} : memref<20x16xf32, #tpu.memory_space<vmem>>, vector<16xf32>,
        tpu.vector_store %arg16[%swap3A_419, %swap3A_420], %exp3A {strides = array<i32>} : memref<20x16xf32, #tpu.memory_space<vmem>>, vector<16xf32>,
        %add3A_422 = arith.addf %scan3A_298, %exp3A : vector<16xf32>
        scf.yield %add3A_422 : vector<16xf32>
      }
      %scan3A_287 = arith.constant 20 : i32
      %scan3A_288 = arith.constant 0 : i32
      %scan3A_289 = arith.constant 0 : i32
      %scan3A_290 = arith.constant 20 : i32
      %scan3A_291 = arith.addi %scan3A_289, %scan3A_290 : i32
      %scan3A_292 = arith.constant 1 : i32
      scf.for %scan3A_297 = %scan3A_289 to %scan3A_291 step %scan3A_292  : i32 {
        %get3A = arith.index_cast %scan3A_297 : i32 to index
        %get3A_298 = arith.constant 0 : index
        %get3A_299 = tpu.vector_load %arg16[%get3A, %get3A_298] {strides = array<i32>} : memref<20x16xf32, #tpu.memory_space<vmem>>, vector<16xf32>,
        %mul3A_300 = arith.constant 2 : i32
        %mul3A_301 = arith.muli %mul3A_300, %scan3A_297 : i32
        %add3A_302 = arith.constant 0 : i32
        %add3A_303 = arith.addi %mul3A_301, %add3A_302 : i32
        %slice3A = vector.extract_strided_slice %get3A_299 {offsets = [0], sizes = [1], strides = [1]} : vector<16xf32> to vector<1xf32>
        %squeeze3A = vector.extract %slice3A[0] : f32 from vector<1xf32>
        %get3A_304 = arith.index_cast %add3A_303 : i32 to index
        %get3A_305 = arith.constant 128 : index
        %get3A_306 = tpu.vector_load %arg15[%get3A_304, %get3A_305] {strides = array<i32>} : memref<40x256xf32, #tpu.memory_space<vmem>>, vector<16xf32>,
        %mul3A_307 = vector.broadcast %squeeze3A : f32 to vector<16xf32>
        %mul3A_308 = arith.mulf %get3A_306, %mul3A_307 : vector<16xf32>
        %swap3A_309 = arith.index_cast %add3A_303 : i32 to index
        %swap3A_310 = arith.constant 0 : index
        %swap3A_311 = tpu.vector_load %arg22[%swap3A_309, %swap3A_310] {strides = array<i32>} : memref<40x128xf32, #tpu.memory_space<vmem>>, vector<16xf32>,
        tpu.vector_store %arg22[%swap3A_309, %swap3A_310], %mul3A_308 {strides = array<i32>} : memref<40x128xf32, #tpu.memory_space<vmem>>, vector<16xf32>,
        %slice3A_312 = vector.extract_strided_slice %get3A_299 {offsets = [1], sizes = [1], strides = [1]} : vector<16xf32> to vector<1xf32>
        %squeeze3A_313 = vector.extract %slice3A_312[0] : f32 from vector<1xf32>
        %get3A_314 = arith.index_cast %add3A_303 : i32 to index
        %get3A_315 = arith.constant 144 : index
        %get3A_316 = tpu.vector_load %arg15[%get3A_314, %get3A_315] {strides = array<i32>} : memref<40x256xf32, #tpu.memory_space<vmem>>, vector<16xf32>,
        %mul3A_317 = vector.broadcast %squeeze3A_313 : f32 to vector<16xf32>
        %mul3A_318 = arith.mulf %get3A_316, %mul3A_317 : vector<16xf32>
        %swap3A_319 = arith.index_cast %add3A_303 : i32 to index
        %swap3A_320 = arith.constant 16 : index
        %swap3A_321 = tpu.vector_load %arg22[%swap3A_319, %swap3A_320] {strides = array<i32>} : memref<40x128xf32, #tpu.memory_space<vmem>>, vector<16xf32>,
        tpu.vector_store %arg22[%swap3A_319, %swap3A_320], %mul3A_318 {strides = array<i32>} : memref<40x128xf32, #tpu.memory_space<vmem>>, vector<16xf32>,
        %slice3A_322 = vector.extract_strided_slice %get3A_299 {offsets = [2], sizes = [1], strides = [1]} : vector<16xf32> to vector<1xf32>
        %squeeze3A_323 = vector.extract %slice3A_322[0] : f32 from vector<1xf32>
        %get3A_324 = arith.index_cast %add3A_303 : i32 to index
        %get3A_325 = arith.constant 160 : index
        %get3A_326 = tpu.vector_load %arg15[%get3A_324, %get3A_325] {strides = array<i32>} : memref<40x256xf32, #tpu.memory_space<vmem>>, vector<16xf32>,
        %mul3A_327 = vector.broadcast %squeeze3A_323 : f32 to vector<16xf32>
        %mul3A_328 = arith.mulf %get3A_326, %mul3A_327 : vector<16xf32>
        %swap3A_329 = arith.index_cast %add3A_303 : i32 to index
        %swap3A_330 = arith.constant 32 : index
        %swap3A_331 = tpu.vector_load %arg22[%swap3A_329, %swap3A_330] {strides = array<i32>} : memref<40x128xf32, #tpu.memory_space<vmem>>, vector<16xf32>,
        tpu.vector_store %arg22[%swap3A_329, %swap3A_330], %mul3A_328 {strides = array<i32>} : memref<40x128xf32, #tpu.memory_space<vmem>>, vector<16xf32>,
        %slice3A_332 = vector.extract_strided_slice %get3A_299 {offsets = [3], sizes = [1], strides = [1]} : vector<16xf32> to vector<1xf32>
        %squeeze3A_333 = vector.extract %slice3A_332[0] : f32 from vector<1xf32>
        %get3A_334 = arith.index_cast %add3A_303 : i32 to index
        %get3A_335 = arith.constant 176 : index
        %get3A_336 = tpu.vector_load %arg15[%get3A_334, %get3A_335] {strides = array<i32>} : memref<40x256xf32, #tpu.memory_space<vmem>>, vector<16xf32>,
        %mul3A_337 = vector.broadcast %squeeze3A_333 : f32 to vector<16xf32>
        %mul3A_338 = arith.mulf %get3A_336, %mul3A_337 : vector<16xf32>
        %swap3A_339 = arith.index_cast %add3A_303 : i32 to index
        %swap3A_340 = arith.constant 48 : index
        %swap3A_341 = tpu.vector_load %arg22[%swap3A_339, %swap3A_340] {strides = array<i32>} : memref<40x128xf32, #tpu.memory_space<vmem>>, vector<16xf32>,
        tpu.vector_store %arg22[%swap3A_339, %swap3A_340], %mul3A_338 {strides = array<i32>} : memref<40x128xf32, #tpu.memory_space<vmem>>, vector<16xf32>,
        %slice3A_342 = vector.extract_strided_slice %get3A_299 {offsets = [4], sizes = [1], strides = [1]} : vector<16xf32> to vector<1xf32>
        %squeeze3A_343 = vector.extract %slice3A_342[0] : f32 from vector<1xf32>
        %get3A_344 = arith.index_cast %add3A_303 : i32 to index
        %get3A_345 = arith.constant 192 : index
        %get3A_346 = tpu.vector_load %arg15[%get3A_344, %get3A_345] {strides = array<i32>} : memref<40x256xf32, #tpu.memory_space<vmem>>, vector<16xf32>,
        %mul3A_347 = vector.broadcast %squeeze3A_343 : f32 to vector<16xf32>
        %mul3A_348 = arith.mulf %get3A_346, %mul3A_347 : vector<16xf32>
        %swap3A_349 = arith.index_cast %add3A_303 : i32 to index
        %swap3A_350 = arith.constant 64 : index
        %swap3A_351 = tpu.vector_load %arg22[%swap3A_349, %swap3A_350] {strides = array<i32>} : memref<40x128xf32, #tpu.memory_space<vmem>>, vector<16xf32>,
        tpu.vector_store %arg22[%swap3A_349, %swap3A_350], %mul3A_348 {strides = array<i32>} : memref<40x128xf32, #tpu.memory_space<vmem>>, vector<16xf32>,
        %slice3A_352 = vector.extract_strided_slice %get3A_299 {offsets = [5], sizes = [1], strides = [1]} : vector<16xf32> to vector<1xf32>
        %squeeze3A_353 = vector.extract %slice3A_352[0] : f32 from vector<1xf32>
        %get3A_354 = arith.index_cast %add3A_303 : i32 to index
        %get3A_355 = arith.constant 208 : index
        %get3A_356 = tpu.vector_load %arg15[%get3A_354, %get3A_355] {strides = array<i32>} : memref<40x256xf32, #tpu.memory_space<vmem>>, vector<16xf32>,
        %mul3A_357 = vector.broadcast %squeeze3A_353 : f32 to vector<16xf32>
        %mul3A_358 = arith.mulf %get3A_356, %mul3A_357 : vector<16xf32>
        %swap3A_359 = arith.index_cast %add3A_303 : i32 to index
        %swap3A_360 = arith.constant 80 : index
        %swap3A_361 = tpu.vector_load %arg22[%swap3A_359, %swap3A_360] {strides = array<i32>} : memref<40x128xf32, #tpu.memory_space<vmem>>, vector<16xf32>,
        tpu.vector_store %arg22[%swap3A_359, %swap3A_360], %mul3A_358 {strides = array<i32>} : memref<40x128xf32, #tpu.memory_space<vmem>>, vector<16xf32>,
        %slice3A_362 = vector.extract_strided_slice %get3A_299 {offsets = [6], sizes = [1], strides = [1]} : vector<16xf32> to vector<1xf32>
        %squeeze3A_363 = vector.extract %slice3A_362[0] : f32 from vector<1xf32>
        %get3A_364 = arith.index_cast %add3A_303 : i32 to index
        %get3A_365 = arith.constant 224 : index
        %get3A_366 = tpu.vector_load %arg15[%get3A_364, %get3A_365] {strides = array<i32>} : memref<40x256xf32, #tpu.memory_space<vmem>>, vector<16xf32>,
        %mul3A_367 = vector.broadcast %squeeze3A_363 : f32 to vector<16xf32>
        %mul3A_368 = arith.mulf %get3A_366, %mul3A_367 : vector<16xf32>
        %swap3A_369 = arith.index_cast %add3A_303 : i32 to index
        %swap3A_370 = arith.constant 96 : index
        %swap3A_371 = tpu.vector_load %arg22[%swap3A_369, %swap3A_370] {strides = array<i32>} : memref<40x128xf32, #tpu.memory_space<vmem>>, vector<16xf32>,
        tpu.vector_store %arg22[%swap3A_369, %swap3A_370], %mul3A_368 {strides = array<i32>} : memref<40x128xf32, #tpu.memory_space<vmem>>, vector<16xf32>,
        %slice3A_372 = vector.extract_strided_slice %get3A_299 {offsets = [7], sizes = [1], strides = [1]} : vector<16xf32> to vector<1xf32>
        %squeeze3A_373 = vector.extract %slice3A_372[0] : f32 from vector<1xf32>
        %get3A_374 = arith.index_cast %add3A_303 : i32 to index
        %get3A_375 = arith.constant 240 : index
        %get3A_376 = tpu.vector_load %arg15[%get3A_374, %get3A_375] {strides = array<i32>} : memref<40x256xf32, #tpu.memory_space<vmem>>, vector<16xf32>,
        %mul3A_377 = vector.broadcast %squeeze3A_373 : f32 to vector<16xf32>
        %mul3A_378 = arith.mulf %get3A_376, %mul3A_377 : vector<16xf32>
        %swap3A_379 = arith.index_cast %add3A_303 : i32 to index
        %swap3A_380 = arith.constant 112 : index
        %swap3A_381 = tpu.vector_load %arg22[%swap3A_379, %swap3A_380] {strides = array<i32>} : memref<40x128xf32, #tpu.memory_space<vmem>>, vector<16xf32>,
        tpu.vector_store %arg22[%swap3A_379, %swap3A_380], %mul3A_378 {strides = array<i32>} : memref<40x128xf32, #tpu.memory_space<vmem>>, vector<16xf32>,
        %mul3A_382 = arith.constant 2 : i32
        %mul3A_383 = arith.muli %mul3A_382, %scan3A_297 : i32
        %add3A_384 = arith.constant 1 : i32
        %add3A_385 = arith.addi %mul3A_383, %add3A_384 : i32
        %slice3A_386 = vector.extract_strided_slice %get3A_299 {offsets = [8], sizes = [1], strides = [1]} : vector<16xf32> to vector<1xf32>
        %squeeze3A_387 = vector.extract %slice3A_386[0] : f32 from vector<1xf32>
        %get3A_388 = arith.index_cast %add3A_385 : i32 to index
        %get3A_389 = arith.constant 128 : index
        %get3A_390 = tpu.vector_load %arg15[%get3A_388, %get3A_389] {strides = array<i32>} : memref<40x256xf32, #tpu.memory_space<vmem>>, vector<16xf32>,
        %mul3A_391 = vector.broadcast %squeeze3A_387 : f32 to vector<16xf32>
        %mul3A_392 = arith.mulf %get3A_390, %mul3A_391 : vector<16xf32>
        %swap3A_393 = arith.index_cast %add3A_385 : i32 to index
        %swap3A_394 = arith.constant 0 : index
        %swap3A_395 = tpu.vector_load %arg22[%swap3A_393, %swap3A_394] {strides = array<i32>} : memref<40x128xf32, #tpu.memory_space<vmem>>, vector<16xf32>,
        tpu.vector_store %arg22[%swap3A_393, %swap3A_394], %mul3A_392 {strides = array<i32>} : memref<40x128xf32, #tpu.memory_space<vmem>>, vector<16xf32>,
        %slice3A_396 = vector.extract_strided_slice %get3A_299 {offsets = [9], sizes = [1], strides = [1]} : vector<16xf32> to vector<1xf32>
        %squeeze3A_397 = vector.extract %slice3A_396[0] : f32 from vector<1xf32>
        %get3A_398 = arith.index_cast %add3A_385 : i32 to index
        %get3A_399 = arith.constant 144 : index
        %get3A_400 = tpu.vector_load %arg15[%get3A_398, %get3A_399] {strides = array<i32>} : memref<40x256xf32, #tpu.memory_space<vmem>>, vector<16xf32>,
        %mul3A_401 = vector.broadcast %squeeze3A_397 : f32 to vector<16xf32>
        %mul3A_402 = arith.mulf %get3A_400, %mul3A_401 : vector<16xf32>
        %swap3A_403 = arith.index_cast %add3A_385 : i32 to index
        %swap3A_404 = arith.constant 16 : index
        %swap3A_405 = tpu.vector_load %arg22[%swap3A_403, %swap3A_404] {strides = array<i32>} : memref<40x128xf32, #tpu.memory_space<vmem>>, vector<16xf32>,
        tpu.vector_store %arg22[%swap3A_403, %swap3A_404], %mul3A_402 {strides = array<i32>} : memref<40x128xf32, #tpu.memory_space<vmem>>, vector<16xf32>,
        %slice3A_406 = vector.extract_strided_slice %get3A_299 {offsets = [10], sizes = [1], strides = [1]} : vector<16xf32> to vector<1xf32>
        %squeeze3A_407 = vector.extract %slice3A_406[0] : f32 from vector<1xf32>
        %get3A_408 = arith.index_cast %add3A_385 : i32 to index
        %get3A_409 = arith.constant 160 : index
        %get3A_410 = tpu.vector_load %arg15[%get3A_408, %get3A_409] {strides = array<i32>} : memref<40x256xf32, #tpu.memory_space<vmem>>, vector<16xf32>,
        %mul3A_411 = vector.broadcast %squeeze3A_407 : f32 to vector<16xf32>
        %mul3A_412 = arith.mulf %get3A_410, %mul3A_411 : vector<16xf32>
        %swap3A_413 = arith.index_cast %add3A_385 : i32 to index
        %swap3A_414 = arith.constant 32 : index
        %swap3A_415 = tpu.vector_load %arg22[%swap3A_413, %swap3A_414] {strides = array<i32>} : memref<40x128xf32, #tpu.memory_space<vmem>>, vector<16xf32>,
        tpu.vector_store %arg22[%swap3A_413, %swap3A_414], %mul3A_412 {strides = array<i32>} : memref<40x128xf32, #tpu.memory_space<vmem>>, vector<16xf32>,
        %slice3A_416 = vector.extract_strided_slice %get3A_299 {offsets = [11], sizes = [1], strides = [1]} : vector<16xf32> to vector<1xf32>
        %squeeze3A_417 = vector.extract %slice3A_416[0] : f32 from vector<1xf32>
        %get3A_418 = arith.index_cast %add3A_385 : i32 to index
        %get3A_419 = arith.constant 176 : index
        %get3A_420 = tpu.vector_load %arg15[%get3A_418, %get3A_419] {strides = array<i32>} : memref<40x256xf32, #tpu.memory_space<vmem>>, vector<16xf32>,
        %mul3A_421 = vector.broadcast %squeeze3A_417 : f32 to vector<16xf32>
        %mul3A_422 = arith.mulf %get3A_420, %mul3A_421 : vector<16xf32>
        %swap3A_423 = arith.index_cast %add3A_385 : i32 to index
        %swap3A_424 = arith.constant 48 : index
        %swap3A_425 = tpu.vector_load %arg22[%swap3A_423, %swap3A_424] {strides = array<i32>} : memref<40x128xf32, #tpu.memory_space<vmem>>, vector<16xf32>,
        tpu.vector_store %arg22[%swap3A_423, %swap3A_424], %mul3A_422 {strides = array<i32>} : memref<40x128xf32, #tpu.memory_space<vmem>>, vector<16xf32>,
        %slice3A_426 = vector.extract_strided_slice %get3A_299 {offsets = [12], sizes = [1], strides = [1]} : vector<16xf32> to vector<1xf32>
        %squeeze3A_427 = vector.extract %slice3A_426[0] : f32 from vector<1xf32>
        %get3A_428 = arith.index_cast %add3A_385 : i32 to index
        %get3A_429 = arith.constant 192 : index
        %get3A_430 = tpu.vector_load %arg15[%get3A_428, %get3A_429] {strides = array<i32>} : memref<40x256xf32, #tpu.memory_space<vmem>>, vector<16xf32>,
        %mul3A_431 = vector.broadcast %squeeze3A_427 : f32 to vector<16xf32>
        %mul3A_432 = arith.mulf %get3A_430, %mul3A_431 : vector<16xf32>
        %swap3A_433 = arith.index_cast %add3A_385 : i32 to index
        %swap3A_434 = arith.constant 64 : index
        %swap3A_435 = tpu.vector_load %arg22[%swap3A_433, %swap3A_434] {strides = array<i32>} : memref<40x128xf32, #tpu.memory_space<vmem>>, vector<16xf32>,
        tpu.vector_store %arg22[%swap3A_433, %swap3A_434], %mul3A_432 {strides = array<i32>} : memref<40x128xf32, #tpu.memory_space<vmem>>, vector<16xf32>,
        %slice3A_436 = vector.extract_strided_slice %get3A_299 {offsets = [13], sizes = [1], strides = [1]} : vector<16xf32> to vector<1xf32>
        %squeeze3A_437 = vector.extract %slice3A_436[0] : f32 from vector<1xf32>
        %get3A_438 = arith.index_cast %add3A_385 : i32 to index
        %get3A_439 = arith.constant 208 : index
        %get3A_440 = tpu.vector_load %arg15[%get3A_438, %get3A_439] {strides = array<i32>} : memref<40x256xf32, #tpu.memory_space<vmem>>, vector<16xf32>,
        %mul3A_441 = vector.broadcast %squeeze3A_437 : f32 to vector<16xf32>
        %mul3A_442 = arith.mulf %get3A_440, %mul3A_441 : vector<16xf32>
        %swap3A_443 = arith.index_cast %add3A_385 : i32 to index
        %swap3A_444 = arith.constant 80 : index
        %swap3A_445 = tpu.vector_load %arg22[%swap3A_443, %swap3A_444] {strides = array<i32>} : memref<40x128xf32, #tpu.memory_space<vmem>>, vector<16xf32>,
        tpu.vector_store %arg22[%swap3A_443, %swap3A_444], %mul3A_442 {strides = array<i32>} : memref<40x128xf32, #tpu.memory_space<vmem>>, vector<16xf32>,
        %slice3A_446 = vector.extract_strided_slice %get3A_299 {offsets = [14], sizes = [1], strides = [1]} : vector<16xf32> to vector<1xf32>
        %squeeze3A_447 = vector.extract %slice3A_446[0] : f32 from vector<1xf32>
        %get3A_448 = arith.index_cast %add3A_385 : i32 to index
        %get3A_449 = arith.constant 224 : index
        %get3A_450 = tpu.vector_load %arg15[%get3A_448, %get3A_449] {strides = array<i32>} : memref<40x256xf32, #tpu.memory_space<vmem>>, vector<16xf32>,
        %mul3A_451 = vector.broadcast %squeeze3A_447 : f32 to vector<16xf32>
        %mul3A_452 = arith.mulf %get3A_450, %mul3A_451 : vector<16xf32>
        %swap3A_453 = arith.index_cast %add3A_385 : i32 to index
        %swap3A_454 = arith.constant 96 : index
        %swap3A_455 = tpu.vector_load %arg22[%swap3A_453, %swap3A_454] {strides = array<i32>} : memref<40x128xf32, #tpu.memory_space<vmem>>, vector<16xf32>,
        tpu.vector_store %arg22[%swap3A_453, %swap3A_454], %mul3A_452 {strides = array<i32>} : memref<40x128xf32, #tpu.memory_space<vmem>>, vector<16xf32>,
        %slice3A_456 = vector.extract_strided_slice %get3A_299 {offsets = [15], sizes = [1], strides = [1]} : vector<16xf32> to vector<1xf32>
        %squeeze3A_457 = vector.extract %slice3A_456[0] : f32 from vector<1xf32>
        %get3A_458 = arith.index_cast %add3A_385 : i32 to index
        %get3A_459 = arith.constant 240 : index
        %get3A_460 = tpu.vector_load %arg15[%get3A_458, %get3A_459] {strides = array<i32>} : memref<40x256xf32, #tpu.memory_space<vmem>>, vector<16xf32>,
        %mul3A_461 = vector.broadcast %squeeze3A_457 : f32 to vector<16xf32>
        %mul3A_462 = arith.mulf %get3A_460, %mul3A_461 : vector<16xf32>
        %swap3A_463 = arith.index_cast %add3A_385 : i32 to index
        %swap3A_464 = arith.constant 112 : index
        %swap3A_465 = tpu.vector_load %arg22[%swap3A_463, %swap3A_464] {strides = array<i32>} : memref<40x128xf32, #tpu.memory_space<vmem>>, vector<16xf32>,
        tpu.vector_store %arg22[%swap3A_463, %swap3A_464], %mul3A_462 {strides = array<i32>} : memref<40x128xf32, #tpu.memory_space<vmem>>, vector<16xf32>,
      }
      %scan3A_293 = arith.constant 20 : i32
      %dma_start3A_294 = arith.constant 0 : i32
      %dma_start3A_295 = arith.constant 0 : i32
      %dma_start3A_296 = tpu.memref_slice %arg18[%dma_start3A_294, %dma_start3A_295] : memref<10240x128xf32, #tpu.memory_space<vmem_shared>> -> memref<10240x128xf32, #tpu.memory_space<vmem_shared>>
      tpu.enqueue_indirect_dma source(%arg22 : memref<40x128xf32, #tpu.memory_space<vmem>>) target(%dma_start3A_296 : memref<10240x128xf32, #tpu.memory_space<vmem_shared>>) offsets(%arg20 : memref<40xi32, #tpu.memory_space<vmem>>) semaphore(%arg32 : memref<!tpu.dma_semaphore, #tpu.memory_space<semaphore_mem>>) {add = true}
      scf.yield %scan3A_286 : vector<16xf32>
    }
    %scan3A_121 = arith.constant 125 : i32
    %mul3A_122 = arith.constant 10000 : i32
    %mul3A_123 = arith.muli %add3A, %mul3A_122 : i32
    %add3A_124 = arith.constant 0 : i32
    %add3A_125 = arith.addi %mul3A_123, %add3A_124 : i32
    %dma_wait3A_126 = arith.constant 0 : i32
    %dma_wait3A_127 = arith.constant 0 : i32
    %dma_wait3A_128 = tpu.memref_slice %arg2[%dma_wait3A_126, %dma_wait3A_127] : memref<10000x128xf32, #tpu.memory_space<hbm>> -> memref<10000x128xf32, #tpu.memory_space<hbm>>
    tpu.wait_indirect_dma semaphore(%arg23 : memref<!tpu.dma_semaphore, #tpu.memory_space<semaphore_mem>>) src(%dma_wait3A_128 : memref<10000x128xf32, #tpu.memory_space<hbm>>) dst(%arg10 : memref<40x128xf32, #tpu.memory_space<vmem>>)
    %dma_wait3A_129 = arith.constant 0 : i32
    %dma_wait3A_130 = arith.constant 0 : i32
    %dma_wait3A_131 = tpu.memref_slice %arg3[%dma_wait3A_129, %dma_wait3A_130] : memref<10000x256xf32, #tpu.memory_space<hbm>> -> memref<10000x256xf32, #tpu.memory_space<hbm>>
    tpu.wait_indirect_dma semaphore(%arg24 : memref<!tpu.dma_semaphore, #tpu.memory_space<semaphore_mem>>) src(%dma_wait3A_131 : memref<10000x256xf32, #tpu.memory_space<hbm>>) dst(%arg11 : memref<40x256xf32, #tpu.memory_space<vmem>>)
    %dma_wait3A_132 = tpu.memref_slice %arg5[%add3A_125] : memref<320000xi32, #tpu.memory_space<hbm>> -> memref<40xi32, #tpu.memory_space<hbm>>
    %dma_wait3A_133 = tpu.memref_slice %arg5[%add3A_125] : memref<320000xi32, #tpu.memory_space<hbm>> -> memref<40xi32, #tpu.memory_space<hbm>>
    tpu.wait_dma2 semaphore(%arg29 : memref<!tpu.dma_semaphore, #tpu.memory_space<semaphore_mem>>) src(%dma_wait3A_133 : memref<40xi32, #tpu.memory_space<hbm>>) dst(%arg19 : memref<40xi32, #tpu.memory_space<vmem>>)
    %mul3A_134 = arith.constant 10000 : i32
    %mul3A_135 = arith.muli %add3A, %mul3A_134 : i32
    %add3A_136 = arith.constant 40 : i32
    %add3A_137 = arith.addi %mul3A_135, %add3A_136 : i32
    %dma_wait3A_138 = tpu.memref_slice %arg4[%add3A_137] : memref<320000xi32, #tpu.memory_space<hbm>> -> memref<40xi32, #tpu.memory_space<hbm>>
    %dma_wait3A_139 = tpu.memref_slice %arg4[%add3A_137] : memref<320000xi32, #tpu.memory_space<hbm>> -> memref<40xi32, #tpu.memory_space<hbm>>
    tpu.wait_dma2 semaphore(%arg28 : memref<!tpu.dma_semaphore, #tpu.memory_space<semaphore_mem>>) src(%dma_wait3A_139 : memref<40xi32, #tpu.memory_space<hbm>>) dst(%arg12 : memref<40xi32, #tpu.memory_space<vmem>>)
    %dma_wait3A_140 = tpu.memref_slice %arg5[%add3A_137] : memref<320000xi32, #tpu.memory_space<hbm>> -> memref<40xi32, #tpu.memory_space<hbm>>
    %dma_wait3A_141 = tpu.memref_slice %arg5[%add3A_137] : memref<320000xi32, #tpu.memory_space<hbm>> -> memref<40xi32, #tpu.memory_space<hbm>>
    tpu.wait_dma2 semaphore(%arg28 : memref<!tpu.dma_semaphore, #tpu.memory_space<semaphore_mem>>) src(%dma_wait3A_141 : memref<40xi32, #tpu.memory_space<hbm>>) dst(%arg13 : memref<40xi32, #tpu.memory_space<vmem>>)
    %dma_wait3A_142 = arith.constant 0 : i32
    %dma_wait3A_143 = arith.constant 0 : i32
    %dma_wait3A_144 = tpu.memref_slice %arg18[%dma_wait3A_142, %dma_wait3A_143] : memref<10240x128xf32, #tpu.memory_space<vmem_shared>> -> memref<10240x128xf32, #tpu.memory_space<vmem_shared>>
    tpu.wait_indirect_dma semaphore(%arg32 : memref<!tpu.dma_semaphore, #tpu.memory_space<semaphore_mem>>) src(%arg22 : memref<40x128xf32, #tpu.memory_space<vmem>>) dst(%dma_wait3A_144 : memref<10240x128xf32, #tpu.memory_space<vmem_shared>>)
    %swap3A = arith.constant 0 : index
    %swap3A_145 = tpu.vector_load %arg17[%swap3A] {strides = array<i32>} : memref<16xf32, #tpu.memory_space<vmem>>, vector<16xf32>,
    tpu.vector_store %arg17[%swap3A], %scan3A_120 {strides = array<i32>} : memref<16xf32, #tpu.memory_space<vmem>>, vector<16xf32>,
    "tpu.region"() ({
      %run_scoped3A = tpu.sem_alloc : memref<!tpu.dma_semaphore, #tpu.memory_space<semaphore_mem>>
      %dma_start3A_151 = arith.constant 0 : i32
      %dma_start3A_152 = tpu.memref_slice %arg7[%add3A, %dma_start3A_151] : memref<32x16xf32, #tpu.memory_space<hbm>> -> memref<1x16xf32, #tpu.memory_space<hbm>>
      %dma_start3A_153 = tpu.memref_squeeze %dma_start3A_152 : memref<1x16xf32, #tpu.memory_space<hbm>> -> memref<16xf32, #tpu.memory_space<hbm>>
      %dma_start3A_154 = arith.constant 0 : i32
      %dma_start3A_155 = tpu.memref_slice %arg7[%add3A, %dma_start3A_154] : memref<32x16xf32, #tpu.memory_space<hbm>> -> memref<1x16xf32, #tpu.memory_space<hbm>>
      %dma_start3A_156 = tpu.memref_squeeze %dma_start3A_155 : memref<1x16xf32, #tpu.memory_space<hbm>> -> memref<16xf32, #tpu.memory_space<hbm>>
      tpu.enqueue_dma source(%arg17 : memref<16xf32, #tpu.memory_space<vmem>>) target(%dma_start3A_156 : memref<16xf32, #tpu.memory_space<hbm>>) target_semaphore(%run_scoped3A : memref<!tpu.dma_semaphore, #tpu.memory_space<semaphore_mem>>)
      %dma_wait3A_157 = arith.constant 0 : i32
      %dma_wait3A_158 = tpu.memref_slice %arg7[%add3A, %dma_wait3A_157] : memref<32x16xf32, #tpu.memory_space<hbm>> -> memref<1x16xf32, #tpu.memory_space<hbm>>
      %dma_wait3A_159 = tpu.memref_squeeze %dma_wait3A_158 : memref<1x16xf32, #tpu.memory_space<hbm>> -> memref<16xf32, #tpu.memory_space<hbm>>
      %dma_wait3A_160 = arith.constant 0 : i32
      %dma_wait3A_161 = tpu.memref_slice %arg7[%add3A, %dma_wait3A_160] : memref<32x16xf32, #tpu.memory_space<hbm>> -> memref<1x16xf32, #tpu.memory_space<hbm>>
      %dma_wait3A_162 = tpu.memref_squeeze %dma_wait3A_161 : memref<1x16xf32, #tpu.memory_space<hbm>> -> memref<16xf32, #tpu.memory_space<hbm>>
      tpu.wait_dma2 semaphore(%run_scoped3A : memref<!tpu.dma_semaphore, #tpu.memory_space<semaphore_mem>>) src(%arg17 : memref<16xf32, #tpu.memory_space<vmem>>) dst(%dma_wait3A_162 : memref<16xf32, #tpu.memory_space<hbm>>)
      tpu.yield
    }) : () -> ()
    %barrier3A_146 = arith.constant 0 : index
    tpu.barrier barrier_id(%barrier3A_146)
    %mul3A_147 = arith.constant 640 : i32
    %mul3A_148 = arith.muli %arg1, %mul3A_147 : i32
    %mul3A_149 = arith.constant 640 : i32
    %mul3A_150 = arith.muli %arg1, %mul3A_149 : i32
    "tpu.region"() ({
      %run_scoped3A = tpu.sem_alloc : memref<!tpu.dma_semaphore, #tpu.memory_space<semaphore_mem>>
      %dma_start3A_151 = arith.constant 0 : i32
      %dma_start3A_152 = tpu.memref_slice %arg6[%arg0, %mul3A_150, %dma_start3A_151] : memref<2x10240x128xf32, #tpu.memory_space<hbm>> -> memref<1x640x128xf32, #tpu.memory_space<hbm>>
      %dma_start3A_153 = tpu.memref_squeeze %dma_start3A_152 : memref<1x640x128xf32, #tpu.memory_space<hbm>> -> memref<640x128xf32, #tpu.memory_space<hbm>>
      %dma_start3A_154 = arith.constant 0 : i32
      %dma_start3A_155 = tpu.memref_slice %arg18[%mul3A_148, %dma_start3A_154] : memref<10240x128xf32, #tpu.memory_space<vmem_shared>> -> memref<640x128xf32, #tpu.memory_space<vmem_shared>>
      tpu.enqueue_dma source(%dma_start3A_155 : memref<640x128xf32, #tpu.memory_space<vmem_shared>>) target(%dma_start3A_153 : memref<640x128xf32, #tpu.memory_space<hbm>>) target_semaphore(%run_scoped3A : memref<!tpu.dma_semaphore, #tpu.memory_space<semaphore_mem>>)
      %dma_wait3A_156 = arith.constant 0 : i32
      %dma_wait3A_157 = tpu.memref_slice %arg6[%arg0, %mul3A_150, %dma_wait3A_156] : memref<2x10240x128xf32, #tpu.memory_space<hbm>> -> memref<1x640x128xf32, #tpu.memory_space<hbm>>
      %dma_wait3A_158 = tpu.memref_squeeze %dma_wait3A_157 : memref<1x640x128xf32, #tpu.memory_space<hbm>> -> memref<640x128xf32, #tpu.memory_space<hbm>>
      %dma_wait3A_159 = arith.constant 0 : i32
      %dma_wait3A_160 = tpu.memref_slice %arg18[%mul3A_148, %dma_wait3A_159] : memref<10240x128xf32, #tpu.memory_space<vmem_shared>> -> memref<640x128xf32, #tpu.memory_space<vmem_shared>>
      tpu.wait_dma2 semaphore(%run_scoped3A : memref<!tpu.dma_semaphore, #tpu.memory_space<semaphore_mem>>) src(%dma_wait3A_160 : memref<640x128xf32, #tpu.memory_space<vmem_shared>>) dst(%dma_wait3A_158 : memref<640x128xf32, #tpu.memory_space<hbm>>)
      tpu.yield
    }) : () -> ()
    return
  }
}

module attributes {stable_mosaic.version = 14 : i64} {
  func.func @_qkv_body(%arg0: i32, %arg1: memref<1000x128xf32, #tpu.memory_space<vmem>>, %arg2: memref<128x128xf32, #tpu.memory_space<vmem>>, %arg3: memref<128x128xf32, #tpu.memory_space<vmem>>, %arg4: memref<128x128xf32, #tpu.memory_space<vmem>>, %arg5: memref<1x128xf32, #tpu.memory_space<vmem>>, %arg6: memref<1x128xf32, #tpu.memory_space<vmem>>, %arg7: memref<1x128xf32, #tpu.memory_space<vmem>>, %arg8: memref<1000x128xf32, #tpu.memory_space<vmem>>, %arg9: memref<1000x256xf32, #tpu.memory_space<vmem>>) attributes {dimension_semantics = [#tpu.dimension_semantics<arbitrary>], iteration_bounds = array<i64: 10>, scalar_prefetch = 0 : i64, scratch_operands = 0 : i64, tpu.core_type = #tpu.core_type<tc>, window_params = [{transform_indices = @transform_0, window_bounds = array<i64: 1000, 128>}, {pipeline_mode = #tpu.pipeline_mode<synchronous>, transform_indices = @transform_1, window_bounds = array<i64: 128, 128>}, {pipeline_mode = #tpu.pipeline_mode<synchronous>, transform_indices = @transform_2, window_bounds = array<i64: 128, 128>}, {pipeline_mode = #tpu.pipeline_mode<synchronous>, transform_indices = @transform_3, window_bounds = array<i64: 128, 128>}, {pipeline_mode = #tpu.pipeline_mode<synchronous>, transform_indices = @transform_4, window_bounds = array<i64: 1, 128>}, {pipeline_mode = #tpu.pipeline_mode<synchronous>, transform_indices = @transform_5, window_bounds = array<i64: 1, 128>}, {pipeline_mode = #tpu.pipeline_mode<synchronous>, transform_indices = @transform_6, window_bounds = array<i64: 1, 128>}, {transform_indices = @transform_7, window_bounds = array<i64: 1000, 128>}, {transform_indices = @transform_8, window_bounds = array<i64: 1000, 256>}]} {
    %get3A = arith.constant 0 : index
    %get3A_0 = arith.constant 0 : index
    %get3A_1 = vector.load %arg1[%get3A, %get3A_0] : memref<1000x128xf32, #tpu.memory_space<vmem>>, vector<1000x128xf32>
    %get3A_2 = arith.constant 0 : index
    %get3A_3 = arith.constant 0 : index
    %get3A_4 = vector.load %arg2[%get3A_2, %get3A_3] : memref<128x128xf32, #tpu.memory_space<vmem>>, vector<128x128xf32>
    %dot_general3A = arith.constant dense<0.000000e+00> : vector<1000x128xf32>
    %dot_general3A_5 = tpu.matmul %get3A_1, %get3A_4, %dot_general3A {dimension_numbers = #tpu.dot_dimension_numbers<[1], [0], [0], [1], [0, 0, 1, 1], [], []>, transpose_lhs_hint = false} : vector<1000x128xf32>, vector<128x128xf32>, vector<1000x128xf32> -> vector<1000x128xf32>
    %get3A_6 = arith.constant 0 : index
    %get3A_7 = arith.constant 0 : index
    %get3A_8 = vector.load %arg5[%get3A_6, %get3A_7] : memref<1x128xf32, #tpu.memory_space<vmem>>, vector<1x128xf32>
    %add3A = vector.broadcast %get3A_8 : vector<1x128xf32> to vector<1000x128xf32>
    %add3A_9 = arith.addf %dot_general3A_5, %add3A : vector<1000x128xf32>
    %get3A_10 = arith.constant 0 : index
    %get3A_11 = arith.constant 0 : index
    %get3A_12 = vector.load %arg3[%get3A_10, %get3A_11] : memref<128x128xf32, #tpu.memory_space<vmem>>, vector<128x128xf32>
    %dot_general3A_13 = arith.constant dense<0.000000e+00> : vector<1000x128xf32>
    %dot_general3A_14 = tpu.matmul %get3A_1, %get3A_12, %dot_general3A_13 {dimension_numbers = #tpu.dot_dimension_numbers<[1], [0], [0], [1], [0, 0, 1, 1], [], []>, transpose_lhs_hint = false} : vector<1000x128xf32>, vector<128x128xf32>, vector<1000x128xf32> -> vector<1000x128xf32>
    %get3A_15 = arith.constant 0 : index
    %get3A_16 = arith.constant 0 : index
    %get3A_17 = vector.load %arg6[%get3A_15, %get3A_16] : memref<1x128xf32, #tpu.memory_space<vmem>>, vector<1x128xf32>
    %add3A_18 = vector.broadcast %get3A_17 : vector<1x128xf32> to vector<1000x128xf32>
    %add3A_19 = arith.addf %dot_general3A_14, %add3A_18 : vector<1000x128xf32>
    %get3A_20 = arith.constant 0 : index
    %get3A_21 = arith.constant 0 : index
    %get3A_22 = vector.load %arg4[%get3A_20, %get3A_21] : memref<128x128xf32, #tpu.memory_space<vmem>>, vector<128x128xf32>
    %dot_general3A_23 = arith.constant dense<0.000000e+00> : vector<1000x128xf32>
    %dot_general3A_24 = tpu.matmul %get3A_1, %get3A_22, %dot_general3A_23 {dimension_numbers = #tpu.dot_dimension_numbers<[1], [0], [0], [1], [0, 0, 1, 1], [], []>, transpose_lhs_hint = false} : vector<1000x128xf32>, vector<128x128xf32>, vector<1000x128xf32> -> vector<1000x128xf32>
    %get3A_25 = arith.constant 0 : index
    %get3A_26 = arith.constant 0 : index
    %get3A_27 = vector.load %arg7[%get3A_25, %get3A_26] : memref<1x128xf32, #tpu.memory_space<vmem>>, vector<1x128xf32>
    %add3A_28 = vector.broadcast %get3A_27 : vector<1x128xf32> to vector<1000x128xf32>
    %add3A_29 = arith.addf %dot_general3A_24, %add3A_28 : vector<1000x128xf32>
    %swap3A = arith.constant 0 : index
    %swap3A_30 = arith.constant 0 : index
    %swap3A_31 = vector.load %arg8[%swap3A, %swap3A_30] : memref<1000x128xf32, #tpu.memory_space<vmem>>, vector<1000x128xf32>
    tpu.vector_store %arg8[%swap3A, %swap3A_30], %add3A_9 {strides = array<i32>} : memref<1000x128xf32, #tpu.memory_space<vmem>>, vector<1000x128xf32>,
    %concatenate3A = tpu.concatenate %add3A_19, %add3A_29 in 1 : vector<1000x128xf32>, vector<1000x128xf32> -> vector<1000x256xf32>
    %swap3A_32 = arith.constant 0 : index
    %swap3A_33 = arith.constant 0 : index
    %swap3A_34 = vector.load %arg9[%swap3A_32, %swap3A_33] : memref<1000x256xf32, #tpu.memory_space<vmem>>, vector<1000x256xf32>
    tpu.vector_store %arg9[%swap3A_32, %swap3A_33], %concatenate3A {strides = array<i32>} : memref<1000x256xf32, #tpu.memory_space<vmem>>, vector<1000x256xf32>,
    return
  }
  func.func @transform_0(%arg0: i32) -> (i32, i32) {
    %c0_i32 = arith.constant 0 : i32
    %c0_i32_0 = arith.constant 0 : i32
    return %arg0, %c0_i32 : i32, i32
  }
  func.func @transform_1(%arg0: i32) -> (i32, i32) {
    %c0_i32 = arith.constant 0 : i32
    %c0_i32_0 = arith.constant 0 : i32
    %c0_i32_1 = arith.constant 0 : i32
    return %c0_i32, %c0_i32_0 : i32, i32
  }
  func.func @transform_2(%arg0: i32) -> (i32, i32) {
    %c0_i32 = arith.constant 0 : i32
    %c0_i32_0 = arith.constant 0 : i32
    %c0_i32_1 = arith.constant 0 : i32
    return %c0_i32, %c0_i32_0 : i32, i32
  }
  func.func @transform_3(%arg0: i32) -> (i32, i32) {
    %c0_i32 = arith.constant 0 : i32
    %c0_i32_0 = arith.constant 0 : i32
    %c0_i32_1 = arith.constant 0 : i32
    return %c0_i32, %c0_i32_0 : i32, i32
  }
  func.func @transform_4(%arg0: i32) -> (i32, i32) {
    %c0_i32 = arith.constant 0 : i32
    %c0_i32_0 = arith.constant 0 : i32
    %c0_i32_1 = arith.constant 0 : i32
    return %c0_i32, %c0_i32_0 : i32, i32
  }
  func.func @transform_5(%arg0: i32) -> (i32, i32) {
    %c0_i32 = arith.constant 0 : i32
    %c0_i32_0 = arith.constant 0 : i32
    %c0_i32_1 = arith.constant 0 : i32
    return %c0_i32, %c0_i32_0 : i32, i32
  }
  func.func @transform_6(%arg0: i32) -> (i32, i32) {
    %c0_i32 = arith.constant 0 : i32
    %c0_i32_0 = arith.constant 0 : i32
    %c0_i32_1 = arith.constant 0 : i32
    return %c0_i32, %c0_i32_0 : i32, i32
  }
  func.func @transform_7(%arg0: i32) -> (i32, i32) {
    %c0_i32 = arith.constant 0 : i32
    %c0_i32_0 = arith.constant 0 : i32
    return %arg0, %c0_i32 : i32, i32
  }
  func.func @transform_8(%arg0: i32) -> (i32, i32) {
    %c0_i32 = arith.constant 0 : i32
    %c0_i32_0 = arith.constant 0 : i32
    return %arg0, %c0_i32 : i32, i32
  }
}

module attributes {stable_mosaic.version = 14 : i64} {
  func.func @_out_body(%arg0: i32, %arg1: memref<1000x128xf32, #tpu.memory_space<vmem>>, %arg2: memref<2x1000x128xf32, #tpu.memory_space<vmem>>, %arg3: memref<32x16xf32, #tpu.memory_space<vmem>>, %arg4: memref<128x128xf32, #tpu.memory_space<vmem>>, %arg5: memref<1x128xf32, #tpu.memory_space<vmem>>, %arg6: memref<1000x128xf32, #tpu.memory_space<vmem>>) attributes {dimension_semantics = [#tpu.dimension_semantics<arbitrary>], iteration_bounds = array<i64: 10>, scalar_prefetch = 0 : i64, scratch_operands = 0 : i64, tpu.core_type = #tpu.core_type<tc>, window_params = [{transform_indices = @transform_0, window_bounds = array<i64: 1000, 128>}, {transform_indices = @transform_1, window_bounds = array<i64: 2, 1000, 128>}, {pipeline_mode = #tpu.pipeline_mode<synchronous>, transform_indices = @transform_2, window_bounds = array<i64: 32, 16>}, {pipeline_mode = #tpu.pipeline_mode<synchronous>, transform_indices = @transform_3, window_bounds = array<i64: 128, 128>}, {pipeline_mode = #tpu.pipeline_mode<synchronous>, transform_indices = @transform_4, window_bounds = array<i64: 1, 128>}, {transform_indices = @transform_5, window_bounds = array<i64: 1000, 128>}]} {
    %get3A = arith.constant 0 : index
    %get3A_0 = arith.constant 0 : index
    %get3A_1 = vector.load %arg3[%get3A, %get3A_0] : memref<32x16xf32, #tpu.memory_space<vmem>>, vector<32x16xf32>
    %broadcast_in_dim3A = arith.constant 1.000000e+00 : f32
    %broadcast_in_dim3A_2 = vector.broadcast %broadcast_in_dim3A : f32 to vector<1x32xf32>
    %dot_general3A = arith.constant dense<0.000000e+00> : vector<1x16xf32>
    %dot_general3A_3 = tpu.matmul %broadcast_in_dim3A_2, %get3A_1, %dot_general3A {dimension_numbers = #tpu.dot_dimension_numbers<[1], [0], [0], [1], [0, 0, 1, 1], [], []>, transpose_lhs_hint = false} : vector<1x32xf32>, vector<32x16xf32>, vector<1x16xf32> -> vector<1x16xf32>
    %slice3A = vector.extract_strided_slice %dot_general3A_3 {offsets = [0, 0], sizes = [1, 8], strides = [1, 1]} : vector<1x16xf32> to vector<1x8xf32>
    %slice3A_4 = vector.extract_strided_slice %dot_general3A_3 {offsets = [0, 8], sizes = [1, 8], strides = [1, 1]} : vector<1x16xf32> to vector<1x8xf32>
    %add3A = arith.addf %slice3A, %slice3A_4 : vector<1x8xf32>
    %div3A = arith.constant 1.000000e+00 : f32
    %div3A_5 = vector.broadcast %div3A : f32 to vector<1x8xf32>
    %div3A_6 = arith.divf %div3A_5, %add3A : vector<1x8xf32>
    %iota3A = tpu.iota {dimensions = array<i32: 0>} : vector<8x128xi32>
    %iota3A_7 = tpu.iota {dimensions = array<i32: 1>} : vector<8x128xi32>
    %jit3A = arith.constant 16 : i32
    %div3A_8 = vector.broadcast %jit3A : i32 to vector<8x128xi32>
    %div3A_9 = arith.divsi %iota3A_7, %div3A_8 : vector<8x128xi32>
    %sign3A = arith.constant 0 : i32
    %sign3A_10 = vector.broadcast %sign3A : i32 to vector<8x128xi32>
    %sign3A_11 = arith.cmpi sgt, %iota3A_7, %sign3A_10 : vector<8x128xi32>
    %sign3A_12 = arith.extui %sign3A_11 : vector<8x128xi1> to vector<8x128xi32>
    %sign3A_13 = arith.constant 0 : i32
    %sign3A_14 = vector.broadcast %sign3A_13 : i32 to vector<8x128xi32>
    %sign3A_15 = arith.cmpi slt, %iota3A_7, %sign3A_14 : vector<8x128xi32>
    %sign3A_16 = arith.extui %sign3A_15 : vector<8x128xi1> to vector<8x128xi32>
    %sign3A_17 = arith.subi %sign3A_12, %sign3A_16 : vector<8x128xi32>
    %sign3A_18 = arith.constant 0 : i32
    %sign3A_19 = arith.cmpi sgt, %jit3A, %sign3A_18 : i32
    %sign3A_20 = arith.extui %sign3A_19 : i1 to i32
    %sign3A_21 = arith.constant 0 : i32
    %sign3A_22 = arith.cmpi slt, %jit3A, %sign3A_21 : i32
    %sign3A_23 = arith.extui %sign3A_22 : i1 to i32
    %sign3A_24 = arith.subi %sign3A_20, %sign3A_23 : i32
    %ne3A = vector.broadcast %sign3A_24 : i32 to vector<8x128xi32>
    %ne3A_25 = arith.cmpi ne, %sign3A_17, %ne3A : vector<8x128xi32>
    %rem3A = vector.broadcast %jit3A : i32 to vector<8x128xi32>
    %rem3A_26 = arith.remsi %iota3A_7, %rem3A : vector<8x128xi32>
    %ne3A_27 = arith.constant 0 : i32
    %ne3A_28 = vector.broadcast %ne3A_27 : i32 to vector<8x128xi32>
    %ne3A_29 = arith.cmpi ne, %rem3A_26, %ne3A_28 : vector<8x128xi32>
    %and3A = arith.andi %ne3A_25, %ne3A_29 : vector<8x128xi1>
    %sub3A = arith.constant 1 : i32
    %sub3A_30 = vector.broadcast %sub3A : i32 to vector<8x128xi32>
    %sub3A_31 = arith.subi %div3A_9, %sub3A_30 : vector<8x128xi32>
    %select_n3A = arith.select %and3A, %sub3A_31, %div3A_9 : vector<8x128xi1>, vector<8x128xi32>
    %eq3A = arith.cmpi eq, %select_n3A, %iota3A : vector<8x128xi32>
    %jit3A_32 = arith.constant 1.000000e+00 : f32
    %jit3A_33 = arith.constant 0.000000e+00 : f32
    %broadcast_in_dim3A_34 = vector.broadcast %jit3A_32 : f32 to vector<8x128xf32>
    %broadcast_in_dim3A_35 = vector.broadcast %jit3A_33 : f32 to vector<8x128xf32>
    %select_n3A_36 = arith.select %eq3A, %broadcast_in_dim3A_34, %broadcast_in_dim3A_35 : vector<8x128xi1>, vector<8x128xf32>
    %dot_general3A_37 = arith.constant dense<0.000000e+00> : vector<1x128xf32>
    %dot_general3A_38 = tpu.matmul %div3A_6, %select_n3A_36, %dot_general3A_37 {dimension_numbers = #tpu.dot_dimension_numbers<[1], [0], [0], [1], [0, 0, 1, 1], [], []>, transpose_lhs_hint = false} : vector<1x8xf32>, vector<8x128xf32>, vector<1x128xf32> -> vector<1x128xf32>
    %get3A_39 = arith.constant 0 : index
    %get3A_40 = arith.constant 0 : index
    %get3A_41 = arith.constant 0 : index
    %get3A_42 = vector.load %arg2[%get3A_39, %get3A_40, %get3A_41] : memref<2x1000x128xf32, #tpu.memory_space<vmem>>, vector<1x1000x128xf32>
    %get3A_43 = vector.shape_cast %get3A_42 : vector<1x1000x128xf32> to vector<1000x128xf32>
    %get3A_44 = arith.constant 1 : index
    %get3A_45 = arith.constant 0 : index
    %get3A_46 = arith.constant 0 : index
    %get3A_47 = vector.load %arg2[%get3A_44, %get3A_45, %get3A_46] : memref<2x1000x128xf32, #tpu.memory_space<vmem>>, vector<1x1000x128xf32>
    %get3A_48 = vector.shape_cast %get3A_47 : vector<1x1000x128xf32> to vector<1000x128xf32>
    %add3A_49 = arith.addf %get3A_43, %get3A_48 : vector<1000x128xf32>
    %mul3A = vector.broadcast %dot_general3A_38 : vector<1x128xf32> to vector<1000x128xf32>
    %mul3A_50 = arith.mulf %add3A_49, %mul3A : vector<1000x128xf32>
    %get3A_51 = arith.constant 0 : index
    %get3A_52 = arith.constant 0 : index
    %get3A_53 = vector.load %arg1[%get3A_51, %get3A_52] : memref<1000x128xf32, #tpu.memory_space<vmem>>, vector<1000x128xf32>
    %get3A_54 = arith.constant 0 : index
    %get3A_55 = arith.constant 0 : index
    %get3A_56 = vector.load %arg4[%get3A_54, %get3A_55] : memref<128x128xf32, #tpu.memory_space<vmem>>, vector<128x128xf32>
    %dot_general3A_57 = arith.constant dense<0.000000e+00> : vector<1000x128xf32>
    %dot_general3A_58 = tpu.matmul %mul3A_50, %get3A_56, %dot_general3A_57 {dimension_numbers = #tpu.dot_dimension_numbers<[1], [0], [0], [1], [0, 0, 1, 1], [], []>, transpose_lhs_hint = false} : vector<1000x128xf32>, vector<128x128xf32>, vector<1000x128xf32> -> vector<1000x128xf32>
    %add3A_59 = arith.addf %get3A_53, %dot_general3A_58 : vector<1000x128xf32>
    %get3A_60 = arith.constant 0 : index
    %get3A_61 = arith.constant 0 : index
    %get3A_62 = vector.load %arg5[%get3A_60, %get3A_61] : memref<1x128xf32, #tpu.memory_space<vmem>>, vector<1x128xf32>
    %add3A_63 = vector.broadcast %get3A_62 : vector<1x128xf32> to vector<1000x128xf32>
    %add3A_64 = arith.addf %add3A_59, %add3A_63 : vector<1000x128xf32>
    %swap3A = arith.constant 0 : index
    %swap3A_65 = arith.constant 0 : index
    %swap3A_66 = vector.load %arg6[%swap3A, %swap3A_65] : memref<1000x128xf32, #tpu.memory_space<vmem>>, vector<1000x128xf32>
    tpu.vector_store %arg6[%swap3A, %swap3A_65], %add3A_64 {strides = array<i32>} : memref<1000x128xf32, #tpu.memory_space<vmem>>, vector<1000x128xf32>,
    return
  }
  func.func @transform_0(%arg0: i32) -> (i32, i32) {
    %c0_i32 = arith.constant 0 : i32
    %c0_i32_0 = arith.constant 0 : i32
    return %arg0, %c0_i32 : i32, i32
  }
  func.func @transform_1(%arg0: i32) -> (i32, i32, i32) {
    %c0_i32 = arith.constant 0 : i32
    %c0_i32_0 = arith.constant 0 : i32
    %c0_i32_1 = arith.constant 0 : i32
    return %c0_i32, %arg0, %c0_i32_0 : i32, i32, i32
  }
  func.func @transform_2(%arg0: i32) -> (i32, i32) {
    %c0_i32 = arith.constant 0 : i32
    %c0_i32_0 = arith.constant 0 : i32
    %c0_i32_1 = arith.constant 0 : i32
    return %c0_i32, %c0_i32_0 : i32, i32
  }
  func.func @transform_3(%arg0: i32) -> (i32, i32) {
    %c0_i32 = arith.constant 0 : i32
    %c0_i32_0 = arith.constant 0 : i32
    %c0_i32_1 = arith.constant 0 : i32
    return %c0_i32, %c0_i32_0 : i32, i32
  }
  func.func @transform_4(%arg0: i32) -> (i32, i32) {
    %c0_i32 = arith.constant 0 : i32
    %c0_i32_0 = arith.constant 0 : i32
    %c0_i32_1 = arith.constant 0 : i32
    return %c0_i32, %c0_i32_0 : i32, i32
  }
  func.func @transform_5(%arg0: i32) -> (i32, i32) {
    %c0_i32 = arith.constant 0 : i32
    %c0_i32_0 = arith.constant 0 : i32
    return %arg0, %c0_i32 : i32, i32
  }
}

</mosaic_0001>

<sc_bundles>
// kernel: kernel.5.cloned.1.call-start
scs
__scs_entry_jumppad:
0x0: {  	(pc) =	sbr.rel $0x88, $3  }
0x1: {  	(tag) =	ssettag $0x0;
	lr =	simm.s32 $0x1  }
0x2: {  	[smem:$0x3F97] =	sst lr;
	_ =	strace $0xD0000000  }
0x3: {  	_ = 	snop  }
0x4: {  	_ = 	snop  }
0x5: {  	_ = 	snop  }
0x6: {  	_ = 	snop  }
0x7: {  	_ = 	snop  }
__scs_overlays_trampoline_lowered:
0x8: {  	[smem:$0x3FA6] =	sst s0  }
0x9: {  	[smem:$0x3FA7] =	sst s1  }
0xa: {  	[smem:$0x3FA8] =	sst s2  }
0xb: {  	[smem:$0x3FA9] =	sst s3  }
0xc: {  	[smem:$0x3FAA] =	sst s4  }
0xd: {  	[smem:$0x3FAB] =	sst s5  }
0xe: {  	[smem:$0x3FAC] =	sst s6  }
0xf: {  	[smem:$0x3FAD] =	sst s7  }
0x10: {  	[smem:$0x3FAE] =	sst s8  }
0x11: {  	[smem:$0x3FAF] =	sst s9;
	s0 =	simm.s32 @!p0 $0x0  }
0x12: {  	s1 =	sld [smem:$0x3F95];
	s0 =	simm.s32 @p0 $0x1  }
0x13: {  	[smem:$0x3FB0] =	sst s0;
	s0 =	simm.s32 @!p1 $0x0  }
0x14: {  	s2 =	sld [smem:$0x3F94];
	s0 =	simm.s32 @p1 $0x1  }
0x15: {  	[smem:$0x3FB1] =	sst s0;
	s0 =	simm.s32 @!p2 $0x0  }
0x16: {  	s3 =	sld [smem:$0x3FDB];
	s0 =	simm.s32 @p2 $0x1  }
0x17: {  	s4 =	simm.s32 $0x1BF5;
	[smem:$0x3FB3] =	sst s0  }
0x18: {  	s0 =	sld [smem:$0x3F96];
	_ =	swait.ge [sflag:s4], $0x0  }
0x19: {  	s7 =	sld [smem:$0x3F97]  }
0x1a: {  	s8 =	sadd.s32 $0xFFFFE003, lr  }
0x1b: {  	s9 =	sadd.s32 $0xFFFFFEF7, lr;
	s5 =	simm.s32 $0xFFFFFFFF;
	p2 =	slt.u32 s8, $0xFFFFF086  }
0x1c: {  	p1 =	slt.u32 s9, $0xF7A;
	s5 =	simm.s32 @!p2 $0x0  }
0x1d: {  	s5 =	simm.s32 @p1 $0x1;
	p0 =	seq.s32 s7, s2  }
0x1e: {  	s7 =	smul.u32 @!p0 $0xF7A, s2;
	p2 =	seq.s32 @!p0 s5, $0x0  }
0x1f: {  	s9 =	smul.u32 $0xF7A, s1;
	s8 =	simm.s32 @!p0 $0x1BF5;
	p2 =	por !p2, p0  }
0x20: {  	[sflag:s8] =	ssyncset.s32 @!p0 $0xFFFFF086;
	s6 =	sadd.s32 @!p0 s3, s7;
	s7 =	simm.s32 @!p0 $0x108  }
0x21: {  	s3 =	sadd.s32 s3, s9;
	s6 =	sadd.s32 @!p0 $0x88, s6;
	s7 =	simm.s32 @p2 $0x1082  }
0x22: {  	[simem:s7], [sflag:s8] =	dma.local @!p0 [hbm:s6], $0xF7A  }
0x23: {  	s9 =	sor.u32 $0xD0000000, s2;
	s6 =	simm.s32 $0x108;
	_ =	swait.ge @!p0 [sflag:s8], $0x0  }
0x24: {  	s3 =	sadd.s32 $0x88, s3;
	s6 =	simm.s32 @!p1 $0x1082;
	[sflag:s4] =	ssyncset.s32 $0xFFFFF086  }
0x25: {  	[simem:s6], [sflag:s4] =	dma.local [hbm:s3], $0xF7A  }
0x26: {  	[smem:$0x3F97] =	sst s1;
	(tag) =	ssettag s2;
	_ =	strace s9  }
0x27: {  	s1 =	sld [smem:$0x3FA7]  }
0x28: {  	s2 =	sld [smem:$0x3FA8]  }
0x29: {  	s4 =	sld [smem:$0x3FAA]  }
0x2a: {  	p0 =	seq.s32 s5, $0x0;
	s5 =	sld [smem:$0x3FAB]  }
0x2b: {  	s6 =	sld [smem:$0x3FAC]  }
0x2c: {  	s7 =	sld [smem:$0x3FAD]  }
0x2d: {  	s3 =	simm.s32 $0x108;
	s8 =	sld [smem:$0x3FAE]  }
0x2e: {  	s3 =	simm.s32 @!p0 $0x1082;
	s9 =	sld [smem:$0x3FAF]  }
0x2f: {  	lr =	sadd.s32 s0, s3;
	s0 =	sld [smem:$0x3FA6]  }
0x30: {  	s3 =	sld [smem:$0x3FA9]  }
0x31: {  	[smem:$0x3FB2] =	sst s10  }
0x32: {  	s10 =	sld [smem:$0x3FB0];
	_ =	sdelay $0x3  }
0x33: {  	p0 =	seq.s32 s10, $0x1;
	s10 =	sld [smem:$0x3FB2];
	_ =	sdelay $0x3  }
0x34: {  	[smem:$0x3FB2] =	sst s10  }
0x35: {  	s10 =	sld [smem:$0x3FB1];
	_ =	sdelay $0x3  }
0x36: {  	p1 =	seq.s32 s10, $0x1;
	s10 =	sld [smem:$0x3FB2];
	_ =	sdelay $0x3  }
0x37: {  	[smem:$0x3FB2] =	sst s10  }
0x38: {  	s10 =	sld [smem:$0x3FB3]  }
0x39: {  	_ = 	snop;
	(pc) =	sbr.ind lr, $3  }
0x3a: {  	_ = 	snop  }
0x3b: {  	_ = 	snop  }
0x3c: {  	p2 =	seq.s32 s10, $0x1;
	s10 =	sld [smem:$0x3FB2]  }
0x3d: {  	_ =	shalt  }
0x3e: {  	_ =	shalt  }
0x3f: {  	_ =	shalt  }
0x40: {  	_ =	shalt  }
0x41: {  	_ =	shalt  }
0x42: {  	_ =	shalt  }
0x43: {  	_ =	shalt  }
0x44: {  	_ =	shalt  }
0x45: {  	_ =	shalt  }
0x46: {  	_ =	shalt  }
0x47: {  	_ =	shalt  }
0x48: {  	_ =	shalt  }
0x49: {  	_ =	shalt  }
0x4a: {  	_ =	shalt  }
0x4b: {  	_ =	shalt  }
0x4c: {  	_ =	shalt  }
0x4d: {  	_ =	shalt  }
0x4e: {  	_ =	shalt  }
0x4f: {  	_ =	shalt  }
0x50: {  	_ =	shalt  }
0x51: {  	_ =	shalt  }
0x52: {  	_ =	shalt  }
0x53: {  	_ =	shalt  }
0x54: {  	_ =	shalt  }
0x55: {  	_ =	shalt  }
0x56: {  	_ =	shalt  }
0x57: {  	_ =	shalt  }
0x58: {  	_ =	shalt  }
0x59: {  	_ =	shalt  }
0x5a: {  	_ =	shalt  }
0x5b: {  	_ =	shalt  }
0x5c: {  	_ =	shalt  }
0x5d: {  	_ =	shalt  }
0x5e: {  	_ =	shalt  }
0x5f: {  	_ =	shalt  }
0x60: {  	_ =	shalt  }
0x61: {  	_ =	shalt  }
0x62: {  	_ =	shalt  }
0x63: {  	_ =	shalt  }
0x64: {  	_ =	shalt  }
0x65: {  	_ =	shalt  }
0x66: {  	_ =	shalt  }
0x67: {  	_ =	shalt  }
0x68: {  	_ =	shalt  }
0x69: {  	_ =	shalt  }
0x6a: {  	_ =	shalt  }
0x6b: {  	_ =	shalt  }
0x6c: {  	_ =	shalt  }
0x6d: {  	_ =	shalt  }
0x6e: {  	_ =	shalt  }
0x6f: {  	_ =	shalt  }
0x70: {  	_ =	shalt  }
0x71: {  	_ =	shalt  }
0x72: {  	_ =	shalt  }
0x73: {  	_ =	shalt  }
0x74: {  	_ =	shalt  }
0x75: {  	_ =	shalt  }
0x76: {  	_ =	shalt  }
0x77: {  	_ =	shalt  }
0x78: {  	_ =	shalt  }
0x79: {  	_ =	shalt  }
0x7a: {  	_ =	shalt  }
0x7b: {  	_ =	shalt  }
0x7c: {  	_ =	shalt  }
0x7d: {  	_ =	shalt  }
0x7e: {  	_ =	shalt  }
0x7f: {  	_ =	shalt  }
0x80: {  	_ =	shalt  }
0x81: {  	_ =	shalt  }
0x82: {  	_ =	shalt  }
0x83: {  	_ =	shalt  }
0x84: {  	_ =	shalt  }
0x85: {  	_ =	shalt  }
0x86: {  	_ =	shalt  }
0x87: {  	_ =	shalt  }
.Lfunc_end0:
.L_simem_size_0:
called_computation_lowered:
.L_overlay_start_0:
0x88: {  	s2 =	sld [smem:$0x3FD9]  }
0x89: {  	s3 =	sld [smem:$0x3FFE];
	_ =	sdelay $0x1  }
0x8a: {  	s1 =	srdreg.scid  }
0x8b: {  	s0 =	sand.u32 $0x1, s1  }
0x8c: {  	s17 =	sshll.u32 s0, $0xA;
	s2 =	sadd.s32 s3, s2  }
0x8d: {  	s2 =	sadd.s32 s2, s17  }
0x8e: {  	[smem:$0x3FBE] =	sst s2  }
0x8f: {  	_ = 	snop  }
0x90: {  	s2 =	sld [smem:$0x3FD0];
	(tm) =	ssettm $0x1  }
0x91: {  	s18 =	sld [smem:$0x3FFB];
	_ =	sdelay $0x3  }
0x92: {  	_ =	strace s18  }
0x93: {  	s3 =	sld [smem:$0x3FFC];
	_ =	sdelay $0x3  }
0x94: {  	_ =	strace s3  }
0x95: {  	s3 =	sld [smem:$0x3FFD];
	_ =	sdelay $0x3  }
0x96: {  	_ =	strace s3  }
0x97: {  	_ =	strace $0x8FFFFFFF  }
0x98: {  	s19 =	sld [smem:$0x3FDB];
	_ =	sdelay $0x1  }
0x99: {  	s4 =	simm.s32 $_scs_section_size  }
0x9a: {  	s5 =	simm.s32 $_size__tile_overlayer_lowered;
	s6 =	simm.s32 $_tile_overlayer_lowered  }
0x9b: {  	s22 =	simm.s32 $0x1BFF;
	s21 =	sshll.u32 s6, $0x1;
	s3 =	sadd.s32 s4, s19  }
0x9c: {  	s7 =	simm.s32 $0x0;
	s20 =	sshll.u32 s5, $0x1;
	s5 =	sadd.s32 s21, s3  }
0x9d: {  	[timem:s7], [sflag:s22] =	dma.local [hbm:s5], s20  }
0x9e: {  	_ =	swait.ge [sflag:s22], s20  }
0x9f: {  	s4 =	ssub.s32 $0x0, s20;
	[sflag:s22] =	ssyncset.done $0x0  }
0xa0: {  	[sflag:s22] =	ssyncadd.s32 s4;
	_ =	sdelay $0x1  }
0xa1: {  	s23 =	simm.s32 $0x1B8B  }
0xa2: {  	_ =	swait.ge [sflag:s23], $0x1  }
0xa3: {  	[sflag:s23] =	ssyncset.done $0x0  }
0xa4: {  	s25 =	simm.s32 $0x1B8E;
	s24 =	sld [smem:$0x3FFE];
	[sflag:s23] =	ssyncadd.s32 $0xFFFFFFFF  }
0xa5: {  	s26 =	simm.s32 $execute0_lowered;
	[smem:$0x3FD2] =	sst s25  }
0xa6: {  	s5 =	sshll.u32 s26, $0x1;
	_ =	strace $0x80000046;
	[dreg:$0x1] =	wrdreg $0xFFFFFFFF  }
0xa7: {  	s28 =	simm.s32 $_size_execute0_lowered;
	s3 =	sadd.s32 s3, s5;
	[dreg:$0x0] =	wrdreg $0x0  }
0xa8: {  	s5 =	sshll.u32 s28, $0x1;
	[dreg:$0x2] =	wrdreg s3  }
0xa9: {  	[dreg:$0x3] =	wrdreg s5  }
0xaa: {  	[dreg:$0x4] =	wrdreg $0xC0  }
0xab: {  	_ =	task [dreg:s7], $0x5FFFF  }
0xac: {  	[dreg:$0x1] =	wrdreg $0xFFFFFFFF  }
0xad: {  	[dreg:$0x0] =	wrdreg $0x60  }
0xae: {  	[dreg:$0x2] =	wrdreg s2  }
0xaf: {  	[dreg:$0x3] =	wrdreg s24  }
0xb0: {  	[dreg:$0x4] =	wrdreg $0x86800  }
0xb1: {  	[dreg:$0x5] =	wrdreg $0x9  }
0xb2: {  	_ =	task.clear_ibuf [dreg:s7], $0x6FFFF;
	_ =	strace $0x90000046  }
0xb3: {  	s29 =	simm.s32 $0x9;
	_ =	strace $0x80000048  }
0xb4: {  	_ =	swait.ge [sflag:s29], $0x1  }
0xb5: {  	[sflag:s29] =	ssyncadd.s32 $0xFFFFFFFF  }
0xb6: {  	_ =	strace $0x90000048  }
0xb7: {  	_ =	sfence  }
0xb8: {  	s30 =	sld [smem:$0x0];
	_ =	sdelay $0x2  }
0xb9: {  	s31 =	sshll.u32 s1, $0xD;
	s1 =	sshrl.u32 s1, $0x2  }
0xba: {  	s3 =	sand.u32 $0x4000, s31;
	s1 =	sadd.s32 s1, s30  }
0xbb: {  	s0 =	sor.u32 s3, s0;
	s1 =	sshll.u32 s1, $0x11  }
0xbc: {  	s0 =	sor.u32 s1, s0  }
0xbd: {  	s0 =	sadd.s32 $0x8F2B, s0  }
0xbe: {  	[sflag:s0] =	ssyncadd.remote.s32 $0x1  }
0xbf: {  	_ =	sfence.sel $0xFFFF  }
0xc0: {  	[dreg:$0x0] =	wrdreg $0xFFFFFFFF;
	(pc) =	sbr.abs _section_cstart, $3  }
0xc1: {  	[dreg:$0x1] =	wrdreg $0xFFFFFFFF  }
0xc2: {  	_ =	task.clear_ibuf [dreg:s7], $0x2FFFF;
	_ =	strace $0x9FFFFFFF  }
0xc3: {  	(tm) =	ssettm $0x7FFFFFFF  }
tec
execute0_lowered:
.L_overlay_start_1:
0x0: {  	(tag) =	ssettag $0x1  }
0x1: {  	s30 =	rddreg [dreg:$0x0]  }
0x2: {  	s0 =	rddreg [dreg:$0x1]  }
0x3: {  	s31 =	rddreg [dreg:$0x2]  }
0x4: {  	s1 =	srdreg.scid;
	s4 =	simm.s32 $0x0;
	s7 =	stileid.u32  }
0x5: {  	s28 =	simm.s32 $0x5200;
	s29 =	simm.s32 $0x7;
	s8 =	smul.u32 $0x50000, s7  }
0x6: {  	s1 =	sand.u32 $0x1, s1;
	[smem:$0x7FF] =	sst s4;
	s3 =	smul.u32 $0x14000, s7  }
0x7: {  	s5 =	sadd.s32 $0x15200, s0;
	s6 =	sadd.s32 $0xB400, s0;
	s8 =	sshrl.u32 s8, $0x2  }
0x8: {  	s21 =	sshll.u32 s7, $0x1;
	s2 =	smul.u32 $0x140000, s1;
	s8 =	sadd.s32 s8, s31  }
0x9: {  	_ =	strace $0x80000047;
	s23 =	sadd.s32 $0x1400, s8;
	[dreg:$0x4] =	wrdreg s8  }
0xa: {  	s7 =	sadd.s32 $0x1600, s0;
	s24 =	sadd.s32 $0x2800, s8;
	[dreg:$0x5] =	wrdreg s23  }
0xb: {  	s2 =	sadd.s32 s3, s2;
	s25 =	sadd.s32 $0x3C00, s8;
	[dreg:$0x6] =	wrdreg s24  }
0xc: {  	s3 =	sor.u32 s1, s21;
	s26 =	sadd.s32 $0x5000, s8;
	[dreg:$0x7] =	wrdreg s25  }
0xd: {  	s1 =	ssub.s32 $0x2, s1;
	s10 =	sadd.s32 $0x6400, s8;
	[dreg:$0x8] =	wrdreg s26  }
0xe: {  	s2 =	sshrl.u32 s2, $0x3;
	s11 =	sadd.s32 $0x7800, s8;
	[dreg:$0x9] =	wrdreg s10  }
0xf: {  	s9 =	sshll.u32 s3, $0x4;
	s12 =	sadd.s32 $0x8C00, s8;
	[dreg:$0xa] =	wrdreg s11  }
0x10: {  	s22 =	sshrl.u32 s1, $0x1;
	s14 =	sadd.s32 $0xA000, s8;
	[dreg:$0xb] =	wrdreg s12  }
0x11: {  	s13 =	smul.u32 $0x2710, s3;
	s20 =	sadd.s32 $0xB400, s8;
	[dreg:$0xc] =	wrdreg s14  }
0x12: {  	s21 =	sadd.s32 $0xC800, s8;
	s2 =	sadd.s32 s2, s0;
	[dreg:$0x15] =	wrdreg s20  }
0x13: {  	s1 =	ssub.s32 s1, s22;
	[dreg:$0x16] =	wrdreg s21;
	s22 =	sadd.s32 $0xDC00, s8  }
0x14: {  	s0 =	sadd.s32 s9, s0;
	s23 =	sadd.s32 $0xF000, s8;
	[dreg:$0x17] =	wrdreg s22  }
0x15: {  	s24 =	sadd.s32 $0x10400, s8;
	s25 =	sadd.s32 $0x11800, s8;
	[dreg:$0x18] =	wrdreg s23  }
0x16: {  	s26 =	sadd.s32 $0x12C00, s8;
	s12 =	simm.s32 $0x5;
	[dreg:$0x19] =	wrdreg s24  }
0x17: {  	s14 =	simm.s32 $0x28;
	s20 =	simm.s32 $0x1C680;
	[dreg:$0x1a] =	wrdreg s25  }
0x18: {  	v4 =	vlaneseq.u32;
	s15 =	sshrl.u32 s13, $0x3;
	s16 =	sadd.s32 $0x28, s13;
	[dreg:$0x1b] =	wrdreg s26  }
0x19: {  	v1 =	vimm.f32 $0.0e+00;
	v0 =	vand.u32 $0x7, v4;
	s0 =	sadd.s32 $0xB3400, s0;
	s18 =	sadd.s32 $0x63400, s2;
	[dreg:$0xd] =	wrdreg s16  }
0x1a: {  	vm0 =	vmmov $0xffff;
	v5 =	vshrl.u32 v4, $0x3;
	v3 =	vmul.u32 $0x10, v0;
	s19 =	smax.u32 s1, $0x1;
	s25 =	simm.s32 $0x6;
	[dreg:$0x12] =	wrdreg s0  }
0x1b: {  	v4 =	vor.u32 $0x8, v4;
	v2 =	vmul.u32 $0x8, v5;
	v5 =	vmul.u32 $0x80, v5;
	s26 =	simm.s32 $0x3E00;
	s1 =	simm.s32 $0x0;
	[dreg:$0x13] =	wrdreg s18  }
0x1c: {  	v6 =	vor.u32 $0x1, v3;
	v7 =	vor.u32 $0x2, v3;
	v8 =	vor.u32 $0x3, v3;
	s10 =	sadd.s32 s6, s15;
	s3 =	sadd.s32 s7, s15;
	[dreg:$0x14] =	wrdreg s19  }
0x1d: {  	v9 =	vor.u32 $0x4, v3;
	v10 =	vor.u32 $0x5, v3;
	v11 =	vor.u32 $0x6, v3;
	s17 =	sshrl.u32 s16, $0x3;
	s15 =	simm.s32 $0x1500;
	[dreg:$0xe] =	wrdreg s10  }
0x1e: {  	v12 =	vor.u32 $0x7, v3;
	v13 =	vor.u32 $0x8, v3;
	v14 =	vor.u32 $0x9, v3;
	[dreg:$0xf] =	wrdreg s3;
	s9 =	sadd.s32 s6, s17;
	s3 =	sadd.s32 s7, s17  }
0x1f: {  	v15 =	vor.u32 $0xA, v3;
	v16 =	vor.u32 $0xB, v3;
	v17 =	vor.u32 $0xC, v3;
	s10 =	simm.s32 $0x1C700;
	s17 =	simm.s32 $0x0;
	[dreg:$0x10] =	wrdreg s9  }
0x20: {  	v18 =	vor.u32 $0xD, v3;
	v19 =	vor.u32 $0xE, v3;
	v20 =	vor.u32 $0xF, v3;
	[dreg:$0x11] =	wrdreg s3;
	s9 =	simm.s32 $0x100;
	s3 =	simm.s32 $0xB  }
.LBB2_1:
0x21: {  	[dreg:$0x1c] =	wrdreg s1;
	s0 =	simm.s32 $0x0;
	s1 =	simm.s32 $0x200  }
.LBB2_2:
0x22: {  	p0 =	sne.s32 s1, $0x4E00;
	[tilespmem:s0+$0x170] =	vst v1  }
0x23: {  	[tilespmem:s0+$0x100] =	vst v1  }
0x24: {  	[tilespmem:s0+$0x110] =	vst v1  }
.Ltmp0:
0x25: {  	[tilespmem:s0+$0x120] =	vst v1;
	(pc) =	sbr.rel @p0 .LBB2_2-.Ltmp0, $4  }
0x26: {  	[tilespmem:s0+$0x130] =	vst v1  }
0x27: {  	[tilespmem:s0+$0x140] =	vst v1  }
0x28: {  	[tilespmem:s0+$0x150] =	vst v1  }
0x29: {  	[tilespmem:s0+$0x160] =	vst v1;
	s0 =	sshra.s32 s1, $0x2;
	s1 =	sadd.s32 $0x200, s1  }
0x2a: {  	[tilespmem:s0+$0x170] =	vst v1  }
0x2b: {  	[tilespmem:s0+$0x100] =	vst v1  }
0x2c: {  	[tilespmem:s0+$0x110] =	vst v1  }
0x2d: {  	[tilespmem:s0+$0x120] =	vst v1  }
0x2e: {  	[tilespmem:s0+$0x130] =	vst v1  }
0x2f: {  	[tilespmem:s0+$0x140] =	vst v1  }
0x30: {  	[tilespmem:s0+$0x150] =	vst v1  }
0x31: {  	[tilespmem:s0+$0x160] =	vst v1  }
0x32: {  	[spmem:s8] =	stream.linear.scatter [tilespmem:s9], [sflag:$0xB], $0x1400, $0x38;
	[tilespmem:$0x1EF80] =	vst v63  }
0x33: {  	_ =	swait.ge [sflag:s3], $0x1400  }
0x34: {  	[sflag:s3] =	ssyncset.done $0x0  }
0x35: {  	s23 =	rddreg [dreg:$0x5];
	[sflag:s3] =	ssyncadd.s32 $0xFFFFEC00  }
0x36: {  	[spmem:s23] =	stream.linear.scatter [tilespmem:s9], [sflag:$0xB], $0x1400, $0x38;
	[tilespmem:$0x1EF80] =	vst v63  }
0x37: {  	_ =	swait.ge [sflag:s3], $0x1400  }
0x38: {  	[sflag:s3] =	ssyncset.done $0x0  }
0x39: {  	s24 =	rddreg [dreg:$0x6];
	[sflag:s3] =	ssyncadd.s32 $0xFFFFEC00  }
0x3a: {  	[spmem:s24] =	stream.linear.scatter [tilespmem:s9], [sflag:$0xB], $0x1400, $0x38;
	[tilespmem:$0x1EF80] =	vst v63  }
0x3b: {  	_ =	swait.ge [sflag:s3], $0x1400  }
0x3c: {  	[sflag:s3] =	ssyncset.done $0x0  }
0x3d: {  	s1 =	rddreg [dreg:$0x7];
	[sflag:s3] =	ssyncadd.s32 $0xFFFFEC00  }
0x3e: {  	[spmem:s1] =	stream.linear.scatter [tilespmem:s9], [sflag:$0xB], $0x1400, $0x38;
	[tilespmem:$0x1EF80] =	vst v63  }
0x3f: {  	_ =	swait.ge [sflag:s3], $0x1400  }
0x40: {  	[sflag:s3] =	ssyncset.done $0x0  }
0x41: {  	s2 =	rddreg [dreg:$0x8];
	[sflag:s3] =	ssyncadd.s32 $0xFFFFEC00  }
0x42: {  	[spmem:s2] =	stream.linear.scatter [tilespmem:s9], [sflag:$0xB], $0x1400, $0x38;
	[tilespmem:$0x1EF80] =	vst v63  }
0x43: {  	_ =	swait.ge [sflag:s3], $0x1400  }
0x44: {  	[sflag:s3] =	ssyncset.done $0x0  }
0x45: {  	s8 =	rddreg [dreg:$0x9];
	[sflag:s3] =	ssyncadd.s32 $0xFFFFEC00  }
0x46: {  	[spmem:s8] =	stream.linear.scatter [tilespmem:s9], [sflag:$0xB], $0x1400, $0x38;
	[tilespmem:$0x1EF80] =	vst v63  }
0x47: {  	_ =	swait.ge [sflag:s3], $0x1400  }
0x48: {  	[sflag:s3] =	ssyncset.done $0x0  }
0x49: {  	s11 =	rddreg [dreg:$0xa];
	[sflag:s3] =	ssyncadd.s32 $0xFFFFEC00  }
0x4a: {  	[spmem:s11] =	stream.linear.scatter [tilespmem:s9], [sflag:$0xB], $0x1400, $0x38;
	[tilespmem:$0x1EF80] =	vst v63  }
0x4b: {  	_ =	swait.ge [sflag:s3], $0x1400  }
0x4c: {  	[sflag:s3] =	ssyncset.done $0x0  }
0x4d: {  	s16 =	rddreg [dreg:$0xb];
	[sflag:s3] =	ssyncadd.s32 $0xFFFFEC00  }
0x4e: {  	[spmem:s16] =	stream.linear.scatter [tilespmem:s9], [sflag:$0xB], $0x1400, $0x38;
	[tilespmem:$0x1EF80] =	vst v63  }
0x4f: {  	_ =	swait.ge [sflag:s3], $0x1400  }
0x50: {  	[sflag:s3] =	ssyncset.done $0x0  }
0x51: {  	s18 =	rddreg [dreg:$0xc];
	[sflag:s3] =	ssyncadd.s32 $0xFFFFEC00  }
0x52: {  	[spmem:s18] =	stream.linear.scatter [tilespmem:s9], [sflag:$0xB], $0x1400, $0x38;
	[tilespmem:$0x1EF80] =	vst v63  }
0x53: {  	_ =	swait.ge [sflag:s3], $0x1400  }
0x54: {  	[sflag:s3] =	ssyncset.done $0x0  }
0x55: {  	s19 =	rddreg [dreg:$0x15];
	[sflag:s3] =	ssyncadd.s32 $0xFFFFEC00  }
0x56: {  	[spmem:s19] =	stream.linear.scatter [tilespmem:s9], [sflag:$0xB], $0x1400, $0x38;
	[tilespmem:$0x1EF80] =	vst v63  }
0x57: {  	_ =	swait.ge [sflag:s3], $0x1400  }
0x58: {  	[sflag:s3] =	ssyncset.done $0x0  }
0x59: {  	s21 =	rddreg [dreg:$0x16];
	[sflag:s3] =	ssyncadd.s32 $0xFFFFEC00  }
0x5a: {  	[spmem:s21] =	stream.linear.scatter [tilespmem:s9], [sflag:$0xB], $0x1400, $0x38;
	[tilespmem:$0x1EF80] =	vst v63  }
0x5b: {  	_ =	swait.ge [sflag:s3], $0x1400  }
0x5c: {  	[sflag:s3] =	ssyncset.done $0x0  }
0x5d: {  	s22 =	rddreg [dreg:$0x17];
	[sflag:s3] =	ssyncadd.s32 $0xFFFFEC00  }
0x5e: {  	[spmem:s22] =	stream.linear.scatter [tilespmem:s9], [sflag:$0xB], $0x1400, $0x38;
	[tilespmem:$0x1EF80] =	vst v63  }
0x5f: {  	_ =	swait.ge [sflag:s3], $0x1400  }
0x60: {  	[sflag:s3] =	ssyncset.done $0x0  }
0x61: {  	s23 =	rddreg [dreg:$0x18];
	[sflag:s3] =	ssyncadd.s32 $0xFFFFEC00  }
0x62: {  	[spmem:s23] =	stream.linear.scatter [tilespmem:s9], [sflag:$0xB], $0x1400, $0x38;
	[tilespmem:$0x1EF80] =	vst v63  }
0x63: {  	_ =	swait.ge [sflag:s3], $0x1400  }
0x64: {  	[sflag:s3] =	ssyncset.done $0x0  }
0x65: {  	s24 =	rddreg [dreg:$0x19];
	[sflag:s3] =	ssyncadd.s32 $0xFFFFEC00  }
0x66: {  	[spmem:s24] =	stream.linear.scatter [tilespmem:s9], [sflag:$0xB], $0x1400, $0x38;
	[tilespmem:$0x1EF80] =	vst v63  }
0x67: {  	_ =	swait.ge [sflag:s3], $0x1400  }
0x68: {  	[sflag:s3] =	ssyncset.done $0x0  }
0x69: {  	s1 =	rddreg [dreg:$0x1a];
	[sflag:s3] =	ssyncadd.s32 $0xFFFFEC00  }
0x6a: {  	[spmem:s1] =	stream.linear.scatter [tilespmem:s9], [sflag:$0xB], $0x1400, $0x38;
	[tilespmem:$0x1EF80] =	vst v63  }
0x6b: {  	_ =	swait.ge [sflag:s3], $0x1400  }
0x6c: {  	[sflag:s3] =	ssyncset.done $0x0  }
0x6d: {  	s2 =	rddreg [dreg:$0x1b];
	[sflag:s3] =	ssyncadd.s32 $0xFFFFEC00  }
0x6e: {  	[spmem:s2] =	stream.linear.scatter [tilespmem:s9], [sflag:$0xB], $0x1400, $0x38;
	[tilespmem:$0x1EF80] =	vst v63  }
0x6f: {  	_ =	swait.ge [sflag:s3], $0x1400  }
0x70: {  	[sflag:s3] =	ssyncset.done $0x0  }
0x71: {  	[sflag:s3] =	ssyncadd.s32 $0xFFFFEC00  }
0x72: {  	[bflag:$0x0] =	sbarrier.arrive $0xFFFF  }
0x73: {  	s3 =	rddreg [dreg:$0xe]  }
0x74: {  	[tilespmem:s17], [sflag:$0x5] =	stream.linear.gather [hbm4b:s3+s17], $0x28, $0x38;
	[tilespmem:$0x1EF80] =	vst v63  }
0x75: {  	s1 =	simm.s32 $0x80;
	s8 =	rddreg [dreg:$0xf]  }
0x76: {  	[tilespmem:s1], [sflag:$0x5] =	stream.linear.gather [hbm4b:s8+s17], $0x28, $0x38;
	[tilespmem:$0x1EF80] =	vst v63  }
0x77: {  	_ =	swait.ge [sflag:s12], $0x28  }
0x78: {  	[sflag:s12] =	ssyncset.done $0x0  }
0x79: {  	[sflag:s12] =	ssyncadd.s32 $0xFFFFFFD8  }
0x7a: {  	_ =	swait.ge [sflag:s12], $0x28  }
0x7b: {  	[sflag:s12] =	ssyncset.done $0x0  }
0x7c: {  	[sflag:s12] =	ssyncadd.s32 $0xFFFFFFD8  }
0x7d: {  	[tilespmem:s9], [sflag:$0x1] =	stream.indirect.gather [hbm4b:s30+s14], $0x80, s1, s14, $0xb8;
	[tilespmem:$0x1EF80] =	vst v63  }
0x7e: {  	v21 =	vld [tilespmem:$0x0];
	_ =	sdelay $0x4  }
0x7f: {  	v22 =	vshll.u32 v21, $0x1  }
0x80: {  	v21 =	vand.u32 $0x7, v21;
	v22 =	vand.u32 $0xFFFFFFF0, v22  }
0x81: {  	v21 =	vor.u32 v21, v22  }
0x82: {  	v22 =	vperm.xlane v21, v0;
	_ =	sdelay $0x1  }
0x83: {  	v21 =	vperm.xlane v21, v4;
	v22 =	vadd.s32 v2, v22;
	_ =	sdelay $0x1  }
0x84: {  	v21 =	vadd.s32 v2, v21;
	_ =	sdelay $0x2  }
0x85: {  	[tilespmem:s15], [sflag:$0x2] =	stream.indirect_vreg.gather [hbm4b:s5+s17], $0x80, v22, vm0, $0xb8;
	[tilespmem:$0x1EF80] =	vst v63  }
0x86: {  	s11 =	simm.s32 $0x1D00  }
0x87: {  	[tilespmem:s11], [sflag:$0x2] =	stream.indirect_vreg.gather [hbm4b:s5+s17], $0x80, v21, vm0, $0xb8;
	[tilespmem:$0x1EF80] =	vst v63  }
0x88: {  	v21 =	vld [tilespmem:$0x10];
	_ =	sdelay $0x4  }
0x89: {  	v22 =	vshll.u32 v21, $0x1  }
0x8a: {  	v21 =	vand.u32 $0x7, v21;
	v22 =	vand.u32 $0xFFFFFFF0, v22  }
0x8b: {  	v21 =	vor.u32 v21, v22  }
0x8c: {  	v22 =	vperm.xlane v21, v0;
	_ =	sdelay $0x1  }
0x8d: {  	v21 =	vperm.xlane v21, v4;
	v22 =	vadd.s32 v2, v22;
	_ =	sdelay $0x1  }
0x8e: {  	v21 =	vadd.s32 v2, v21;
	_ =	sdelay $0x1  }
0x8f: {  	s16 =	simm.s32 $0x2500  }
0x90: {  	[tilespmem:s16], [sflag:$0x2] =	stream.indirect_vreg.gather [hbm4b:s5+s17], $0x80, v22, vm0, $0xb8;
	[tilespmem:$0x1EF80] =	vst v63  }
0x91: {  	s18 =	simm.s32 $0x2D00  }
0x92: {  	[tilespmem:s18], [sflag:$0x2] =	stream.indirect_vreg.gather [hbm4b:s5+s17], $0x80, v21, vm0, $0xb8;
	[tilespmem:$0x1EF80] =	vst v63  }
0x93: {  	v21 =	vld.msk [tilespmem:$0x20], $0xff;
	_ =	sdelay $0x4  }
0x94: {  	v22 =	vshll.u32 v21, $0x1  }
0x95: {  	v21 =	vand.u32 $0x7, v21;
	v22 =	vand.u32 $0xFFFFFFF0, v22  }
0x96: {  	v21 =	vor.u32 v21, v22  }
0x97: {  	v21 =	vperm.xlane v21, v0;
	_ =	sdelay $0x1  }
0x98: {  	v21 =	vadd.s32 v2, v21;
	_ =	sdelay $0x3  }
0x99: {  	s19 =	simm.s32 $0x3500  }
0x9a: {  	[tilespmem:s19], [sflag:$0x2] =	stream.indirect_vreg.gather [hbm4b:s5+s17], $0x80, v21, vm0, $0xb8;
	[tilespmem:$0x1EF80] =	vst v63  }
0x9b: {  	_ = 	snop  }
0x9c: {  	[tilespmem:s20], [sflag:$0x7] =	stream.linear.gather [hbm4b:s8+s17], $0x28, $0x38;
	[tilespmem:$0x1EF80] =	vst v63  }
0x9d: {  	s22 =	simm.s32 $0x3D00;
	s21 =	rddreg [dreg:$0x10]  }
0x9e: {  	[tilespmem:s22], [sflag:$0x6] =	stream.linear.gather [hbm4b:s21+s17], $0x28, $0x38;
	[tilespmem:$0x1EF80] =	vst v63  }
0x9f: {  	s24 =	simm.s32 $0x3D80;
	s23 =	rddreg [dreg:$0x11];
	s19 =	simm.s32 $0x0  }
0xa0: {  	v21 =	vimm.f32 $0.0e+00;
	[tilespmem:s24], [sflag:$0x6] =	stream.linear.gather [hbm4b:s23+s17], $0x28, $0x38;
	[tilespmem:$0x1EF80] =	vst v63  }
.LBB2_4:
0xa1: {  	_ =	swait.ge [sflag:s25], $0x28  }
0xa2: {  	[sflag:s25] =	ssyncset.done $0x0  }
0xa3: {  	[sflag:s25] =	ssyncadd.s32 $0xFFFFFFD8  }
0xa4: {  	_ =	swait.ge [sflag:s25], $0x28  }
0xa5: {  	[sflag:s25] =	ssyncset.done $0x0  }
0xa6: {  	s0 =	simm.s32 $0x3D80;
	[sflag:s25] =	ssyncadd.s32 $0xFFFFFFD8  }
0xa7: {  	[tilespmem:s26], [sflag:$0x3] =	stream.indirect.gather [hbm4b:s30+s14], $0x80, s0, s14, $0xb8;
	[tilespmem:$0x1EF80] =	vst v63  }
0xa8: {  	v22 =	vld [tilespmem:$0x3D00];
	_ =	sdelay $0x4  }
0xa9: {  	v23 =	vshll.u32 v22, $0x1  }
0xaa: {  	v22 =	vand.u32 $0x7, v22;
	v23 =	vand.u32 $0xFFFFFFF0, v23  }
0xab: {  	v22 =	vor.u32 v22, v23  }
0xac: {  	v23 =	vperm.xlane v22, v0;
	_ =	sdelay $0x1  }
0xad: {  	v22 =	vperm.xlane v22, v4;
	v23 =	vadd.s32 v2, v23;
	_ =	sdelay $0x1  }
0xae: {  	v22 =	vadd.s32 v2, v22;
	_ =	sdelay $0x2  }
0xaf: {  	[tilespmem:s28], [sflag:$0x4] =	stream.indirect_vreg.gather [hbm4b:s5+s4], $0x80, v23, vm0, $0xb8;
	[tilespmem:$0x1EF80] =	vst v63  }
0xb0: {  	s2 =	simm.s32 $0x5A00  }
0xb1: {  	[tilespmem:s2], [sflag:$0x4] =	stream.indirect_vreg.gather [hbm4b:s5+s4], $0x80, v22, vm0, $0xb8;
	[tilespmem:$0x1EF80] =	vst v63  }
0xb2: {  	v22 =	vld [tilespmem:$0x3D10];
	_ =	sdelay $0x4  }
0xb3: {  	v23 =	vshll.u32 v22, $0x1  }
0xb4: {  	v22 =	vand.u32 $0x7, v22;
	v23 =	vand.u32 $0xFFFFFFF0, v23  }
0xb5: {  	v22 =	vor.u32 v22, v23  }
0xb6: {  	v23 =	vperm.xlane v22, v0;
	_ =	sdelay $0x1  }
0xb7: {  	v22 =	vperm.xlane v22, v4;
	v23 =	vadd.s32 v2, v23;
	_ =	sdelay $0x1  }
0xb8: {  	v22 =	vadd.s32 v2, v22;
	_ =	sdelay $0x1  }
0xb9: {  	s3 =	simm.s32 $0x6200  }
0xba: {  	[tilespmem:s3], [sflag:$0x4] =	stream.indirect_vreg.gather [hbm4b:s5+s4], $0x80, v23, vm0, $0xb8;
	[tilespmem:$0x1EF80] =	vst v63  }
0xbb: {  	s11 =	simm.s32 $0x6A00  }
0xbc: {  	[tilespmem:s11], [sflag:$0x4] =	stream.indirect_vreg.gather [hbm4b:s5+s4], $0x80, v22, vm0, $0xb8;
	[tilespmem:$0x1EF80] =	vst v63  }
0xbd: {  	v22 =	vld.msk [tilespmem:$0x3D20], $0xff;
	_ =	sdelay $0x4  }
0xbe: {  	v23 =	vshll.u32 v22, $0x1  }
0xbf: {  	v22 =	vand.u32 $0x7, v22;
	v23 =	vand.u32 $0xFFFFFFF0, v23  }
0xc0: {  	v22 =	vor.u32 v22, v23  }
0xc1: {  	v22 =	vperm.xlane v22, v0;
	_ =	sdelay $0x1  }
0xc2: {  	v22 =	vadd.s32 v2, v22;
	_ =	sdelay $0x2  }
0xc3: {  	s16 =	simm.s32 $0x7200;
	p0 =	seq.s32 s19, $0x0  }
0xc4: {  	s18 =	smul.u32 $0x50, s19;
	s1 =	simm.s32 @!p0 $0xA;
	s2 =	rddreg [dreg:$0xd]  }
0xc5: {  	[tilespmem:s16], [sflag:$0x4] =	stream.indirect_vreg.gather [hbm4b:s5+s4], $0x80, v22, vm0, $0xb8;
	[tilespmem:$0x1EF80] =	vst v63  }
0xc6: {  	s2 =	sadd.s32 s18, s2;
	_ =	swait.ge @!p0 [sflag:s1], $0x1400  }
0xc7: {  	s2 =	sshrl.u32 s2, $0x3;
	[sflag:s1] =	ssyncset.done @!p0 $0x0  }
0xc8: {  	s21 =	simm.s32 $0x1;
	s2 =	sadd.s32 s7, s2;
	[sflag:s1] =	ssyncadd.s32 @!p0 $0xFFFFEC00  }
0xc9: {  	[tilespmem:s10], [sflag:$0x8] =	stream.linear.gather [hbm4b:s2+s17], $0x28, $0x38;
	[tilespmem:$0x1EF80] =	vst v63  }
0xca: {  	_ =	swait.ge [sflag:s21], $0x1400  }
0xcb: {  	[sflag:s21] =	ssyncset.done $0x0  }
0xcc: {  	s22 =	simm.s32 $0x2;
	v22 =	vmov s17;
	[sflag:s21] =	ssyncadd.s32 $0xFFFFEC00  }
0xcd: {  	v23 =	vshll.u32 v22, $0x7;
	_ =	swait.ge [sflag:s22], $0x2800  }
0xce: {  	s0 =	sadd.s32 $0x50, s18;
	v22 =	vshll.u32 v22, $0x8;
	v23 =	vor.u32 v5, v23;
	p0 =	seq.s32 s19, $0x7C;
	[sflag:s22] =	ssyncset.done $0x0  }
0xcf: {  	v22 =	vand.u32 $0x3800, v22;
	v24 =	vand.u32 $0x380, v23;
	s0 =	simm.s32 @p0 $0x0;
	[sflag:s22] =	ssyncadd.s32 $0xFFFFD800  }
0xd0: {  	v22 =	vor.u32 v22, v24;
	s0 =	sadd.s32 s13, s0;
	_ =	swait.ge [sflag:s29], $0x28  }
0xd1: {  	v24 =	vor.u32 v3, v22;
	s0 =	sshrl.u32 s0, $0x3;
	[sflag:s29] =	ssyncset.done $0x0  }
0xd2: {  	v25 =	vor.u32 v3, v23;
	s23 =	sadd.s32 s6, s0;
	[sflag:s29] =	ssyncadd.s32 $0xFFFFFFD8  }
0xd3: {  	v26 =	vor.u32 v6, v23;
	[tilespmem:s17], [sflag:$0x5] =	stream.linear.gather [hbm4b:s23+s17], $0x28, $0x38;
	[tilespmem:$0x1EF80] =	vst v63  }
0xd4: {  	s24 =	simm.s32 $0x80;
	v27 =	vor.u32 v6, v22;
	s21 =	sadd.s32 s7, s0  }
0xd5: {  	v28 =	vor.u32 v7, v23;
	[tilespmem:s24], [sflag:$0x5] =	stream.linear.gather [hbm4b:s21+s17], $0x28, $0x38;
	[tilespmem:$0x1EF80] =	vst v63  }
0xd6: {  	v29 =	vor.u32 v7, v22;
	v24 =	vld.idx.msk [tilespmem:v24+s15+$0x0], $0xffff  }
0xd7: {  	v30 =	vor.u32 v8, v23;
	v25 =	vld.idx.msk [tilespmem:v25+s9+$0x0], $0xffff  }
0xd8: {  	v31 =	vor.u32 v8, v22;
	v26 =	vld.idx.msk [tilespmem:v26+s9+$0x0], $0xffff  }
0xd9: {  	v32 =	vor.u32 v9, v23;
	v27 =	vld.idx.msk [tilespmem:v27+s15+$0x0], $0xffff  }
0xda: {  	v33 =	vor.u32 v9, v22;
	v28 =	vld.idx.msk [tilespmem:v28+s9+$0x0], $0xffff  }
0xdb: {  	v34 =	vor.u32 v10, v23;
	v29 =	vld.idx.msk [tilespmem:v29+s15+$0x0], $0xffff  }
0xdc: {  	v35 =	vor.u32 v10, v22;
	v30 =	vld.idx.msk [tilespmem:v30+s9+$0x0], $0xffff;
	v24 =	vmul.f32 v24, v25  }
0xdd: {  	v58 =	vor.u32 v11, v23;
	v57 =	vld.idx.msk [tilespmem:v31+s15+$0x0], $0xffff  }
0xde: {  	v36 =	vor.u32 v11, v22;
	v32 =	vld.idx.msk [tilespmem:v32+s9+$0x0], $0xffff;
	v26 =	vmul.f32 v27, v26;
	v24 =	vadd.f32 $0.0e+00, v24  }
0xdf: {  	v60 =	vor.u32 v12, v23;
	v59 =	vld.idx.msk [tilespmem:v33+s15+$0x0], $0xffff  }
0xe0: {  	v37 =	vor.u32 v12, v22;
	v34 =	vld.idx.msk [tilespmem:v34+s9+$0x0], $0xffff;
	v61 =	vmul.f32 v29, v28;
	v24 =	vadd.f32 v26, v24  }
0xe1: {  	v40 =	vor.u32 v13, v22;
	v62 =	vld.idx.msk [tilespmem:v35+s15+$0x0], $0xffff  }
0xe2: {  	v63 =	vor.u32 v13, v23;
	v31 =	vld.idx.msk [tilespmem:v58+s9+$0x0], $0xffff;
	v25 =	vmul.f32 v57, v30;
	v24 =	vadd.f32 v61, v24  }
0xe3: {  	v43 =	vor.u32 v14, v22;
	v41 =	vld.idx.msk [tilespmem:v36+s15+$0x0], $0xffff  }
0xe4: {  	v42 =	vor.u32 v14, v23;
	v33 =	vld.idx.msk [tilespmem:v60+s9+$0x0], $0xffff;
	v44 =	vmul.f32 v59, v32;
	v24 =	vadd.f32 v25, v24  }
0xe5: {  	v46 =	vor.u32 v15, v23;
	v45 =	vld.idx.msk [tilespmem:v37+s15+$0x0], $0xffff  }
0xe6: {  	v47 =	vor.u32 v15, v22;
	v49 =	vld.idx.msk [tilespmem:v40+s15+$0x0], $0xffff;
	v48 =	vmul.f32 v62, v34;
	v24 =	vadd.f32 v44, v24  }
0xe7: {  	v50 =	vor.u32 v16, v23;
	v29 =	vld.idx.msk [tilespmem:v63+s9+$0x0], $0xffff  }
0xe8: {  	v51 =	vor.u32 v16, v22;
	v53 =	vld.idx.msk [tilespmem:v43+s15+$0x0], $0xffff;
	v52 =	vmul.f32 v41, v31;
	v24 =	vadd.f32 v48, v24  }
0xe9: {  	v55 =	vor.u32 v17, v22;
	v30 =	vld.idx.msk [tilespmem:v42+s9+$0x0], $0xffff  }
0xea: {  	v54 =	vor.u32 v17, v23;
	v32 =	vld.idx.msk [tilespmem:v46+s9+$0x0], $0xffff;
	v56 =	vmul.f32 v45, v33;
	v24 =	vadd.f32 v52, v24  }
0xeb: {  	v58 =	vor.u32 v18, v23;
	v57 =	vld.idx.msk [tilespmem:v47+s15+$0x0], $0xffff  }
0xec: {  	v34 =	vld.idx.msk [tilespmem:v50+s9+$0x0], $0xffff;
	v59 =	vor.u32 v18, v22;
	v60 =	vmul.f32 v49, v29;
	v24 =	vadd.f32 v56, v24  }
0xed: {  	v62 =	vor.u32 v19, v23;
	v61 =	vld.idx.msk [tilespmem:v51+s15+$0x0], $0xffff  }
0xee: {  	v39 =	vld.idx.msk [tilespmem:v55+s15+$0x0], $0xffff;
	v63 =	vor.u32 v19, v22;
	v38 =	vmul.f32 v53, v30;
	v24 =	vadd.f32 v60, v24  }
0xef: {  	v31 =	vld.idx.msk [tilespmem:v54+s9+$0x0], $0xffff;
	v23 =	vor.u32 v20, v23  }
0xf0: {  	v40 =	vld.idx.msk [tilespmem:v58+s9+$0x0], $0xffff;
	v22 =	vor.u32 v20, v22;
	v41 =	vmul.f32 v57, v32;
	v24 =	vadd.f32 v38, v24  }
0xf1: {  	v42 =	vld.idx.msk [tilespmem:v59+s15+$0x0], $0xffff  }
0xf2: {  	v29 =	vld.idx.msk [tilespmem:v62+s9+$0x0], $0xffff;
	v43 =	vmul.f32 v61, v34;
	v24 =	vadd.f32 v41, v24  }
0xf3: {  	v44 =	vld.idx.msk [tilespmem:v63+s15+$0x0], $0xffff  }
0xf4: {  	v23 =	vld.idx.msk [tilespmem:v23+s9+$0x0], $0xffff;
	v45 =	vmul.f32 v39, v31;
	v24 =	vadd.f32 v43, v24  }
0xf5: {  	v22 =	vld.idx.msk [tilespmem:v22+s15+$0x0], $0xffff  }
0xf6: {  	v46 =	vmul.f32 v42, v40;
	v24 =	vadd.f32 v45, v24;
	_ =	sdelay $0x1  }
0xf7: {  	v47 =	vmul.f32 v44, v29;
	v24 =	vadd.f32 v46, v24;
	_ =	sdelay $0x1  }
0xf8: {  	v22 =	vmul.f32 v22, v23;
	v24 =	vadd.f32 v47, v24;
	_ =	sdelay $0x1  }
0xf9: {  	v22 =	vadd.f32 v22, v24;
	_ =	sdelay $0x1  }
0xfa: {  	v22 =	vmul.f32 $2.500000000e-01, v22;
	_ =	sdelay $0x1  }
0xfb: {  	v22 =	vmul.f32 $1.442695020e+00, v22;
	_ =	sdelay $0x1  }
0xfc: {  	s20 =	smov.u32 s30;
	s30 =	simm.s32 $0x2;
	(erf) = vpow2.f32 v22  }
0xfd: {  	v22 =	vmov s30  }
0xfe: {  	v23 =	vshll.u32 v22, $0x7  }
0xff: {  	v22 =	vshll.u32 v22, $0x8;
	v23 =	vor.u32 v5, v23  }
0x100: {  	v22 =	vand.u32 $0x3800, v22;
	v48 =	vand.u32 $0x380, v23  }
0x101: {  	v22 =	vor.u32 v22, v48  }
0x102: {  	v24 =	vor.u32 v3, v22  }
0x103: {  	v49 =	vor.u32 v3, v23  }
0x104: {  	v50 =	vor.u32 v6, v23  }
0x105: {  	s2 =	simm.s32 $0x7A00;
	v51 =	vor.u32 v6, v22;
	v28 =	vpop (erf)  }
0x106: {  	v52 =	vor.u32 v7, v23;
	[tilespmem:s2+$0x0] =	vst v28  }
0x107: {  	v53 =	vor.u32 v7, v22;
	v24 =	vld.idx.msk [tilespmem:v24+s15+$0x0], $0xffff  }
0x108: {  	v54 =	vor.u32 v8, v23;
	v25 =	vld.idx.msk [tilespmem:v49+s9+$0x0], $0xffff  }
0x109: {  	v55 =	vor.u32 v8, v22;
	v26 =	vld.idx.msk [tilespmem:v50+s9+$0x0], $0xffff  }
0x10a: {  	v56 =	vor.u32 v9, v23;
	v27 =	vld.idx.msk [tilespmem:v51+s15+$0x0], $0xffff  }
0x10b: {  	v57 =	vor.u32 v9, v22;
	v29 =	vld.idx.msk [tilespmem:v52+s9+$0x0], $0xffff  }
0x10c: {  	v58 =	vor.u32 v10, v23;
	v30 =	vld.idx.msk [tilespmem:v53+s15+$0x0], $0xffff  }
0x10d: {  	v59 =	vor.u32 v10, v22;
	v31 =	vld.idx.msk [tilespmem:v54+s9+$0x0], $0xffff;
	v24 =	vmul.f32 v24, v25  }
0x10e: {  	v61 =	vor.u32 v11, v23;
	v60 =	vld.idx.msk [tilespmem:v55+s15+$0x0], $0xffff  }
0x10f: {  	v62 =	vor.u32 v11, v22;
	v33 =	vld.idx.msk [tilespmem:v56+s9+$0x0], $0xffff;
	v26 =	vmul.f32 v27, v26;
	v24 =	vadd.f32 $0.0e+00, v24  }
0x110: {  	v40 =	vor.u32 v12, v23;
	v63 =	vld.idx.msk [tilespmem:v57+s15+$0x0], $0xffff  }
0x111: {  	v41 =	vor.u32 v12, v22;
	v35 =	vld.idx.msk [tilespmem:v58+s9+$0x0], $0xffff;
	v29 =	vmul.f32 v30, v29;
	v24 =	vadd.f32 v26, v24  }
0x112: {  	v43 =	vor.u32 v13, v23;
	v42 =	vld.idx.msk [tilespmem:v59+s15+$0x0], $0xffff  }
0x113: {  	v44 =	vor.u32 v13, v22;
	v32 =	vld.idx.msk [tilespmem:v61+s9+$0x0], $0xffff;
	v25 =	vmul.f32 v60, v31;
	v24 =	vadd.f32 v29, v24  }
0x114: {  	v46 =	vor.u32 v14, v23;
	v45 =	vld.idx.msk [tilespmem:v62+s15+$0x0], $0xffff  }
0x115: {  	v47 =	vor.u32 v14, v22;
	v34 =	vld.idx.msk [tilespmem:v40+s9+$0x0], $0xffff;
	v27 =	vmul.f32 v63, v33;
	v24 =	vadd.f32 v25, v24  }
0x116: {  	v48 =	vor.u32 v15, v23;
	v26 =	vld.idx.msk [tilespmem:v41+s15+$0x0], $0xffff  }
0x117: {  	v36 =	vld.idx.msk [tilespmem:v43+s9+$0x0], $0xffff;
	v49 =	vor.u32 v15, v22;
	v30 =	vmul.f32 v42, v35;
	v24 =	vadd.f32 v27, v24  }
0x118: {  	v50 =	vor.u32 v16, v23;
	v29 =	vld.idx.msk [tilespmem:v44+s15+$0x0], $0xffff  }
0x119: {  	v37 =	vld.idx.msk [tilespmem:v46+s9+$0x0], $0xffff;
	v51 =	vor.u32 v16, v22;
	v31 =	vmul.f32 v45, v32;
	v24 =	vadd.f32 v30, v24  }
0x11a: {  	v52 =	vor.u32 v17, v23;
	v25 =	vld.idx.msk [tilespmem:v47+s15+$0x0], $0xffff  }
0x11b: {  	v53 =	vor.u32 v17, v22;
	v33 =	vld.idx.msk [tilespmem:v48+s9+$0x0], $0xffff;
	v26 =	vmul.f32 v26, v34;
	v24 =	vadd.f32 v31, v24  }
0x11c: {  	v54 =	vor.u32 v18, v23;
	v27 =	vld.idx.msk [tilespmem:v49+s15+$0x0], $0xffff  }
0x11d: {  	v55 =	vor.u32 v18, v22;
	v35 =	vld.idx.msk [tilespmem:v50+s9+$0x0], $0xffff;
	v29 =	vmul.f32 v29, v36;
	v24 =	vadd.f32 v26, v24  }
0x11e: {  	v56 =	vor.u32 v19, v23;
	v30 =	vld.idx.msk [tilespmem:v51+s15+$0x0], $0xffff  }
0x11f: {  	v57 =	vor.u32 v19, v22;
	v32 =	vld.idx.msk [tilespmem:v52+s9+$0x0], $0xffff;
	v25 =	vmul.f32 v25, v37;
	v24 =	vadd.f32 v29, v24  }
0x120: {  	v23 =	vor.u32 v20, v23;
	v31 =	vld.idx.msk [tilespmem:v53+s15+$0x0], $0xffff  }
0x121: {  	v22 =	vor.u32 v20, v22;
	v34 =	vld.idx.msk [tilespmem:v54+s9+$0x0], $0xffff;
	v58 =	vmul.f32 v27, v33;
	v24 =	vadd.f32 v25, v24  }
0x122: {  	v26 =	vld.idx.msk [tilespmem:v55+s15+$0x0], $0xffff  }
0x123: {  	v59 =	vld.idx.msk [tilespmem:v56+s9+$0x0], $0xffff;
	v60 =	vmul.f32 v30, v35;
	v24 =	vadd.f32 v58, v24  }
0x124: {  	v29 =	vld.idx.msk [tilespmem:v57+s15+$0x0], $0xffff  }
0x125: {  	v23 =	vld.idx.msk [tilespmem:v23+s9+$0x0], $0xffff;
	v61 =	vmul.f32 v31, v32;
	v24 =	vadd.f32 v60, v24  }
0x126: {  	v22 =	vld.idx.msk [tilespmem:v22+s15+$0x0], $0xffff  }
0x127: {  	v62 =	vmul.f32 v26, v34;
	v24 =	vadd.f32 v61, v24;
	_ =	sdelay $0x1  }
0x128: {  	v63 =	vmul.f32 v29, v59;
	v24 =	vadd.f32 v62, v24;
	_ =	sdelay $0x1  }
0x129: {  	v22 =	vmul.f32 v22, v23;
	v24 =	vadd.f32 v63, v24;
	_ =	sdelay $0x1  }
0x12a: {  	v22 =	vadd.f32 v22, v24;
	_ =	sdelay $0x1  }
0x12b: {  	v22 =	vmul.f32 $2.500000000e-01, v22;
	_ =	sdelay $0x1  }
0x12c: {  	v23 =	vmul.f32 $1.442695020e+00, v22;
	_ =	sdelay $0x1  }
0x12d: {  	s8 =	smov.u32 s31;
	s31 =	simm.s32 $0x4;
	(erf) = vpow2.f32 v23  }
0x12e: {  	v22 =	vmov s31  }
0x12f: {  	s1 =	simm.s32 $0x6;
	s23 =	sshll.u32 s19, $0x1;
	v21 =	vadd.f32 v28, v21;
	v23 =	vshll.u32 v22, $0x7  }
.LBB2_5:
0x130: {  	p0 =	sne.s32 s1, $0x26;
	v23 =	vor.u32 v5, v23;
	v22 =	vshll.u32 v22, $0x8  }
0x131: {  	v22 =	vand.u32 $0x3800, v22;
	v24 =	vand.u32 $0x380, v23  }
0x132: {  	v22 =	vor.u32 v22, v24  }
0x133: {  	v24 =	vor.u32 v3, v22  }
0x134: {  	v25 =	vor.u32 v3, v23  }
0x135: {  	v26 =	vor.u32 v6, v23  }
0x136: {  	s2 =	sadd.s32 $0x80, s2;
	v27 =	vor.u32 v6, v22;
	v28 =	vpop (erf)  }
0x137: {  	v29 =	vor.u32 v7, v23;
	[tilespmem:s2+$0x0] =	vst v28;
	v21 =	vadd.f32 v28, v21  }
0x138: {  	v28 =	vor.u32 v7, v22;
	v24 =	vld.idx.msk [tilespmem:v24+s15+$0x0], $0xffff  }
0x139: {  	v30 =	vor.u32 v8, v23;
	v25 =	vld.idx.msk [tilespmem:v25+s9+$0x0], $0xffff  }
0x13a: {  	v31 =	vor.u32 v8, v22;
	v26 =	vld.idx.msk [tilespmem:v26+s9+$0x0], $0xffff  }
0x13b: {  	v32 =	vor.u32 v9, v23;
	v27 =	vld.idx.msk [tilespmem:v27+s15+$0x0], $0xffff  }
0x13c: {  	v33 =	vor.u32 v9, v22;
	v29 =	vld.idx.msk [tilespmem:v29+s9+$0x0], $0xffff  }
0x13d: {  	v34 =	vor.u32 v10, v23;
	v28 =	vld.idx.msk [tilespmem:v28+s15+$0x0], $0xffff  }
0x13e: {  	v35 =	vor.u32 v10, v22;
	v30 =	vld.idx.msk [tilespmem:v30+s9+$0x0], $0xffff  }
0x13f: {  	v24 =	vmul.f32 v24, v25;
	v25 =	vld.idx.msk [tilespmem:v31+s15+$0x0], $0xffff;
	v31 =	vor.u32 v11, v23  }
0x140: {  	v36 =	vor.u32 v11, v22;
	v32 =	vld.idx.msk [tilespmem:v32+s9+$0x0], $0xffff  }
0x141: {  	v24 =	vadd.f32 $0.0e+00, v24;
	v26 =	vmul.f32 v27, v26;
	v27 =	vld.idx.msk [tilespmem:v33+s15+$0x0], $0xffff;
	v33 =	vor.u32 v12, v23  }
0x142: {  	v37 =	vor.u32 v12, v22;
	v34 =	vld.idx.msk [tilespmem:v34+s9+$0x0], $0xffff  }
0x143: {  	v24 =	vadd.f32 v26, v24;
	v26 =	vmul.f32 v28, v29;
	v29 =	vor.u32 v13, v23;
	v28 =	vld.idx.msk [tilespmem:v35+s15+$0x0], $0xffff  }
0x144: {  	v35 =	vor.u32 v13, v22;
	v31 =	vld.idx.msk [tilespmem:v31+s9+$0x0], $0xffff  }
0x145: {  	v24 =	vadd.f32 v26, v24;
	v25 =	vmul.f32 v25, v30;
	v30 =	vor.u32 v14, v23;
	v26 =	vld.idx.msk [tilespmem:v36+s15+$0x0], $0xffff  }
0x146: {  	v36 =	vor.u32 v14, v22;
	v33 =	vld.idx.msk [tilespmem:v33+s9+$0x0], $0xffff  }
0x147: {  	v24 =	vadd.f32 v25, v24;
	v25 =	vmul.f32 v27, v32;
	v32 =	vor.u32 v15, v23;
	v27 =	vld.idx.msk [tilespmem:v37+s15+$0x0], $0xffff  }
0x148: {  	v37 =	vor.u32 v15, v22;
	v29 =	vld.idx.msk [tilespmem:v29+s9+$0x0], $0xffff  }
0x149: {  	v24 =	vadd.f32 v25, v24;
	v25 =	vmul.f32 v28, v34;
	v34 =	vor.u32 v16, v23;
	v28 =	vld.idx.msk [tilespmem:v35+s15+$0x0], $0xffff  }
0x14a: {  	v35 =	vor.u32 v16, v22;
	v30 =	vld.idx.msk [tilespmem:v30+s9+$0x0], $0xffff  }
0x14b: {  	v24 =	vadd.f32 v25, v24;
	v25 =	vmul.f32 v26, v31;
	v31 =	vor.u32 v17, v23;
	v26 =	vld.idx.msk [tilespmem:v36+s15+$0x0], $0xffff  }
0x14c: {  	v36 =	vor.u32 v17, v22;
	v32 =	vld.idx.msk [tilespmem:v32+s9+$0x0], $0xffff  }
0x14d: {  	v24 =	vadd.f32 v25, v24;
	v25 =	vmul.f32 v27, v33;
	v33 =	vor.u32 v18, v23;
	v27 =	vld.idx.msk [tilespmem:v37+s15+$0x0], $0xffff  }
0x14e: {  	v37 =	vor.u32 v18, v22;
	v34 =	vld.idx.msk [tilespmem:v34+s9+$0x0], $0xffff  }
0x14f: {  	v24 =	vadd.f32 v25, v24;
	v25 =	vmul.f32 v28, v29;
	v29 =	vor.u32 v19, v23;
	v28 =	vld.idx.msk [tilespmem:v35+s15+$0x0], $0xffff  }
0x150: {  	v35 =	vor.u32 v19, v22;
	v31 =	vld.idx.msk [tilespmem:v31+s9+$0x0], $0xffff  }
0x151: {  	v23 =	vor.u32 v20, v23;
	v24 =	vadd.f32 v25, v24;
	v25 =	vmul.f32 v26, v30;
	v26 =	vld.idx.msk [tilespmem:v36+s15+$0x0], $0xffff  }
0x152: {  	v22 =	vor.u32 v20, v22;
	v30 =	vld.idx.msk [tilespmem:v33+s9+$0x0], $0xffff  }
0x153: {  	v24 =	vadd.f32 v25, v24;
	v25 =	vmul.f32 v27, v32;
	v27 =	vld.idx.msk [tilespmem:v37+s15+$0x0], $0xffff  }
0x154: {  	v29 =	vld.idx.msk [tilespmem:v29+s9+$0x0], $0xffff  }
0x155: {  	v24 =	vadd.f32 v25, v24;
	v25 =	vmul.f32 v28, v34;
	v28 =	vld.idx.msk [tilespmem:v35+s15+$0x0], $0xffff  }
0x156: {  	v23 =	vld.idx.msk [tilespmem:v23+s9+$0x0], $0xffff  }
0x157: {  	v24 =	vadd.f32 v25, v24;
	v25 =	vmul.f32 v26, v31;
	v22 =	vld.idx.msk [tilespmem:v22+s15+$0x0], $0xffff;
	_ =	sdelay $0x1  }
0x158: {  	v24 =	vadd.f32 v25, v24;
	v25 =	vmul.f32 v27, v30;
	_ =	sdelay $0x1  }
0x159: {  	v24 =	vadd.f32 v25, v24;
	v25 =	vmul.f32 v28, v29;
	_ =	sdelay $0x1  }
0x15a: {  	v24 =	vadd.f32 v25, v24;
	v22 =	vmul.f32 v22, v23;
	_ =	sdelay $0x1  }
0x15b: {  	v22 =	vadd.f32 v22, v24;
	_ =	sdelay $0x1  }
0x15c: {  	v22 =	vmul.f32 $2.500000000e-01, v22;
	_ =	sdelay $0x1  }
.Ltmp1:
0x15d: {  	v22 =	vmul.f32 $1.442695020e+00, v22;
	(pc) =	sbr.rel @p0 .LBB2_5-.Ltmp1, $4  }
0x15e: {  	_ = 	snop  }
0x15f: {  	(erf) = vpow2.f32 v22  }
0x160: {  	v22 =	vmov s1  }
0x161: {  	s1 =	sadd.s32 $0x2, s1;
	v23 =	vshll.u32 v22, $0x7  }
0x162: {  	v23 =	vor.u32 v5, v23;
	v22 =	vshll.u32 v22, $0x8  }
0x163: {  	v22 =	vand.u32 $0x3800, v22;
	v24 =	vand.u32 $0x380, v23  }
0x164: {  	v24 =	vor.u32 v22, v24  }
0x165: {  	v25 =	vor.u32 v3, v24  }
0x166: {  	v26 =	vor.u32 v3, v23  }
0x167: {  	v27 =	vor.u32 v6, v23  }
0x168: {  	s1 =	sadd.s32 $0x80, s2;
	v28 =	vor.u32 v6, v24;
	v22 =	vpop (erf)  }
0x169: {  	v29 =	vor.u32 v7, v23;
	[tilespmem:s1+$0x0] =	vst v22  }
0x16a: {  	v30 =	vor.u32 v7, v24;
	v25 =	vld.idx.msk [tilespmem:v25+s15+$0x0], $0xffff  }
0x16b: {  	v31 =	vor.u32 v8, v23;
	v26 =	vld.idx.msk [tilespmem:v26+s9+$0x0], $0xffff  }
0x16c: {  	v32 =	vor.u32 v8, v24;
	v27 =	vld.idx.msk [tilespmem:v27+s9+$0x0], $0xffff  }
0x16d: {  	v33 =	vor.u32 v9, v23;
	v28 =	vld.idx.msk [tilespmem:v28+s15+$0x0], $0xffff  }
0x16e: {  	v34 =	vor.u32 v9, v24;
	v29 =	vld.idx.msk [tilespmem:v29+s9+$0x0], $0xffff  }
0x16f: {  	v35 =	vor.u32 v10, v23;
	v30 =	vld.idx.msk [tilespmem:v30+s15+$0x0], $0xffff  }
0x170: {  	v36 =	vor.u32 v10, v24;
	v31 =	vld.idx.msk [tilespmem:v31+s9+$0x0], $0xffff;
	v25 =	vmul.f32 v25, v26  }
0x171: {  	v45 =	vor.u32 v11, v23;
	v44 =	vld.idx.msk [tilespmem:v32+s15+$0x0], $0xffff  }
0x172: {  	v37 =	vor.u32 v11, v24;
	v33 =	vld.idx.msk [tilespmem:v33+s9+$0x0], $0xffff;
	v27 =	vmul.f32 v28, v27;
	v25 =	vadd.f32 $0.0e+00, v25  }
0x173: {  	v47 =	vor.u32 v12, v23;
	v46 =	vld.idx.msk [tilespmem:v34+s15+$0x0], $0xffff  }
0x174: {  	v48 =	vor.u32 v12, v24;
	v35 =	vld.idx.msk [tilespmem:v35+s9+$0x0], $0xffff;
	v29 =	vmul.f32 v30, v29;
	v25 =	vadd.f32 v27, v25  }
0x175: {  	v50 =	vor.u32 v13, v23;
	v49 =	vld.idx.msk [tilespmem:v36+s15+$0x0], $0xffff  }
0x176: {  	v51 =	vor.u32 v13, v24;
	v32 =	vld.idx.msk [tilespmem:v45+s9+$0x0], $0xffff;
	v26 =	vmul.f32 v44, v31;
	v25 =	vadd.f32 v29, v25  }
0x177: {  	v53 =	vor.u32 v14, v23;
	v52 =	vld.idx.msk [tilespmem:v37+s15+$0x0], $0xffff  }
0x178: {  	v54 =	vor.u32 v14, v24;
	v34 =	vld.idx.msk [tilespmem:v47+s9+$0x0], $0xffff;
	v28 =	vmul.f32 v46, v33;
	v25 =	vadd.f32 v26, v25  }
0x179: {  	v55 =	vor.u32 v15, v23;
	v27 =	vld.idx.msk [tilespmem:v48+s15+$0x0], $0xffff  }
0x17a: {  	v56 =	vor.u32 v15, v24;
	v36 =	vld.idx.msk [tilespmem:v50+s9+$0x0], $0xffff;
	v30 =	vmul.f32 v49, v35;
	v25 =	vadd.f32 v28, v25  }
0x17b: {  	v57 =	vor.u32 v16, v23;
	v29 =	vld.idx.msk [tilespmem:v51+s15+$0x0], $0xffff  }
0x17c: {  	v58 =	vor.u32 v16, v24;
	v37 =	vld.idx.msk [tilespmem:v53+s9+$0x0], $0xffff;
	v31 =	vmul.f32 v52, v32;
	v25 =	vadd.f32 v30, v25  }
0x17d: {  	v59 =	vor.u32 v17, v23;
	v26 =	vld.idx.msk [tilespmem:v54+s15+$0x0], $0xffff  }
0x17e: {  	v60 =	vor.u32 v17, v24;
	v33 =	vld.idx.msk [tilespmem:v55+s9+$0x0], $0xffff;
	v27 =	vmul.f32 v27, v34;
	v25 =	vadd.f32 v31, v25  }
0x17f: {  	v61 =	vor.u32 v18, v23;
	v28 =	vld.idx.msk [tilespmem:v56+s15+$0x0], $0xffff  }
0x180: {  	v62 =	vor.u32 v18, v24;
	v35 =	vld.idx.msk [tilespmem:v57+s9+$0x0], $0xffff;
	v29 =	vmul.f32 v29, v36;
	v25 =	vadd.f32 v27, v25  }
0x181: {  	v63 =	vor.u32 v19, v23;
	v30 =	vld.idx.msk [tilespmem:v58+s15+$0x0], $0xffff  }
0x182: {  	v40 =	vor.u32 v19, v24;
	v32 =	vld.idx.msk [tilespmem:v59+s9+$0x0], $0xffff;
	v26 =	vmul.f32 v26, v37;
	v25 =	vadd.f32 v29, v25  }
0x183: {  	v23 =	vor.u32 v20, v23;
	v31 =	vld.idx.msk [tilespmem:v60+s15+$0x0], $0xffff  }
0x184: {  	v24 =	vor.u32 v20, v24;
	v34 =	vld.idx.msk [tilespmem:v61+s9+$0x0], $0xffff;
	v41 =	vmul.f32 v28, v33;
	v25 =	vadd.f32 v26, v25  }
0x185: {  	v27 =	vld.idx.msk [tilespmem:v62+s15+$0x0], $0xffff  }
0x186: {  	v42 =	vld.idx.msk [tilespmem:v63+s9+$0x0], $0xffff;
	v43 =	vmul.f32 v30, v35;
	v25 =	vadd.f32 v41, v25  }
0x187: {  	v29 =	vld.idx.msk [tilespmem:v40+s15+$0x0], $0xffff  }
0x188: {  	v23 =	vld.idx.msk [tilespmem:v23+s9+$0x0], $0xffff;
	v44 =	vmul.f32 v31, v32;
	v25 =	vadd.f32 v43, v25  }
0x189: {  	v24 =	vld.idx.msk [tilespmem:v24+s15+$0x0], $0xffff  }
0x18a: {  	v45 =	vmul.f32 v27, v34;
	v25 =	vadd.f32 v44, v25;
	_ =	sdelay $0x1  }
0x18b: {  	v46 =	vmul.f32 v29, v42;
	v25 =	vadd.f32 v45, v25;
	_ =	sdelay $0x1  }
0x18c: {  	v23 =	vmul.f32 v24, v23;
	v25 =	vadd.f32 v46, v25;
	_ =	sdelay $0x1  }
0x18d: {  	v23 =	vadd.f32 v23, v25;
	_ =	sdelay $0x1  }
0x18e: {  	v23 =	vmul.f32 $2.500000000e-01, v23;
	_ =	sdelay $0x1  }
0x18f: {  	v23 =	vmul.f32 $1.442695020e+00, v23;
	_ =	sdelay $0x1  }
0x190: {  	(erf) = vpow2.f32 v23;
	_ =	sdelay $0x8  }
0x191: {  	s18 =	simm.s32 $0x0;
	s0 =	sadd.s32 $0x80, s1;
	v23 =	vpop (erf)  }
0x192: {  	s22 =	simm.s32 $0x0;
	s24 =	simm.s32 $0x0;
	s1 =	sand.u32 $0x3800, s18;
	[tilespmem:s0+$0x0] =	vst v23  }
0x193: {  	s30 =	sand.u32 $0x300, s24;
	s1 =	sadd.s32 $0x1500, s1;
	v47 =	vld [tilespmem:s22+$0x7A00]  }
0x194: {  	s0 =	sadd.s32 s30, s1  }
0x195: {  	v48 =	vld [tilespmem:s0+$0x400];
	_ =	sdelay $0x2  }
0x196: {  	v49 =	vbroadcast v47, $0x0;
	_ =	sdelay $0x1  }
0x197: {  	v25 =	vmul.f32 v49, v48  }
0x198: {  	s2 =	simm.s32 $0x1C800  }
0x199: {  	[tilespmem:s2+$0xFFFFFF80] =	vst v25  }
0x19a: {  	v25 =	vld [tilespmem:s0+$0x410];
	_ =	sdelay $0x2  }
0x19b: {  	v50 =	vbroadcast v47, $0x1;
	_ =	sdelay $0x1  }
0x19c: {  	v25 =	vmul.f32 v25, v50;
	_ =	sdelay $0x1  }
0x19d: {  	[tilespmem:s2+$0xFFFFFF90] =	vst v25  }
0x19e: {  	v25 =	vld [tilespmem:s0+$0x420];
	_ =	sdelay $0x2  }
0x19f: {  	v51 =	vbroadcast v47, $0x2;
	_ =	sdelay $0x1  }
0x1a0: {  	v25 =	vmul.f32 v25, v51;
	_ =	sdelay $0x1  }
0x1a1: {  	[tilespmem:s2+$0xFFFFFFA0] =	vst v25  }
0x1a2: {  	v25 =	vld [tilespmem:s0+$0x430];
	_ =	sdelay $0x2  }
0x1a3: {  	v52 =	vbroadcast v47, $0x3;
	_ =	sdelay $0x1  }
0x1a4: {  	v25 =	vmul.f32 v25, v52;
	_ =	sdelay $0x1  }
0x1a5: {  	[tilespmem:s2+$0xFFFFFFB0] =	vst v25  }
0x1a6: {  	v25 =	vld [tilespmem:s0+$0x440];
	_ =	sdelay $0x2  }
0x1a7: {  	v53 =	vbroadcast v47, $0x4;
	_ =	sdelay $0x1  }
0x1a8: {  	v25 =	vmul.f32 v25, v53;
	_ =	sdelay $0x1  }
0x1a9: {  	[tilespmem:s2+$0xFFFFFFC0] =	vst v25  }
0x1aa: {  	v25 =	vld [tilespmem:s0+$0x450];
	_ =	sdelay $0x2  }
0x1ab: {  	v54 =	vbroadcast v47, $0x5;
	_ =	sdelay $0x1  }
0x1ac: {  	v25 =	vmul.f32 v25, v54;
	_ =	sdelay $0x1  }
0x1ad: {  	[tilespmem:s2+$0xFFFFFFD0] =	vst v25  }
0x1ae: {  	v25 =	vld [tilespmem:s0+$0x460];
	_ =	sdelay $0x2  }
0x1af: {  	v55 =	vbroadcast v47, $0x6;
	_ =	sdelay $0x1  }
0x1b0: {  	v25 =	vmul.f32 v25, v55;
	_ =	sdelay $0x1  }
0x1b1: {  	[tilespmem:s2+$0xFFFFFFE0] =	vst v25  }
0x1b2: {  	v25 =	vld [tilespmem:s0+$0x470];
	_ =	sdelay $0x2  }
0x1b3: {  	v56 =	vbroadcast v47, $0x7;
	_ =	sdelay $0x1  }
0x1b4: {  	s31 =	simm.s32 $0x80;
	v25 =	vmul.f32 v25, v56  }
0x1b5: {  	s0 =	sand.u32 $0x380, s31  }
0x1b6: {  	s0 =	sadd.s32 s0, s1;
	[tilespmem:s2+$0xFFFFFFF0] =	vst v25  }
0x1b7: {  	v25 =	vld [tilespmem:s0+$0x400];
	_ =	sdelay $0x2  }
0x1b8: {  	v57 =	vbroadcast v47, $0x8;
	_ =	sdelay $0x1  }
0x1b9: {  	v25 =	vmul.f32 v25, v57;
	_ =	sdelay $0x1  }
0x1ba: {  	[tilespmem:s2+$0x0] =	vst v25  }
0x1bb: {  	v25 =	vld [tilespmem:s0+$0x410];
	_ =	sdelay $0x2  }
0x1bc: {  	v58 =	vbroadcast v47, $0x9;
	_ =	sdelay $0x1  }
0x1bd: {  	v25 =	vmul.f32 v25, v58;
	_ =	sdelay $0x1  }
0x1be: {  	[tilespmem:s2+$0x10] =	vst v25  }
0x1bf: {  	v25 =	vld [tilespmem:s0+$0x420];
	_ =	sdelay $0x2  }
0x1c0: {  	v59 =	vbroadcast v47, $0xA;
	_ =	sdelay $0x1  }
0x1c1: {  	v25 =	vmul.f32 v25, v59;
	_ =	sdelay $0x1  }
0x1c2: {  	[tilespmem:s2+$0x20] =	vst v25  }
0x1c3: {  	v25 =	vld [tilespmem:s0+$0x430];
	_ =	sdelay $0x2  }
0x1c4: {  	v60 =	vbroadcast v47, $0xB;
	_ =	sdelay $0x1  }
0x1c5: {  	v25 =	vmul.f32 v25, v60;
	_ =	sdelay $0x1  }
0x1c6: {  	[tilespmem:s2+$0x30] =	vst v25  }
0x1c7: {  	v25 =	vld [tilespmem:s0+$0x440];
	_ =	sdelay $0x2  }
0x1c8: {  	v61 =	vbroadcast v47, $0xC;
	_ =	sdelay $0x1  }
0x1c9: {  	v25 =	vmul.f32 v25, v61;
	_ =	sdelay $0x1  }
0x1ca: {  	[tilespmem:s2+$0x40] =	vst v25  }
0x1cb: {  	v25 =	vld [tilespmem:s0+$0x450];
	_ =	sdelay $0x2  }
0x1cc: {  	v62 =	vbroadcast v47, $0xD;
	_ =	sdelay $0x1  }
0x1cd: {  	v25 =	vmul.f32 v25, v62;
	_ =	sdelay $0x1  }
0x1ce: {  	[tilespmem:s2+$0x50] =	vst v25  }
0x1cf: {  	v25 =	vld [tilespmem:s0+$0x460];
	_ =	sdelay $0x2  }
0x1d0: {  	v63 =	vbroadcast v47, $0xE;
	_ =	sdelay $0x1  }
0x1d1: {  	v25 =	vmul.f32 v25, v63;
	_ =	sdelay $0x1  }
0x1d2: {  	[tilespmem:s2+$0x60] =	vst v25  }
0x1d3: {  	v25 =	vld [tilespmem:s0+$0x470];
	_ =	sdelay $0x2  }
0x1d4: {  	v21 =	vadd.f32 v22, v21;
	v22 =	vbroadcast v47, $0xF  }
0x1d5: {  	s3 =	simm.s32 $0x80;
	s10 =	simm.s32 $0x1C900;
	s18 =	simm.s32 $0x200  }
0x1d6: {  	v21 =	vadd.f32 v23, v21;
	s22 =	simm.s32 $0x400;
	s1 =	simm.s32 $0x180;
	s0 =	simm.s32 $0x280;
	v22 =	vmul.f32 v25, v22  }
.LBB2_7:
0x1d7: {  	s30 =	sshra.s32 s22, $0x2;
	s31 =	sadd.s32 $0xFFFFFF80, s1;
	s16 =	sand.u32 $0x3800, s18  }
0x1d8: {  	[tilespmem:s2+$0x70] =	vst v22;
	s11 =	smov.u32 s0;
	s18 =	smov.u32 s22;
	s2 =	smov.u32 s10  }
0x1d9: {  	s24 =	sadd.s32 $0x100, s0;
	v22 =	vld [tilespmem:s3+$0x7A00];
	s3 =	sand.u32 $0x300, s31;
	s31 =	sadd.s32 $0x1500, s16  }
0x1da: {  	p0 =	sne.s32 s0, $0x1380;
	s0 =	sadd.s32 s3, s31;
	s3 =	smov.u32 s30  }
0x1db: {  	v23 =	vld [tilespmem:s0+$0x400];
	_ =	sdelay $0x2  }
0x1dc: {  	v24 =	vbroadcast v22, $0x0;
	v25 =	vbroadcast v22, $0x1  }
0x1dd: {  	v26 =	vbroadcast v22, $0x4;
	v27 =	vbroadcast v22, $0x5  }
0x1de: {  	v23 =	vmul.f32 v24, v23;
	_ =	sdelay $0x1  }
0x1df: {  	[tilespmem:s10+$0xFFFFFF80] =	vst v23  }
0x1e0: {  	v23 =	vld [tilespmem:s0+$0x410];
	_ =	sdelay $0x4  }
0x1e1: {  	v23 =	vmul.f32 v23, v25;
	_ =	sdelay $0x1  }
0x1e2: {  	[tilespmem:s10+$0xFFFFFF90] =	vst v23  }
0x1e3: {  	v23 =	vld [tilespmem:s0+$0x420];
	_ =	sdelay $0x2  }
0x1e4: {  	v24 =	vbroadcast v22, $0x2;
	_ =	sdelay $0x1  }
0x1e5: {  	v23 =	vmul.f32 v23, v24;
	_ =	sdelay $0x1  }
0x1e6: {  	[tilespmem:s10+$0xFFFFFFA0] =	vst v23  }
0x1e7: {  	v23 =	vld [tilespmem:s0+$0x430];
	_ =	sdelay $0x2  }
0x1e8: {  	v24 =	vbroadcast v22, $0x3;
	_ =	sdelay $0x1  }
0x1e9: {  	v23 =	vmul.f32 v23, v24;
	_ =	sdelay $0x1  }
0x1ea: {  	[tilespmem:s10+$0xFFFFFFB0] =	vst v23  }
0x1eb: {  	v23 =	vld [tilespmem:s0+$0x440];
	_ =	sdelay $0x4  }
0x1ec: {  	v23 =	vmul.f32 v23, v26;
	_ =	sdelay $0x1  }
0x1ed: {  	[tilespmem:s10+$0xFFFFFFC0] =	vst v23  }
0x1ee: {  	v23 =	vld [tilespmem:s0+$0x450];
	_ =	sdelay $0x4  }
0x1ef: {  	v23 =	vmul.f32 v23, v27;
	_ =	sdelay $0x1  }
0x1f0: {  	[tilespmem:s10+$0xFFFFFFD0] =	vst v23  }
0x1f1: {  	v23 =	vld [tilespmem:s0+$0x460];
	_ =	sdelay $0x2  }
0x1f2: {  	v24 =	vbroadcast v22, $0x6;
	_ =	sdelay $0x1  }
0x1f3: {  	v23 =	vmul.f32 v23, v24;
	_ =	sdelay $0x1  }
0x1f4: {  	[tilespmem:s10+$0xFFFFFFE0] =	vst v23  }
0x1f5: {  	v23 =	vld [tilespmem:s0+$0x470];
	_ =	sdelay $0x2  }
0x1f6: {  	v24 =	vbroadcast v22, $0x7;
	_ =	sdelay $0x1  }
0x1f7: {  	v23 =	vmul.f32 v23, v24  }
0x1f8: {  	s0 =	sand.u32 $0x380, s1;
	s1 =	smov.u32 s11  }
0x1f9: {  	s0 =	sadd.s32 s0, s31;
	[tilespmem:s10+$0xFFFFFFF0] =	vst v23  }
0x1fa: {  	v23 =	vld [tilespmem:s0+$0x400];
	_ =	sdelay $0x2  }
0x1fb: {  	v24 =	vbroadcast v22, $0x8;
	_ =	sdelay $0x1  }
0x1fc: {  	v23 =	vmul.f32 v23, v24;
	_ =	sdelay $0x1  }
0x1fd: {  	[tilespmem:s10+$0x0] =	vst v23  }
0x1fe: {  	v23 =	vld [tilespmem:s0+$0x410];
	_ =	sdelay $0x2  }
0x1ff: {  	v24 =	vbroadcast v22, $0x9;
	_ =	sdelay $0x1  }
0x200: {  	v23 =	vmul.f32 v23, v24;
	_ =	sdelay $0x1  }
0x201: {  	[tilespmem:s10+$0x10] =	vst v23  }
0x202: {  	v23 =	vld [tilespmem:s0+$0x420];
	_ =	sdelay $0x2  }
0x203: {  	v24 =	vbroadcast v22, $0xA;
	_ =	sdelay $0x1  }
0x204: {  	v23 =	vmul.f32 v23, v24;
	_ =	sdelay $0x1  }
0x205: {  	[tilespmem:s10+$0x20] =	vst v23  }
0x206: {  	v23 =	vld [tilespmem:s0+$0x430];
	_ =	sdelay $0x2  }
0x207: {  	v24 =	vbroadcast v22, $0xB;
	_ =	sdelay $0x1  }
0x208: {  	v23 =	vmul.f32 v23, v24;
	_ =	sdelay $0x1  }
0x209: {  	[tilespmem:s10+$0x30] =	vst v23  }
0x20a: {  	v23 =	vld [tilespmem:s0+$0x440];
	_ =	sdelay $0x2  }
0x20b: {  	v24 =	vbroadcast v22, $0xC;
	_ =	sdelay $0x1  }
0x20c: {  	v23 =	vmul.f32 v23, v24;
	_ =	sdelay $0x1  }
0x20d: {  	[tilespmem:s10+$0x40] =	vst v23  }
0x20e: {  	v23 =	vld [tilespmem:s0+$0x450];
	_ =	sdelay $0x2  }
0x20f: {  	v24 =	vbroadcast v22, $0xD;
	_ =	sdelay $0x1  }
0x210: {  	v23 =	vmul.f32 v23, v24;
	_ =	sdelay $0x1  }
0x211: {  	[tilespmem:s10+$0x50] =	vst v23  }
0x212: {  	v23 =	vld [tilespmem:s0+$0x460];
	_ =	sdelay $0x2  }
0x213: {  	v24 =	vbroadcast v22, $0xE;
	_ =	sdelay $0x1  }
0x214: {  	v23 =	vmul.f32 v23, v24;
	_ =	sdelay $0x1  }
0x215: {  	[tilespmem:s10+$0x60] =	vst v23  }
0x216: {  	v23 =	vld [tilespmem:s0+$0x470];
	_ =	sdelay $0x1  }
.Ltmp2:
0x217: {  	(pc) =	sbr.rel @p0 .LBB2_7-.Ltmp2, $3  }
0x218: {  	v22 =	vbroadcast v22, $0xF;
	_ =	sdelay $0x1  }
0x219: {  	v22 =	vmul.f32 v23, v22  }
0x21a: {  	s22 =	sadd.s32 $0x200, s22;
	s10 =	sadd.s32 $0x100, s10;
	s0 =	smov.u32 s24  }
0x21b: {  	[tilespmem:s2+$0x70] =	vst v22;
	s0 =	sadd.s32 $0xFFFFFF80, s1;
	s24 =	sand.u32 $0x3800, s18  }
0x21c: {  	v22 =	vld [tilespmem:s3+$0x7A00];
	s0 =	sand.u32 $0x300, s0;
	s2 =	sadd.s32 $0x1500, s24  }
0x21d: {  	s0 =	sadd.s32 s0, s2  }
0x21e: {  	v23 =	vld [tilespmem:s0+$0x400];
	_ =	sdelay $0x2  }
0x21f: {  	v24 =	vbroadcast v22, $0x0;
	_ =	sdelay $0x1  }
0x220: {  	v23 =	vmul.f32 v24, v23;
	_ =	sdelay $0x1  }
0x221: {  	[tilespmem:s10+$0xFFFFFF80] =	vst v23  }
0x222: {  	v23 =	vld [tilespmem:s0+$0x410];
	_ =	sdelay $0x2  }
0x223: {  	v42 =	vbroadcast v22, $0x1;
	_ =	sdelay $0x1  }
0x224: {  	v23 =	vmul.f32 v23, v42;
	_ =	sdelay $0x1  }
0x225: {  	[tilespmem:s10+$0xFFFFFF90] =	vst v23  }
0x226: {  	v23 =	vld [tilespmem:s0+$0x420];
	_ =	sdelay $0x2  }
0x227: {  	v43 =	vbroadcast v22, $0x2;
	_ =	sdelay $0x1  }
0x228: {  	v23 =	vmul.f32 v23, v43;
	_ =	sdelay $0x1  }
0x229: {  	[tilespmem:s10+$0xFFFFFFA0] =	vst v23  }
0x22a: {  	v23 =	vld [tilespmem:s0+$0x430];
	_ =	sdelay $0x2  }
0x22b: {  	v44 =	vbroadcast v22, $0x3;
	_ =	sdelay $0x1  }
0x22c: {  	v23 =	vmul.f32 v23, v44;
	_ =	sdelay $0x1  }
0x22d: {  	[tilespmem:s10+$0xFFFFFFB0] =	vst v23  }
0x22e: {  	v23 =	vld [tilespmem:s0+$0x440];
	_ =	sdelay $0x2  }
0x22f: {  	v45 =	vbroadcast v22, $0x4;
	_ =	sdelay $0x1  }
0x230: {  	v23 =	vmul.f32 v23, v45;
	_ =	sdelay $0x1  }
0x231: {  	[tilespmem:s10+$0xFFFFFFC0] =	vst v23  }
0x232: {  	v23 =	vld [tilespmem:s0+$0x450];
	_ =	sdelay $0x2  }
0x233: {  	v46 =	vbroadcast v22, $0x5;
	_ =	sdelay $0x1  }
0x234: {  	v23 =	vmul.f32 v23, v46;
	_ =	sdelay $0x1  }
0x235: {  	[tilespmem:s10+$0xFFFFFFD0] =	vst v23  }
0x236: {  	v23 =	vld [tilespmem:s0+$0x460];
	_ =	sdelay $0x2  }
0x237: {  	v47 =	vbroadcast v22, $0x6;
	_ =	sdelay $0x1  }
0x238: {  	v23 =	vmul.f32 v23, v47;
	_ =	sdelay $0x1  }
0x239: {  	[tilespmem:s10+$0xFFFFFFE0] =	vst v23  }
0x23a: {  	v23 =	vld [tilespmem:s0+$0x470];
	_ =	sdelay $0x2  }
0x23b: {  	v48 =	vbroadcast v22, $0x7;
	_ =	sdelay $0x1  }
0x23c: {  	v23 =	vmul.f32 v23, v48  }
0x23d: {  	s1 =	sand.u32 $0x380, s1  }
0x23e: {  	s0 =	sadd.s32 s1, s2;
	[tilespmem:s10+$0xFFFFFFF0] =	vst v23  }
0x23f: {  	v23 =	vld [tilespmem:s0+$0x400];
	_ =	sdelay $0x2  }
0x240: {  	v49 =	vbroadcast v22, $0x8;
	_ =	sdelay $0x1  }
0x241: {  	v23 =	vmul.f32 v23, v49;
	_ =	sdelay $0x1  }
0x242: {  	[tilespmem:s10+$0x0] =	vst v23  }
0x243: {  	v23 =	vld [tilespmem:s0+$0x410];
	_ =	sdelay $0x2  }
0x244: {  	v50 =	vbroadcast v22, $0x9;
	_ =	sdelay $0x1  }
0x245: {  	v23 =	vmul.f32 v23, v50;
	_ =	sdelay $0x1  }
0x246: {  	[tilespmem:s10+$0x10] =	vst v23  }
0x247: {  	v23 =	vld [tilespmem:s0+$0x420];
	_ =	sdelay $0x2  }
0x248: {  	v51 =	vbroadcast v22, $0xA;
	_ =	sdelay $0x1  }
0x249: {  	v23 =	vmul.f32 v23, v51;
	_ =	sdelay $0x1  }
0x24a: {  	[tilespmem:s10+$0x20] =	vst v23  }
0x24b: {  	v23 =	vld [tilespmem:s0+$0x430];
	_ =	sdelay $0x2  }
0x24c: {  	v52 =	vbroadcast v22, $0xB;
	_ =	sdelay $0x1  }
0x24d: {  	v23 =	vmul.f32 v23, v52;
	_ =	sdelay $0x1  }
0x24e: {  	[tilespmem:s10+$0x30] =	vst v23  }
0x24f: {  	v23 =	vld [tilespmem:s0+$0x440];
	_ =	sdelay $0x2  }
0x250: {  	v53 =	vbroadcast v22, $0xC;
	_ =	sdelay $0x1  }
0x251: {  	v23 =	vmul.f32 v23, v53;
	_ =	sdelay $0x1  }
0x252: {  	[tilespmem:s10+$0x40] =	vst v23  }
0x253: {  	v23 =	vld [tilespmem:s0+$0x450];
	_ =	sdelay $0x2  }
0x254: {  	v54 =	vbroadcast v22, $0xD;
	_ =	sdelay $0x1  }
0x255: {  	v23 =	vmul.f32 v23, v54;
	_ =	sdelay $0x1  }
0x256: {  	[tilespmem:s10+$0x50] =	vst v23  }
0x257: {  	v23 =	vld [tilespmem:s0+$0x460];
	_ =	sdelay $0x2  }
0x258: {  	v55 =	vbroadcast v22, $0xE;
	_ =	sdelay $0x1  }
0x259: {  	v23 =	vmul.f32 v23, v55;
	_ =	sdelay $0x1  }
0x25a: {  	[tilespmem:s10+$0x60] =	vst v23  }
0x25b: {  	v23 =	vld [tilespmem:s0+$0x470];
	_ =	sdelay $0x2  }
0x25c: {  	v22 =	vbroadcast v22, $0xF;
	_ =	sdelay $0x1  }
0x25d: {  	v22 =	vmul.f32 v23, v22;
	_ =	sdelay $0x1  }
0x25e: {  	s3 =	simm.s32 $0x1C780;
	s2 =	simm.s32 $0x1C680;
	[tilespmem:s10+$0x70] =	vst v22  }
0x25f: {  	[spmem:s8] =	stream.indirect.scatter.add.f32 [tilespmem:s3], [sflag:$0x9], $0x80, s2, s14, $0xb8;
	[tilespmem:$0x1EF80] =	vst v63  }
0x260: {  	_ =	swait.ge [sflag:s12], $0x28  }
0x261: {  	[sflag:s12] =	ssyncset.done $0x0  }
0x262: {  	[sflag:s12] =	ssyncadd.s32 $0xFFFFFFD8  }
0x263: {  	_ =	swait.ge [sflag:s12], $0x28  }
0x264: {  	[sflag:s12] =	ssyncset.done $0x0  }
0x265: {  	s10 =	simm.s32 $0x80;
	[sflag:s12] =	ssyncadd.s32 $0xFFFFFFD8  }
0x266: {  	[tilespmem:s9], [sflag:$0x1] =	stream.indirect.gather [hbm4b:s20+s14], $0x80, s10, s14, $0xb8;
	[tilespmem:$0x1EF80] =	vst v63  }
0x267: {  	v22 =	vld [tilespmem:$0x0];
	_ =	sdelay $0x4  }
0x268: {  	v23 =	vshll.u32 v22, $0x1  }
0x269: {  	v22 =	vand.u32 $0x7, v22;
	v23 =	vand.u32 $0xFFFFFFF0, v23  }
0x26a: {  	v22 =	vor.u32 v22, v23  }
0x26b: {  	v23 =	vperm.xlane v22, v0;
	_ =	sdelay $0x1  }
0x26c: {  	v22 =	vperm.xlane v22, v4;
	v23 =	vadd.s32 v2, v23;
	_ =	sdelay $0x1  }
0x26d: {  	v22 =	vadd.s32 v2, v22;
	_ =	sdelay $0x1  }
0x26e: {  	s10 =	simm.s32 $0x0  }
0x26f: {  	[tilespmem:s15], [sflag:$0x2] =	stream.indirect_vreg.gather [hbm4b:s5+s10], $0x80, v23, vm0, $0xb8;
	[tilespmem:$0x1EF80] =	vst v63  }
0x270: {  	s11 =	simm.s32 $0x1D00  }
0x271: {  	[tilespmem:s11], [sflag:$0x2] =	stream.indirect_vreg.gather [hbm4b:s5+s10], $0x80, v22, vm0, $0xb8;
	[tilespmem:$0x1EF80] =	vst v63  }
0x272: {  	v22 =	vld [tilespmem:$0x10];
	_ =	sdelay $0x4  }
0x273: {  	v23 =	vshll.u32 v22, $0x1  }
0x274: {  	v22 =	vand.u32 $0x7, v22;
	v23 =	vand.u32 $0xFFFFFFF0, v23  }
0x275: {  	v22 =	vor.u32 v22, v23  }
0x276: {  	v23 =	vperm.xlane v22, v0;
	_ =	sdelay $0x1  }
0x277: {  	v22 =	vperm.xlane v22, v4;
	v23 =	vadd.s32 v2, v23;
	_ =	sdelay $0x1  }
0x278: {  	v22 =	vadd.s32 v2, v22;
	_ =	sdelay $0x1  }
0x279: {  	s16 =	simm.s32 $0x2500  }
0x27a: {  	[tilespmem:s16], [sflag:$0x2] =	stream.indirect_vreg.gather [hbm4b:s5+s10], $0x80, v23, vm0, $0xb8;
	[tilespmem:$0x1EF80] =	vst v63  }
0x27b: {  	s18 =	simm.s32 $0x2D00  }
0x27c: {  	[tilespmem:s18], [sflag:$0x2] =	stream.indirect_vreg.gather [hbm4b:s5+s10], $0x80, v22, vm0, $0xb8;
	[tilespmem:$0x1EF80] =	vst v63  }
0x27d: {  	v22 =	vld.msk [tilespmem:$0x20], $0xff;
	_ =	sdelay $0x4  }
0x27e: {  	v23 =	vshll.u32 v22, $0x1  }
0x27f: {  	v22 =	vand.u32 $0x7, v22;
	v23 =	vand.u32 $0xFFFFFFF0, v23  }
0x280: {  	v22 =	vor.u32 v22, v23  }
0x281: {  	v22 =	vperm.xlane v22, v0;
	_ =	sdelay $0x1  }
0x282: {  	v22 =	vadd.s32 v2, v22;
	_ =	sdelay $0x3  }
0x283: {  	s30 =	smov.u32 s20;
	s22 =	simm.s32 $0x9;
	s20 =	simm.s32 $0x3500  }
0x284: {  	[tilespmem:s20], [sflag:$0x2] =	stream.indirect_vreg.gather [hbm4b:s5+s10], $0x80, v22, vm0, $0xb8;
	[tilespmem:$0x1EF80] =	vst v63  }
0x285: {  	_ =	swait.ge [sflag:s22], $0x1400  }
0x286: {  	s31 =	smov.u32 s8;
	s24 =	sadd.s32 $0x3, s23;
	[sflag:s22] =	ssyncset.done $0x0  }
0x287: {  	s3 =	smulhi.u32 $0x10624DD3, s24;
	s8 =	simm.s32 $0x3;
	[sflag:s22] =	ssyncadd.s32 $0xFFFFEC00  }
0x288: {  	[tilespmem:s2], [sflag:$0x7] =	stream.linear.gather [hbm4b:s21+s10], $0x28, $0x38;
	[tilespmem:$0x1EF80] =	vst v63  }
0x289: {  	s1 =	sshrl.u32 s3, $0x4;
	_ =	swait.ge [sflag:s8], $0x1400  }
0x28a: {  	s1 =	smul.u32 $0xFA, s1;
	[sflag:s8] =	ssyncset.done $0x0  }
0x28b: {  	s11 =	simm.s32 $0x4;
	v22 =	vmov s10;
	[sflag:s8] =	ssyncadd.s32 $0xFFFFEC00  }
0x28c: {  	s0 =	ssub.s32 s24, s1;
	v23 =	vshll.u32 v22, $0x7;
	_ =	swait.ge [sflag:s11], $0x2800  }
0x28d: {  	s0 =	smul.u32 $0x28, s0;
	v22 =	vshll.u32 v22, $0x8;
	v23 =	vor.u32 v5, v23;
	[sflag:s11] =	ssyncset.done $0x0  }
0x28e: {  	s16 =	simm.s32 $0x8;
	v22 =	vand.u32 $0x3800, v22;
	v56 =	vand.u32 $0x380, v23;
	[sflag:s11] =	ssyncadd.s32 $0xFFFFD800  }
0x28f: {  	s0 =	sadd.s32 s13, s0;
	v22 =	vor.u32 v22, v56;
	_ =	swait.ge [sflag:s16], $0x28  }
0x290: {  	s0 =	sshrl.u32 s0, $0x3;
	v24 =	vor.u32 v3, v22;
	[sflag:s16] =	ssyncset.done $0x0  }
0x291: {  	s18 =	sadd.s32 s6, s0;
	v25 =	vor.u32 v3, v23;
	s21 =	simm.s32 $0x3D00;
	[sflag:s16] =	ssyncadd.s32 $0xFFFFFFD8  }
0x292: {  	v26 =	vor.u32 v6, v23;
	[tilespmem:s21], [sflag:$0x6] =	stream.linear.gather [hbm4b:s18+s10], $0x28, $0x38;
	[tilespmem:$0x1EF80] =	vst v63  }
0x293: {  	s0 =	sadd.s32 s7, s0;
	s22 =	simm.s32 $0x3D80;
	v27 =	vor.u32 v6, v22  }
0x294: {  	v28 =	vor.u32 v7, v23;
	[tilespmem:s22], [sflag:$0x6] =	stream.linear.gather [hbm4b:s0+s10], $0x28, $0x38;
	[tilespmem:$0x1EF80] =	vst v63  }
0x295: {  	v29 =	vor.u32 v7, v22;
	v24 =	vld.idx.msk [tilespmem:v24+s28+$0x0], $0xffff  }
0x296: {  	v30 =	vor.u32 v8, v23;
	v25 =	vld.idx.msk [tilespmem:v25+s26+$0x0], $0xffff  }
0x297: {  	v31 =	vor.u32 v8, v22;
	v26 =	vld.idx.msk [tilespmem:v26+s26+$0x0], $0xffff  }
0x298: {  	v32 =	vor.u32 v9, v23;
	v27 =	vld.idx.msk [tilespmem:v27+s28+$0x0], $0xffff  }
0x299: {  	v33 =	vor.u32 v9, v22;
	v28 =	vld.idx.msk [tilespmem:v28+s26+$0x0], $0xffff  }
0x29a: {  	v34 =	vor.u32 v10, v23;
	v29 =	vld.idx.msk [tilespmem:v29+s28+$0x0], $0xffff  }
0x29b: {  	v35 =	vor.u32 v10, v22;
	v30 =	vld.idx.msk [tilespmem:v30+s26+$0x0], $0xffff;
	v24 =	vmul.f32 v24, v25  }
0x29c: {  	v58 =	vor.u32 v11, v23;
	v57 =	vld.idx.msk [tilespmem:v31+s28+$0x0], $0xffff  }
0x29d: {  	v36 =	vor.u32 v11, v22;
	v32 =	vld.idx.msk [tilespmem:v32+s26+$0x0], $0xffff;
	v26 =	vmul.f32 v27, v26;
	v24 =	vadd.f32 $0.0e+00, v24  }
0x29e: {  	v60 =	vor.u32 v12, v23;
	v59 =	vld.idx.msk [tilespmem:v33+s28+$0x0], $0xffff  }
0x29f: {  	v37 =	vor.u32 v12, v22;
	v34 =	vld.idx.msk [tilespmem:v34+s26+$0x0], $0xffff;
	v61 =	vmul.f32 v29, v28;
	v24 =	vadd.f32 v26, v24  }
0x2a0: {  	v40 =	vor.u32 v13, v22;
	v62 =	vld.idx.msk [tilespmem:v35+s28+$0x0], $0xffff  }
0x2a1: {  	v63 =	vor.u32 v13, v23;
	v31 =	vld.idx.msk [tilespmem:v58+s26+$0x0], $0xffff;
	v25 =	vmul.f32 v57, v30;
	v24 =	vadd.f32 v61, v24  }
0x2a2: {  	v43 =	vor.u32 v14, v22;
	v41 =	vld.idx.msk [tilespmem:v36+s28+$0x0], $0xffff  }
0x2a3: {  	v42 =	vor.u32 v14, v23;
	v33 =	vld.idx.msk [tilespmem:v60+s26+$0x0], $0xffff;
	v44 =	vmul.f32 v59, v32;
	v24 =	vadd.f32 v25, v24  }
0x2a4: {  	v46 =	vor.u32 v15, v23;
	v45 =	vld.idx.msk [tilespmem:v37+s28+$0x0], $0xffff  }
0x2a5: {  	v47 =	vor.u32 v15, v22;
	v49 =	vld.idx.msk [tilespmem:v40+s28+$0x0], $0xffff;
	v48 =	vmul.f32 v62, v34;
	v24 =	vadd.f32 v44, v24  }
0x2a6: {  	v50 =	vor.u32 v16, v23;
	v29 =	vld.idx.msk [tilespmem:v63+s26+$0x0], $0xffff  }
0x2a7: {  	v51 =	vor.u32 v16, v22;
	v53 =	vld.idx.msk [tilespmem:v43+s28+$0x0], $0xffff;
	v52 =	vmul.f32 v41, v31;
	v24 =	vadd.f32 v48, v24  }
0x2a8: {  	v55 =	vor.u32 v17, v22;
	v30 =	vld.idx.msk [tilespmem:v42+s26+$0x0], $0xffff  }
0x2a9: {  	v54 =	vor.u32 v17, v23;
	v32 =	vld.idx.msk [tilespmem:v46+s26+$0x0], $0xffff;
	v56 =	vmul.f32 v45, v33;
	v24 =	vadd.f32 v52, v24  }
0x2aa: {  	v58 =	vor.u32 v18, v23;
	v57 =	vld.idx.msk [tilespmem:v47+s28+$0x0], $0xffff  }
0x2ab: {  	v34 =	vld.idx.msk [tilespmem:v50+s26+$0x0], $0xffff;
	v59 =	vor.u32 v18, v22;
	v60 =	vmul.f32 v49, v29;
	v24 =	vadd.f32 v56, v24  }
0x2ac: {  	v62 =	vor.u32 v19, v23;
	v61 =	vld.idx.msk [tilespmem:v51+s28+$0x0], $0xffff  }
0x2ad: {  	v39 =	vld.idx.msk [tilespmem:v55+s28+$0x0], $0xffff;
	v63 =	vor.u32 v19, v22;
	v38 =	vmul.f32 v53, v30;
	v24 =	vadd.f32 v60, v24  }
0x2ae: {  	v31 =	vld.idx.msk [tilespmem:v54+s26+$0x0], $0xffff;
	v23 =	vor.u32 v20, v23  }
0x2af: {  	v40 =	vld.idx.msk [tilespmem:v58+s26+$0x0], $0xffff;
	v22 =	vor.u32 v20, v22;
	v41 =	vmul.f32 v57, v32;
	v24 =	vadd.f32 v38, v24  }
0x2b0: {  	v42 =	vld.idx.msk [tilespmem:v59+s28+$0x0], $0xffff  }
0x2b1: {  	v29 =	vld.idx.msk [tilespmem:v62+s26+$0x0], $0xffff;
	v43 =	vmul.f32 v61, v34;
	v24 =	vadd.f32 v41, v24  }
0x2b2: {  	v44 =	vld.idx.msk [tilespmem:v63+s28+$0x0], $0xffff  }
0x2b3: {  	v23 =	vld.idx.msk [tilespmem:v23+s26+$0x0], $0xffff;
	v45 =	vmul.f32 v39, v31;
	v24 =	vadd.f32 v43, v24  }
0x2b4: {  	v22 =	vld.idx.msk [tilespmem:v22+s28+$0x0], $0xffff  }
0x2b5: {  	v46 =	vmul.f32 v42, v40;
	v24 =	vadd.f32 v45, v24;
	_ =	sdelay $0x1  }
0x2b6: {  	v47 =	vmul.f32 v44, v29;
	v24 =	vadd.f32 v46, v24;
	_ =	sdelay $0x1  }
0x2b7: {  	v22 =	vmul.f32 v22, v23;
	v24 =	vadd.f32 v47, v24;
	_ =	sdelay $0x1  }
0x2b8: {  	v22 =	vadd.f32 v22, v24;
	_ =	sdelay $0x1  }
0x2b9: {  	v22 =	vmul.f32 $2.500000000e-01, v22;
	_ =	sdelay $0x1  }
0x2ba: {  	v22 =	vmul.f32 $1.442695020e+00, v22;
	_ =	sdelay $0x1  }
0x2bb: {  	s23 =	simm.s32 $0x2;
	(erf) = vpow2.f32 v22  }
0x2bc: {  	v22 =	vmov s23  }
0x2bd: {  	v23 =	vshll.u32 v22, $0x7  }
0x2be: {  	v22 =	vshll.u32 v22, $0x8;
	v23 =	vor.u32 v5, v23  }
0x2bf: {  	v22 =	vand.u32 $0x3800, v22;
	v48 =	vand.u32 $0x380, v23  }
0x2c0: {  	v22 =	vor.u32 v22, v48  }
0x2c1: {  	v24 =	vor.u32 v3, v22  }
0x2c2: {  	v49 =	vor.u32 v3, v23  }
0x2c3: {  	v50 =	vor.u32 v6, v23  }
0x2c4: {  	s2 =	simm.s32 $0x7A00;
	v51 =	vor.u32 v6, v22;
	v28 =	vpop (erf)  }
0x2c5: {  	v52 =	vor.u32 v7, v23;
	[tilespmem:s2+$0x0] =	vst v28  }
0x2c6: {  	v53 =	vor.u32 v7, v22;
	v24 =	vld.idx.msk [tilespmem:v24+s28+$0x0], $0xffff  }
0x2c7: {  	v54 =	vor.u32 v8, v23;
	v25 =	vld.idx.msk [tilespmem:v49+s26+$0x0], $0xffff  }
0x2c8: {  	v55 =	vor.u32 v8, v22;
	v26 =	vld.idx.msk [tilespmem:v50+s26+$0x0], $0xffff  }
0x2c9: {  	v56 =	vor.u32 v9, v23;
	v27 =	vld.idx.msk [tilespmem:v51+s28+$0x0], $0xffff  }
0x2ca: {  	v57 =	vor.u32 v9, v22;
	v29 =	vld.idx.msk [tilespmem:v52+s26+$0x0], $0xffff  }
0x2cb: {  	v58 =	vor.u32 v10, v23;
	v30 =	vld.idx.msk [tilespmem:v53+s28+$0x0], $0xffff  }
0x2cc: {  	v59 =	vor.u32 v10, v22;
	v31 =	vld.idx.msk [tilespmem:v54+s26+$0x0], $0xffff;
	v24 =	vmul.f32 v24, v25  }
0x2cd: {  	v61 =	vor.u32 v11, v23;
	v60 =	vld.idx.msk [tilespmem:v55+s28+$0x0], $0xffff  }
0x2ce: {  	v62 =	vor.u32 v11, v22;
	v33 =	vld.idx.msk [tilespmem:v56+s26+$0x0], $0xffff;
	v26 =	vmul.f32 v27, v26;
	v24 =	vadd.f32 $0.0e+00, v24  }
0x2cf: {  	v40 =	vor.u32 v12, v23;
	v63 =	vld.idx.msk [tilespmem:v57+s28+$0x0], $0xffff  }
0x2d0: {  	v41 =	vor.u32 v12, v22;
	v35 =	vld.idx.msk [tilespmem:v58+s26+$0x0], $0xffff;
	v29 =	vmul.f32 v30, v29;
	v24 =	vadd.f32 v26, v24  }
0x2d1: {  	v43 =	vor.u32 v13, v23;
	v42 =	vld.idx.msk [tilespmem:v59+s28+$0x0], $0xffff  }
0x2d2: {  	v44 =	vor.u32 v13, v22;
	v32 =	vld.idx.msk [tilespmem:v61+s26+$0x0], $0xffff;
	v25 =	vmul.f32 v60, v31;
	v24 =	vadd.f32 v29, v24  }
0x2d3: {  	v46 =	vor.u32 v14, v23;
	v45 =	vld.idx.msk [tilespmem:v62+s28+$0x0], $0xffff  }
0x2d4: {  	v47 =	vor.u32 v14, v22;
	v34 =	vld.idx.msk [tilespmem:v40+s26+$0x0], $0xffff;
	v27 =	vmul.f32 v63, v33;
	v24 =	vadd.f32 v25, v24  }
0x2d5: {  	v48 =	vor.u32 v15, v23;
	v26 =	vld.idx.msk [tilespmem:v41+s28+$0x0], $0xffff  }
0x2d6: {  	v36 =	vld.idx.msk [tilespmem:v43+s26+$0x0], $0xffff;
	v49 =	vor.u32 v15, v22;
	v30 =	vmul.f32 v42, v35;
	v24 =	vadd.f32 v27, v24  }
0x2d7: {  	v50 =	vor.u32 v16, v23;
	v29 =	vld.idx.msk [tilespmem:v44+s28+$0x0], $0xffff  }
0x2d8: {  	v37 =	vld.idx.msk [tilespmem:v46+s26+$0x0], $0xffff;
	v51 =	vor.u32 v16, v22;
	v31 =	vmul.f32 v45, v32;
	v24 =	vadd.f32 v30, v24  }
0x2d9: {  	v52 =	vor.u32 v17, v23;
	v25 =	vld.idx.msk [tilespmem:v47+s28+$0x0], $0xffff  }
0x2da: {  	v53 =	vor.u32 v17, v22;
	v33 =	vld.idx.msk [tilespmem:v48+s26+$0x0], $0xffff;
	v26 =	vmul.f32 v26, v34;
	v24 =	vadd.f32 v31, v24  }
0x2db: {  	v54 =	vor.u32 v18, v23;
	v27 =	vld.idx.msk [tilespmem:v49+s28+$0x0], $0xffff  }
0x2dc: {  	v55 =	vor.u32 v18, v22;
	v35 =	vld.idx.msk [tilespmem:v50+s26+$0x0], $0xffff;
	v29 =	vmul.f32 v29, v36;
	v24 =	vadd.f32 v26, v24  }
0x2dd: {  	v56 =	vor.u32 v19, v23;
	v30 =	vld.idx.msk [tilespmem:v51+s28+$0x0], $0xffff  }
0x2de: {  	v57 =	vor.u32 v19, v22;
	v32 =	vld.idx.msk [tilespmem:v52+s26+$0x0], $0xffff;
	v25 =	vmul.f32 v25, v37;
	v24 =	vadd.f32 v29, v24  }
0x2df: {  	v23 =	vor.u32 v20, v23;
	v31 =	vld.idx.msk [tilespmem:v53+s28+$0x0], $0xffff  }
0x2e0: {  	v22 =	vor.u32 v20, v22;
	v34 =	vld.idx.msk [tilespmem:v54+s26+$0x0], $0xffff;
	v58 =	vmul.f32 v27, v33;
	v24 =	vadd.f32 v25, v24  }
0x2e1: {  	v26 =	vld.idx.msk [tilespmem:v55+s28+$0x0], $0xffff  }
0x2e2: {  	v59 =	vld.idx.msk [tilespmem:v56+s26+$0x0], $0xffff;
	v60 =	vmul.f32 v30, v35;
	v24 =	vadd.f32 v58, v24  }
0x2e3: {  	v29 =	vld.idx.msk [tilespmem:v57+s28+$0x0], $0xffff  }
0x2e4: {  	v23 =	vld.idx.msk [tilespmem:v23+s26+$0x0], $0xffff;
	v61 =	vmul.f32 v31, v32;
	v24 =	vadd.f32 v60, v24  }
0x2e5: {  	v22 =	vld.idx.msk [tilespmem:v22+s28+$0x0], $0xffff  }
0x2e6: {  	v62 =	vmul.f32 v26, v34;
	v24 =	vadd.f32 v61, v24;
	_ =	sdelay $0x1  }
0x2e7: {  	v63 =	vmul.f32 v29, v59;
	v24 =	vadd.f32 v62, v24;
	_ =	sdelay $0x1  }
0x2e8: {  	v22 =	vmul.f32 v22, v23;
	v24 =	vadd.f32 v63, v24;
	_ =	sdelay $0x1  }
0x2e9: {  	v22 =	vadd.f32 v22, v24;
	_ =	sdelay $0x1  }
0x2ea: {  	v22 =	vmul.f32 $2.500000000e-01, v22;
	_ =	sdelay $0x1  }
0x2eb: {  	v23 =	vmul.f32 $1.442695020e+00, v22;
	_ =	sdelay $0x1  }
0x2ec: {  	s24 =	simm.s32 $0x4;
	(erf) = vpow2.f32 v23  }
0x2ed: {  	v22 =	vmov s24  }
0x2ee: {  	s1 =	simm.s32 $0x6;
	s20 =	simm.s32 $0x1C680;
	v21 =	vadd.f32 v28, v21;
	v23 =	vshll.u32 v22, $0x7  }
.LBB2_9:
0x2ef: {  	p0 =	sne.s32 s1, $0x26;
	v23 =	vor.u32 v5, v23;
	v22 =	vshll.u32 v22, $0x8  }
0x2f0: {  	v22 =	vand.u32 $0x3800, v22;
	v24 =	vand.u32 $0x380, v23  }
0x2f1: {  	v22 =	vor.u32 v22, v24  }
0x2f2: {  	v24 =	vor.u32 v3, v22  }
0x2f3: {  	v25 =	vor.u32 v3, v23  }
0x2f4: {  	v26 =	vor.u32 v6, v23  }
0x2f5: {  	s2 =	sadd.s32 $0x80, s2;
	v27 =	vor.u32 v6, v22;
	v28 =	vpop (erf)  }
0x2f6: {  	v29 =	vor.u32 v7, v23;
	[tilespmem:s2+$0x0] =	vst v28;
	v21 =	vadd.f32 v28, v21  }
0x2f7: {  	v28 =	vor.u32 v7, v22;
	v24 =	vld.idx.msk [tilespmem:v24+s28+$0x0], $0xffff  }
0x2f8: {  	v30 =	vor.u32 v8, v23;
	v25 =	vld.idx.msk [tilespmem:v25+s26+$0x0], $0xffff  }
0x2f9: {  	v31 =	vor.u32 v8, v22;
	v26 =	vld.idx.msk [tilespmem:v26+s26+$0x0], $0xffff  }
0x2fa: {  	v32 =	vor.u32 v9, v23;
	v27 =	vld.idx.msk [tilespmem:v27+s28+$0x0], $0xffff  }
0x2fb: {  	v33 =	vor.u32 v9, v22;
	v29 =	vld.idx.msk [tilespmem:v29+s26+$0x0], $0xffff  }
0x2fc: {  	v34 =	vor.u32 v10, v23;
	v28 =	vld.idx.msk [tilespmem:v28+s28+$0x0], $0xffff  }
0x2fd: {  	v35 =	vor.u32 v10, v22;
	v30 =	vld.idx.msk [tilespmem:v30+s26+$0x0], $0xffff  }
0x2fe: {  	v24 =	vmul.f32 v24, v25;
	v25 =	vld.idx.msk [tilespmem:v31+s28+$0x0], $0xffff;
	v31 =	vor.u32 v11, v23  }
0x2ff: {  	v36 =	vor.u32 v11, v22;
	v32 =	vld.idx.msk [tilespmem:v32+s26+$0x0], $0xffff  }
0x300: {  	v24 =	vadd.f32 $0.0e+00, v24;
	v26 =	vmul.f32 v27, v26;
	v27 =	vld.idx.msk [tilespmem:v33+s28+$0x0], $0xffff;
	v33 =	vor.u32 v12, v23  }
0x301: {  	v37 =	vor.u32 v12, v22;
	v34 =	vld.idx.msk [tilespmem:v34+s26+$0x0], $0xffff  }
0x302: {  	v24 =	vadd.f32 v26, v24;
	v26 =	vmul.f32 v28, v29;
	v29 =	vor.u32 v13, v23;
	v28 =	vld.idx.msk [tilespmem:v35+s28+$0x0], $0xffff  }
0x303: {  	v35 =	vor.u32 v13, v22;
	v31 =	vld.idx.msk [tilespmem:v31+s26+$0x0], $0xffff  }
0x304: {  	v24 =	vadd.f32 v26, v24;
	v25 =	vmul.f32 v25, v30;
	v30 =	vor.u32 v14, v23;
	v26 =	vld.idx.msk [tilespmem:v36+s28+$0x0], $0xffff  }
0x305: {  	v36 =	vor.u32 v14, v22;
	v33 =	vld.idx.msk [tilespmem:v33+s26+$0x0], $0xffff  }
0x306: {  	v24 =	vadd.f32 v25, v24;
	v25 =	vmul.f32 v27, v32;
	v32 =	vor.u32 v15, v23;
	v27 =	vld.idx.msk [tilespmem:v37+s28+$0x0], $0xffff  }
0x307: {  	v37 =	vor.u32 v15, v22;
	v29 =	vld.idx.msk [tilespmem:v29+s26+$0x0], $0xffff  }
0x308: {  	v24 =	vadd.f32 v25, v24;
	v25 =	vmul.f32 v28, v34;
	v34 =	vor.u32 v16, v23;
	v28 =	vld.idx.msk [tilespmem:v35+s28+$0x0], $0xffff  }
0x309: {  	v35 =	vor.u32 v16, v22;
	v30 =	vld.idx.msk [tilespmem:v30+s26+$0x0], $0xffff  }
0x30a: {  	v24 =	vadd.f32 v25, v24;
	v25 =	vmul.f32 v26, v31;
	v31 =	vor.u32 v17, v23;
	v26 =	vld.idx.msk [tilespmem:v36+s28+$0x0], $0xffff  }
0x30b: {  	v36 =	vor.u32 v17, v22;
	v32 =	vld.idx.msk [tilespmem:v32+s26+$0x0], $0xffff  }
0x30c: {  	v24 =	vadd.f32 v25, v24;
	v25 =	vmul.f32 v27, v33;
	v33 =	vor.u32 v18, v23;
	v27 =	vld.idx.msk [tilespmem:v37+s28+$0x0], $0xffff  }
0x30d: {  	v37 =	vor.u32 v18, v22;
	v34 =	vld.idx.msk [tilespmem:v34+s26+$0x0], $0xffff  }
0x30e: {  	v24 =	vadd.f32 v25, v24;
	v25 =	vmul.f32 v28, v29;
	v29 =	vor.u32 v19, v23;
	v28 =	vld.idx.msk [tilespmem:v35+s28+$0x0], $0xffff  }
0x30f: {  	v35 =	vor.u32 v19, v22;
	v31 =	vld.idx.msk [tilespmem:v31+s26+$0x0], $0xffff  }
0x310: {  	v23 =	vor.u32 v20, v23;
	v24 =	vadd.f32 v25, v24;
	v25 =	vmul.f32 v26, v30;
	v26 =	vld.idx.msk [tilespmem:v36+s28+$0x0], $0xffff  }
0x311: {  	v22 =	vor.u32 v20, v22;
	v30 =	vld.idx.msk [tilespmem:v33+s26+$0x0], $0xffff  }
0x312: {  	v24 =	vadd.f32 v25, v24;
	v25 =	vmul.f32 v27, v32;
	v27 =	vld.idx.msk [tilespmem:v37+s28+$0x0], $0xffff  }
0x313: {  	v29 =	vld.idx.msk [tilespmem:v29+s26+$0x0], $0xffff  }
0x314: {  	v24 =	vadd.f32 v25, v24;
	v25 =	vmul.f32 v28, v34;
	v28 =	vld.idx.msk [tilespmem:v35+s28+$0x0], $0xffff  }
0x315: {  	v23 =	vld.idx.msk [tilespmem:v23+s26+$0x0], $0xffff  }
0x316: {  	v24 =	vadd.f32 v25, v24;
	v25 =	vmul.f32 v26, v31;
	v22 =	vld.idx.msk [tilespmem:v22+s28+$0x0], $0xffff;
	_ =	sdelay $0x1  }
0x317: {  	v24 =	vadd.f32 v25, v24;
	v25 =	vmul.f32 v27, v30;
	_ =	sdelay $0x1  }
0x318: {  	v24 =	vadd.f32 v25, v24;
	v25 =	vmul.f32 v28, v29;
	_ =	sdelay $0x1  }
0x319: {  	v24 =	vadd.f32 v25, v24;
	v22 =	vmul.f32 v22, v23;
	_ =	sdelay $0x1  }
0x31a: {  	v22 =	vadd.f32 v22, v24;
	_ =	sdelay $0x1  }
0x31b: {  	v22 =	vmul.f32 $2.500000000e-01, v22;
	_ =	sdelay $0x1  }
.Ltmp3:
0x31c: {  	v22 =	vmul.f32 $1.442695020e+00, v22;
	(pc) =	sbr.rel @p0 .LBB2_9-.Ltmp3, $4  }
0x31d: {  	_ = 	snop  }
0x31e: {  	(erf) = vpow2.f32 v22  }
0x31f: {  	v22 =	vmov s1  }
0x320: {  	s1 =	sadd.s32 $0x2, s1;
	v23 =	vshll.u32 v22, $0x7  }
0x321: {  	v23 =	vor.u32 v5, v23;
	v22 =	vshll.u32 v22, $0x8  }
0x322: {  	v22 =	vand.u32 $0x3800, v22;
	v24 =	vand.u32 $0x380, v23  }
0x323: {  	v24 =	vor.u32 v22, v24  }
0x324: {  	v25 =	vor.u32 v3, v24  }
0x325: {  	v26 =	vor.u32 v3, v23  }
0x326: {  	v27 =	vor.u32 v6, v23  }
0x327: {  	s1 =	sadd.s32 $0x80, s2;
	v28 =	vor.u32 v6, v24;
	v22 =	vpop (erf)  }
0x328: {  	v29 =	vor.u32 v7, v23;
	[tilespmem:s1+$0x0] =	vst v22  }
0x329: {  	v30 =	vor.u32 v7, v24;
	v25 =	vld.idx.msk [tilespmem:v25+s28+$0x0], $0xffff  }
0x32a: {  	v31 =	vor.u32 v8, v23;
	v26 =	vld.idx.msk [tilespmem:v26+s26+$0x0], $0xffff  }
0x32b: {  	v32 =	vor.u32 v8, v24;
	v27 =	vld.idx.msk [tilespmem:v27+s26+$0x0], $0xffff  }
0x32c: {  	v33 =	vor.u32 v9, v23;
	v28 =	vld.idx.msk [tilespmem:v28+s28+$0x0], $0xffff  }
0x32d: {  	v34 =	vor.u32 v9, v24;
	v29 =	vld.idx.msk [tilespmem:v29+s26+$0x0], $0xffff  }
0x32e: {  	v35 =	vor.u32 v10, v23;
	v30 =	vld.idx.msk [tilespmem:v30+s28+$0x0], $0xffff  }
0x32f: {  	v36 =	vor.u32 v10, v24;
	v31 =	vld.idx.msk [tilespmem:v31+s26+$0x0], $0xffff;
	v25 =	vmul.f32 v25, v26  }
0x330: {  	v45 =	vor.u32 v11, v23;
	v44 =	vld.idx.msk [tilespmem:v32+s28+$0x0], $0xffff  }
0x331: {  	v37 =	vor.u32 v11, v24;
	v33 =	vld.idx.msk [tilespmem:v33+s26+$0x0], $0xffff;
	v27 =	vmul.f32 v28, v27;
	v25 =	vadd.f32 $0.0e+00, v25  }
0x332: {  	v47 =	vor.u32 v12, v23;
	v46 =	vld.idx.msk [tilespmem:v34+s28+$0x0], $0xffff  }
0x333: {  	v48 =	vor.u32 v12, v24;
	v35 =	vld.idx.msk [tilespmem:v35+s26+$0x0], $0xffff;
	v29 =	vmul.f32 v30, v29;
	v25 =	vadd.f32 v27, v25  }
0x334: {  	v50 =	vor.u32 v13, v23;
	v49 =	vld.idx.msk [tilespmem:v36+s28+$0x0], $0xffff  }
0x335: {  	v51 =	vor.u32 v13, v24;
	v32 =	vld.idx.msk [tilespmem:v45+s26+$0x0], $0xffff;
	v26 =	vmul.f32 v44, v31;
	v25 =	vadd.f32 v29, v25  }
0x336: {  	v53 =	vor.u32 v14, v23;
	v52 =	vld.idx.msk [tilespmem:v37+s28+$0x0], $0xffff  }
0x337: {  	v54 =	vor.u32 v14, v24;
	v34 =	vld.idx.msk [tilespmem:v47+s26+$0x0], $0xffff;
	v28 =	vmul.f32 v46, v33;
	v25 =	vadd.f32 v26, v25  }
0x338: {  	v55 =	vor.u32 v15, v23;
	v27 =	vld.idx.msk [tilespmem:v48+s28+$0x0], $0xffff  }
0x339: {  	v56 =	vor.u32 v15, v24;
	v36 =	vld.idx.msk [tilespmem:v50+s26+$0x0], $0xffff;
	v30 =	vmul.f32 v49, v35;
	v25 =	vadd.f32 v28, v25  }
0x33a: {  	v57 =	vor.u32 v16, v23;
	v29 =	vld.idx.msk [tilespmem:v51+s28+$0x0], $0xffff  }
0x33b: {  	v58 =	vor.u32 v16, v24;
	v37 =	vld.idx.msk [tilespmem:v53+s26+$0x0], $0xffff;
	v31 =	vmul.f32 v52, v32;
	v25 =	vadd.f32 v30, v25  }
0x33c: {  	v59 =	vor.u32 v17, v23;
	v26 =	vld.idx.msk [tilespmem:v54+s28+$0x0], $0xffff  }
0x33d: {  	v60 =	vor.u32 v17, v24;
	v33 =	vld.idx.msk [tilespmem:v55+s26+$0x0], $0xffff;
	v27 =	vmul.f32 v27, v34;
	v25 =	vadd.f32 v31, v25  }
0x33e: {  	v61 =	vor.u32 v18, v23;
	v28 =	vld.idx.msk [tilespmem:v56+s28+$0x0], $0xffff  }
0x33f: {  	v62 =	vor.u32 v18, v24;
	v35 =	vld.idx.msk [tilespmem:v57+s26+$0x0], $0xffff;
	v29 =	vmul.f32 v29, v36;
	v25 =	vadd.f32 v27, v25  }
0x340: {  	v63 =	vor.u32 v19, v23;
	v30 =	vld.idx.msk [tilespmem:v58+s28+$0x0], $0xffff  }
0x341: {  	v40 =	vor.u32 v19, v24;
	v32 =	vld.idx.msk [tilespmem:v59+s26+$0x0], $0xffff;
	v26 =	vmul.f32 v26, v37;
	v25 =	vadd.f32 v29, v25  }
0x342: {  	v23 =	vor.u32 v20, v23;
	v31 =	vld.idx.msk [tilespmem:v60+s28+$0x0], $0xffff  }
0x343: {  	v24 =	vor.u32 v20, v24;
	v34 =	vld.idx.msk [tilespmem:v61+s26+$0x0], $0xffff;
	v41 =	vmul.f32 v28, v33;
	v25 =	vadd.f32 v26, v25  }
0x344: {  	v27 =	vld.idx.msk [tilespmem:v62+s28+$0x0], $0xffff  }
0x345: {  	v42 =	vld.idx.msk [tilespmem:v63+s26+$0x0], $0xffff;
	v43 =	vmul.f32 v30, v35;
	v25 =	vadd.f32 v41, v25  }
0x346: {  	v29 =	vld.idx.msk [tilespmem:v40+s28+$0x0], $0xffff  }
0x347: {  	v23 =	vld.idx.msk [tilespmem:v23+s26+$0x0], $0xffff;
	v44 =	vmul.f32 v31, v32;
	v25 =	vadd.f32 v43, v25  }
0x348: {  	v24 =	vld.idx.msk [tilespmem:v24+s28+$0x0], $0xffff  }
0x349: {  	v45 =	vmul.f32 v27, v34;
	v25 =	vadd.f32 v44, v25;
	_ =	sdelay $0x1  }
0x34a: {  	v46 =	vmul.f32 v29, v42;
	v25 =	vadd.f32 v45, v25;
	_ =	sdelay $0x1  }
0x34b: {  	v23 =	vmul.f32 v24, v23;
	v25 =	vadd.f32 v46, v25;
	_ =	sdelay $0x1  }
0x34c: {  	v23 =	vadd.f32 v23, v25;
	_ =	sdelay $0x1  }
0x34d: {  	v23 =	vmul.f32 $2.500000000e-01, v23;
	_ =	sdelay $0x1  }
0x34e: {  	v23 =	vmul.f32 $1.442695020e+00, v23;
	_ =	sdelay $0x1  }
0x34f: {  	(erf) = vpow2.f32 v23;
	_ =	sdelay $0x8  }
0x350: {  	s0 =	sadd.s32 $0x80, s1;
	v23 =	vpop (erf)  }
0x351: {  	s16 =	simm.s32 $0x0;
	s18 =	simm.s32 $0x0;
	s21 =	sand.u32 $0x3800, s10;
	[tilespmem:s0+$0x0] =	vst v23  }
0x352: {  	s22 =	sand.u32 $0x300, s18;
	s23 =	sadd.s32 $0x5200, s21;
	v47 =	vld [tilespmem:s16+$0x7A00]  }
0x353: {  	s0 =	sadd.s32 s22, s23  }
0x354: {  	v48 =	vld [tilespmem:s0+$0x400];
	_ =	sdelay $0x2  }
0x355: {  	v49 =	vbroadcast v47, $0x0;
	_ =	sdelay $0x1  }
0x356: {  	v25 =	vmul.f32 v49, v48  }
0x357: {  	s21 =	simm.s32 $0x1DC00  }
0x358: {  	[tilespmem:s21+$0xFFFFFF80] =	vst v25  }
0x359: {  	v25 =	vld [tilespmem:s0+$0x410];
	_ =	sdelay $0x2  }
0x35a: {  	v50 =	vbroadcast v47, $0x1;
	_ =	sdelay $0x1  }
0x35b: {  	v25 =	vmul.f32 v25, v50;
	_ =	sdelay $0x1  }
0x35c: {  	[tilespmem:s21+$0xFFFFFF90] =	vst v25  }
0x35d: {  	v25 =	vld [tilespmem:s0+$0x420];
	_ =	sdelay $0x2  }
0x35e: {  	v51 =	vbroadcast v47, $0x2;
	_ =	sdelay $0x1  }
0x35f: {  	v25 =	vmul.f32 v25, v51;
	_ =	sdelay $0x1  }
0x360: {  	[tilespmem:s21+$0xFFFFFFA0] =	vst v25  }
0x361: {  	v25 =	vld [tilespmem:s0+$0x430];
	_ =	sdelay $0x2  }
0x362: {  	v52 =	vbroadcast v47, $0x3;
	_ =	sdelay $0x1  }
0x363: {  	v25 =	vmul.f32 v25, v52;
	_ =	sdelay $0x1  }
0x364: {  	[tilespmem:s21+$0xFFFFFFB0] =	vst v25  }
0x365: {  	v25 =	vld [tilespmem:s0+$0x440];
	_ =	sdelay $0x2  }
0x366: {  	v53 =	vbroadcast v47, $0x4;
	_ =	sdelay $0x1  }
0x367: {  	v25 =	vmul.f32 v25, v53;
	_ =	sdelay $0x1  }
0x368: {  	[tilespmem:s21+$0xFFFFFFC0] =	vst v25  }
0x369: {  	v25 =	vld [tilespmem:s0+$0x450];
	_ =	sdelay $0x2  }
0x36a: {  	v54 =	vbroadcast v47, $0x5;
	_ =	sdelay $0x1  }
0x36b: {  	v25 =	vmul.f32 v25, v54;
	_ =	sdelay $0x1  }
0x36c: {  	[tilespmem:s21+$0xFFFFFFD0] =	vst v25  }
0x36d: {  	v25 =	vld [tilespmem:s0+$0x460];
	_ =	sdelay $0x2  }
0x36e: {  	v55 =	vbroadcast v47, $0x6;
	_ =	sdelay $0x1  }
0x36f: {  	v25 =	vmul.f32 v25, v55;
	_ =	sdelay $0x1  }
0x370: {  	[tilespmem:s21+$0xFFFFFFE0] =	vst v25  }
0x371: {  	v25 =	vld [tilespmem:s0+$0x470];
	_ =	sdelay $0x2  }
0x372: {  	v56 =	vbroadcast v47, $0x7;
	_ =	sdelay $0x1  }
0x373: {  	s24 =	simm.s32 $0x80;
	v25 =	vmul.f32 v25, v56  }
0x374: {  	s0 =	sand.u32 $0x380, s24  }
0x375: {  	s0 =	sadd.s32 s0, s23;
	[tilespmem:s21+$0xFFFFFFF0] =	vst v25  }
0x376: {  	v25 =	vld [tilespmem:s0+$0x400];
	_ =	sdelay $0x2  }
0x377: {  	v57 =	vbroadcast v47, $0x8;
	_ =	sdelay $0x1  }
0x378: {  	v25 =	vmul.f32 v25, v57;
	_ =	sdelay $0x1  }
0x379: {  	[tilespmem:s21+$0x0] =	vst v25  }
0x37a: {  	v25 =	vld [tilespmem:s0+$0x410];
	_ =	sdelay $0x2  }
0x37b: {  	v58 =	vbroadcast v47, $0x9;
	_ =	sdelay $0x1  }
0x37c: {  	v25 =	vmul.f32 v25, v58;
	_ =	sdelay $0x1  }
0x37d: {  	[tilespmem:s21+$0x10] =	vst v25  }
0x37e: {  	v25 =	vld [tilespmem:s0+$0x420];
	_ =	sdelay $0x2  }
0x37f: {  	v59 =	vbroadcast v47, $0xA;
	_ =	sdelay $0x1  }
0x380: {  	v25 =	vmul.f32 v25, v59;
	_ =	sdelay $0x1  }
0x381: {  	[tilespmem:s21+$0x20] =	vst v25  }
0x382: {  	v25 =	vld [tilespmem:s0+$0x430];
	_ =	sdelay $0x2  }
0x383: {  	v60 =	vbroadcast v47, $0xB;
	_ =	sdelay $0x1  }
0x384: {  	v25 =	vmul.f32 v25, v60;
	_ =	sdelay $0x1  }
0x385: {  	[tilespmem:s21+$0x30] =	vst v25  }
0x386: {  	v25 =	vld [tilespmem:s0+$0x440];
	_ =	sdelay $0x2  }
0x387: {  	v61 =	vbroadcast v47, $0xC;
	_ =	sdelay $0x1  }
0x388: {  	v25 =	vmul.f32 v25, v61;
	_ =	sdelay $0x1  }
0x389: {  	[tilespmem:s21+$0x40] =	vst v25  }
0x38a: {  	v25 =	vld [tilespmem:s0+$0x450];
	_ =	sdelay $0x2  }
0x38b: {  	v62 =	vbroadcast v47, $0xD;
	_ =	sdelay $0x1  }
0x38c: {  	v25 =	vmul.f32 v25, v62;
	_ =	sdelay $0x1  }
0x38d: {  	[tilespmem:s21+$0x50] =	vst v25  }
0x38e: {  	v25 =	vld [tilespmem:s0+$0x460];
	_ =	sdelay $0x2  }
0x38f: {  	v63 =	vbroadcast v47, $0xE;
	_ =	sdelay $0x1  }
0x390: {  	v25 =	vmul.f32 v25, v63;
	_ =	sdelay $0x1  }
0x391: {  	[tilespmem:s21+$0x60] =	vst v25  }
0x392: {  	v25 =	vld [tilespmem:s0+$0x470];
	_ =	sdelay $0x2  }
0x393: {  	v21 =	vadd.f32 v22, v21;
	v22 =	vbroadcast v47, $0xF  }
0x394: {  	s2 =	simm.s32 $0x200;
	s3 =	simm.s32 $0x80;
	s10 =	simm.s32 $0x1DD00  }
0x395: {  	s18 =	simm.s32 $0x400;
	s1 =	simm.s32 $0x180;
	v21 =	vadd.f32 v23, v21;
	s0 =	simm.s32 $0x280;
	v22 =	vmul.f32 v25, v22  }
.LBB2_11:
0x396: {  	s16 =	sshra.s32 s18, $0x2;
	s23 =	sadd.s32 $0xFFFFFF80, s1;
	s24 =	sand.u32 $0x3800, s2  }
0x397: {  	[tilespmem:s21+$0x70] =	vst v22;
	s11 =	smov.u32 s0;
	s2 =	smov.u32 s18;
	s21 =	smov.u32 s10  }
0x398: {  	s22 =	sadd.s32 $0x100, s0;
	v22 =	vld [tilespmem:s3+$0x7A00];
	s3 =	sand.u32 $0x300, s23;
	s23 =	sadd.s32 $0x5200, s24  }
0x399: {  	p0 =	sne.s32 s0, $0x1380;
	s0 =	sadd.s32 s3, s23;
	s3 =	smov.u32 s16  }
0x39a: {  	v23 =	vld [tilespmem:s0+$0x400];
	_ =	sdelay $0x2  }
0x39b: {  	v24 =	vbroadcast v22, $0x0;
	v25 =	vbroadcast v22, $0x1  }
0x39c: {  	v26 =	vbroadcast v22, $0x4;
	v27 =	vbroadcast v22, $0x5  }
0x39d: {  	v23 =	vmul.f32 v24, v23;
	_ =	sdelay $0x1  }
0x39e: {  	[tilespmem:s10+$0xFFFFFF80] =	vst v23  }
0x39f: {  	v23 =	vld [tilespmem:s0+$0x410];
	_ =	sdelay $0x4  }
0x3a0: {  	v23 =	vmul.f32 v23, v25;
	_ =	sdelay $0x1  }
0x3a1: {  	[tilespmem:s10+$0xFFFFFF90] =	vst v23  }
0x3a2: {  	v23 =	vld [tilespmem:s0+$0x420];
	_ =	sdelay $0x2  }
0x3a3: {  	v24 =	vbroadcast v22, $0x2;
	_ =	sdelay $0x1  }
0x3a4: {  	v23 =	vmul.f32 v23, v24;
	_ =	sdelay $0x1  }
0x3a5: {  	[tilespmem:s10+$0xFFFFFFA0] =	vst v23  }
0x3a6: {  	v23 =	vld [tilespmem:s0+$0x430];
	_ =	sdelay $0x2  }
0x3a7: {  	v24 =	vbroadcast v22, $0x3;
	_ =	sdelay $0x1  }
0x3a8: {  	v23 =	vmul.f32 v23, v24;
	_ =	sdelay $0x1  }
0x3a9: {  	[tilespmem:s10+$0xFFFFFFB0] =	vst v23  }
0x3aa: {  	v23 =	vld [tilespmem:s0+$0x440];
	_ =	sdelay $0x4  }
0x3ab: {  	v23 =	vmul.f32 v23, v26;
	_ =	sdelay $0x1  }
0x3ac: {  	[tilespmem:s10+$0xFFFFFFC0] =	vst v23  }
0x3ad: {  	v23 =	vld [tilespmem:s0+$0x450];
	_ =	sdelay $0x4  }
0x3ae: {  	v23 =	vmul.f32 v23, v27;
	_ =	sdelay $0x1  }
0x3af: {  	[tilespmem:s10+$0xFFFFFFD0] =	vst v23  }
0x3b0: {  	v23 =	vld [tilespmem:s0+$0x460];
	_ =	sdelay $0x2  }
0x3b1: {  	v24 =	vbroadcast v22, $0x6;
	_ =	sdelay $0x1  }
0x3b2: {  	v23 =	vmul.f32 v23, v24;
	_ =	sdelay $0x1  }
0x3b3: {  	[tilespmem:s10+$0xFFFFFFE0] =	vst v23  }
0x3b4: {  	v23 =	vld [tilespmem:s0+$0x470];
	_ =	sdelay $0x2  }
0x3b5: {  	v24 =	vbroadcast v22, $0x7;
	_ =	sdelay $0x1  }
0x3b6: {  	v23 =	vmul.f32 v23, v24  }
0x3b7: {  	s0 =	sand.u32 $0x380, s1;
	s1 =	smov.u32 s11  }
0x3b8: {  	s0 =	sadd.s32 s0, s23;
	[tilespmem:s10+$0xFFFFFFF0] =	vst v23  }
0x3b9: {  	v23 =	vld [tilespmem:s0+$0x400];
	_ =	sdelay $0x2  }
0x3ba: {  	v24 =	vbroadcast v22, $0x8;
	_ =	sdelay $0x1  }
0x3bb: {  	v23 =	vmul.f32 v23, v24;
	_ =	sdelay $0x1  }
0x3bc: {  	[tilespmem:s10+$0x0] =	vst v23  }
0x3bd: {  	v23 =	vld [tilespmem:s0+$0x410];
	_ =	sdelay $0x2  }
0x3be: {  	v24 =	vbroadcast v22, $0x9;
	_ =	sdelay $0x1  }
0x3bf: {  	v23 =	vmul.f32 v23, v24;
	_ =	sdelay $0x1  }
0x3c0: {  	[tilespmem:s10+$0x10] =	vst v23  }
0x3c1: {  	v23 =	vld [tilespmem:s0+$0x420];
	_ =	sdelay $0x2  }
0x3c2: {  	v24 =	vbroadcast v22, $0xA;
	_ =	sdelay $0x1  }
0x3c3: {  	v23 =	vmul.f32 v23, v24;
	_ =	sdelay $0x1  }
0x3c4: {  	[tilespmem:s10+$0x20] =	vst v23  }
0x3c5: {  	v23 =	vld [tilespmem:s0+$0x430];
	_ =	sdelay $0x2  }
0x3c6: {  	v24 =	vbroadcast v22, $0xB;
	_ =	sdelay $0x1  }
0x3c7: {  	v23 =	vmul.f32 v23, v24;
	_ =	sdelay $0x1  }
0x3c8: {  	[tilespmem:s10+$0x30] =	vst v23  }
0x3c9: {  	v23 =	vld [tilespmem:s0+$0x440];
	_ =	sdelay $0x2  }
0x3ca: {  	v24 =	vbroadcast v22, $0xC;
	_ =	sdelay $0x1  }
0x3cb: {  	v23 =	vmul.f32 v23, v24;
	_ =	sdelay $0x1  }
0x3cc: {  	[tilespmem:s10+$0x40] =	vst v23  }
0x3cd: {  	v23 =	vld [tilespmem:s0+$0x450];
	_ =	sdelay $0x2  }
0x3ce: {  	v24 =	vbroadcast v22, $0xD;
	_ =	sdelay $0x1  }
0x3cf: {  	v23 =	vmul.f32 v23, v24;
	_ =	sdelay $0x1  }
0x3d0: {  	[tilespmem:s10+$0x50] =	vst v23  }
0x3d1: {  	v23 =	vld [tilespmem:s0+$0x460];
	_ =	sdelay $0x2  }
0x3d2: {  	v24 =	vbroadcast v22, $0xE;
	_ =	sdelay $0x1  }
0x3d3: {  	v23 =	vmul.f32 v23, v24;
	_ =	sdelay $0x1  }
0x3d4: {  	[tilespmem:s10+$0x60] =	vst v23  }
0x3d5: {  	v23 =	vld [tilespmem:s0+$0x470];
	_ =	sdelay $0x1  }
.Ltmp4:
0x3d6: {  	(pc) =	sbr.rel @p0 .LBB2_11-.Ltmp4, $3  }
0x3d7: {  	v22 =	vbroadcast v22, $0xF;
	_ =	sdelay $0x1  }
0x3d8: {  	v22 =	vmul.f32 v23, v22  }
0x3d9: {  	s18 =	sadd.s32 $0x200, s18;
	s10 =	sadd.s32 $0x100, s10;
	s0 =	smov.u32 s22  }
0x3da: {  	s0 =	sadd.s32 $0xFFFFFF80, s1;
	s2 =	sand.u32 $0x3800, s2;
	[tilespmem:s21+$0x70] =	vst v22  }
0x3db: {  	v22 =	vld [tilespmem:s3+$0x7A00];
	s0 =	sand.u32 $0x300, s0;
	s2 =	sadd.s32 $0x5200, s2  }
0x3dc: {  	s0 =	sadd.s32 s0, s2  }
0x3dd: {  	v23 =	vld [tilespmem:s0+$0x400];
	_ =	sdelay $0x2  }
0x3de: {  	v24 =	vbroadcast v22, $0x0;
	_ =	sdelay $0x1  }
0x3df: {  	v23 =	vmul.f32 v24, v23;
	_ =	sdelay $0x1  }
0x3e0: {  	[tilespmem:s10+$0xFFFFFF80] =	vst v23  }
0x3e1: {  	v23 =	vld [tilespmem:s0+$0x410];
	_ =	sdelay $0x2  }
0x3e2: {  	v50 =	vbroadcast v22, $0x1;
	_ =	sdelay $0x1  }
0x3e3: {  	v23 =	vmul.f32 v23, v50;
	_ =	sdelay $0x1  }
0x3e4: {  	[tilespmem:s10+$0xFFFFFF90] =	vst v23  }
0x3e5: {  	v23 =	vld [tilespmem:s0+$0x420];
	_ =	sdelay $0x2  }
0x3e6: {  	v51 =	vbroadcast v22, $0x2;
	_ =	sdelay $0x1  }
0x3e7: {  	v23 =	vmul.f32 v23, v51;
	_ =	sdelay $0x1  }
0x3e8: {  	[tilespmem:s10+$0xFFFFFFA0] =	vst v23  }
0x3e9: {  	v23 =	vld [tilespmem:s0+$0x430];
	_ =	sdelay $0x2  }
0x3ea: {  	v52 =	vbroadcast v22, $0x3;
	_ =	sdelay $0x1  }
0x3eb: {  	v23 =	vmul.f32 v23, v52;
	_ =	sdelay $0x1  }
0x3ec: {  	[tilespmem:s10+$0xFFFFFFB0] =	vst v23  }
0x3ed: {  	v23 =	vld [tilespmem:s0+$0x440];
	_ =	sdelay $0x2  }
0x3ee: {  	v53 =	vbroadcast v22, $0x4;
	_ =	sdelay $0x1  }
0x3ef: {  	v23 =	vmul.f32 v23, v53;
	_ =	sdelay $0x1  }
0x3f0: {  	[tilespmem:s10+$0xFFFFFFC0] =	vst v23  }
0x3f1: {  	v23 =	vld [tilespmem:s0+$0x450];
	_ =	sdelay $0x2  }
0x3f2: {  	v54 =	vbroadcast v22, $0x5;
	_ =	sdelay $0x1  }
0x3f3: {  	v23 =	vmul.f32 v23, v54;
	_ =	sdelay $0x1  }
0x3f4: {  	[tilespmem:s10+$0xFFFFFFD0] =	vst v23  }
0x3f5: {  	v23 =	vld [tilespmem:s0+$0x460];
	_ =	sdelay $0x2  }
0x3f6: {  	v55 =	vbroadcast v22, $0x6;
	_ =	sdelay $0x1  }
0x3f7: {  	v23 =	vmul.f32 v23, v55;
	_ =	sdelay $0x1  }
0x3f8: {  	[tilespmem:s10+$0xFFFFFFE0] =	vst v23  }
0x3f9: {  	v23 =	vld [tilespmem:s0+$0x470];
	_ =	sdelay $0x2  }
0x3fa: {  	v56 =	vbroadcast v22, $0x7;
	_ =	sdelay $0x1  }
0x3fb: {  	v23 =	vmul.f32 v23, v56  }
0x3fc: {  	s23 =	sand.u32 $0x380, s1  }
0x3fd: {  	s0 =	sadd.s32 s23, s2;
	[tilespmem:s10+$0xFFFFFFF0] =	vst v23  }
0x3fe: {  	v23 =	vld [tilespmem:s0+$0x400];
	_ =	sdelay $0x2  }
0x3ff: {  	v57 =	vbroadcast v22, $0x8;
	_ =	sdelay $0x1  }
0x400: {  	v23 =	vmul.f32 v23, v57;
	_ =	sdelay $0x1  }
0x401: {  	[tilespmem:s10+$0x0] =	vst v23  }
0x402: {  	v23 =	vld [tilespmem:s0+$0x410];
	_ =	sdelay $0x2  }
0x403: {  	v58 =	vbroadcast v22, $0x9;
	_ =	sdelay $0x1  }
0x404: {  	v23 =	vmul.f32 v23, v58;
	_ =	sdelay $0x1  }
0x405: {  	[tilespmem:s10+$0x10] =	vst v23  }
0x406: {  	v23 =	vld [tilespmem:s0+$0x420];
	_ =	sdelay $0x2  }
0x407: {  	v59 =	vbroadcast v22, $0xA;
	_ =	sdelay $0x1  }
0x408: {  	v23 =	vmul.f32 v23, v59;
	_ =	sdelay $0x1  }
0x409: {  	[tilespmem:s10+$0x20] =	vst v23  }
0x40a: {  	v23 =	vld [tilespmem:s0+$0x430];
	_ =	sdelay $0x2  }
0x40b: {  	v60 =	vbroadcast v22, $0xB;
	_ =	sdelay $0x1  }
0x40c: {  	v23 =	vmul.f32 v23, v60;
	_ =	sdelay $0x1  }
0x40d: {  	[tilespmem:s10+$0x30] =	vst v23  }
0x40e: {  	v23 =	vld [tilespmem:s0+$0x440];
	_ =	sdelay $0x2  }
0x40f: {  	v61 =	vbroadcast v22, $0xC;
	_ =	sdelay $0x1  }
0x410: {  	v23 =	vmul.f32 v23, v61;
	_ =	sdelay $0x1  }
0x411: {  	[tilespmem:s10+$0x40] =	vst v23  }
0x412: {  	v23 =	vld [tilespmem:s0+$0x450];
	_ =	sdelay $0x2  }
0x413: {  	v62 =	vbroadcast v22, $0xD;
	_ =	sdelay $0x1  }
0x414: {  	v23 =	vmul.f32 v23, v62;
	_ =	sdelay $0x1  }
0x415: {  	[tilespmem:s10+$0x50] =	vst v23  }
0x416: {  	v23 =	vld [tilespmem:s0+$0x460];
	_ =	sdelay $0x2  }
0x417: {  	v63 =	vbroadcast v22, $0xE;
	_ =	sdelay $0x1  }
0x418: {  	v23 =	vmul.f32 v23, v63;
	_ =	sdelay $0x1  }
0x419: {  	[tilespmem:s10+$0x60] =	vst v23  }
0x41a: {  	v23 =	vld [tilespmem:s0+$0x470];
	_ =	sdelay $0x1  }
0x41b: {  	s19 =	sadd.s32 $0x1, s19  }
0x41c: {  	p0 =	sne.s32 s19, $0x7D;
	v22 =	vbroadcast v22, $0xF  }
.Ltmp5:
0x41d: {  	_ = 	snop;
	(pc) =	sbr.rel @p0 .LBB2_4-.Ltmp5, $3  }
0x41e: {  	v22 =	vmul.f32 v23, v22;
	_ =	sdelay $0x1  }
0x41f: {  	s24 =	simm.s32 $0x1DB80;
	[tilespmem:s10+$0x70] =	vst v22;
	s10 =	simm.s32 $0x1C700  }
0x420: {  	[spmem:s31] =	stream.indirect.scatter.add.f32 [tilespmem:s24], [sflag:$0xA], $0x80, s10, s14, $0xb8;
	[tilespmem:$0x1EF80] =	vst v63  }
0x421: {  	s0 =	simm.s32 $0x1  }
0x422: {  	_ =	swait.ge [sflag:s0], $0x1400  }
0x423: {  	[sflag:s0] =	ssyncset.done $0x0  }
0x424: {  	s16 =	simm.s32 $0x2;
	[sflag:s0] =	ssyncadd.s32 $0xFFFFEC00  }
0x425: {  	_ =	swait.ge [sflag:s16], $0x2800  }
0x426: {  	[sflag:s16] =	ssyncset.done $0x0  }
0x427: {  	[sflag:s16] =	ssyncadd.s32 $0xFFFFD800  }
0x428: {  	_ =	swait.ge [sflag:s29], $0x28  }
0x429: {  	[sflag:s29] =	ssyncset.done $0x0  }
0x42a: {  	[sflag:s29] =	ssyncadd.s32 $0xFFFFFFD8  }
0x42b: {  	_ =	swait.ge [sflag:s25], $0x28  }
0x42c: {  	[sflag:s25] =	ssyncset.done $0x0  }
0x42d: {  	[sflag:s25] =	ssyncadd.s32 $0xFFFFFFD8  }
0x42e: {  	_ =	swait.ge [sflag:s25], $0x28  }
0x42f: {  	[sflag:s25] =	ssyncset.done $0x0  }
0x430: {  	s18 =	simm.s32 $0xA;
	[sflag:s25] =	ssyncadd.s32 $0xFFFFFFD8  }
0x431: {  	_ =	swait.ge [sflag:s18], $0x1400  }
0x432: {  	[sflag:s18] =	ssyncset.done $0x0  }
0x433: {  	[sflag:s18] =	ssyncadd.s32 $0xFFFFEC00  }
0x434: {  	s1 =	simm.s32 $0x8600;
	s3 =	simm.s32 $0xB;
	s19 =	rddreg [dreg:$0x12];
	[tilespmem:$0x8600] =	vst v21  }
0x435: {  	[hbm4b:s19+s4] =	stream.linear.scatter [tilespmem:s1], [sflag:$0xB], $0x80, $0x38;
	[tilespmem:$0x1EF80] =	vst v63  }
0x436: {  	_ =	swait.ge [sflag:s3], $0x80  }
0x437: {  	[sflag:s3] =	ssyncset.done $0x0  }
0x438: {  	[sflag:s3] =	ssyncadd.s32 $0xFFFFFF80  }
0x439: {  	s21 =	stileid.u32;
	[bflag:$0x0] =	sbarrier.arrive $0xFFFF  }
0x43a: {  	s0 =	sshll.u32 s21, $0x6;
	s8 =	rddreg [dreg:$0x4]  }
0x43b: {  	s0 =	sor.u32 $0x1C0B, s0;
	s2 =	rddreg [dreg:$0x13];
	s22 =	sshrl.u32 s8, $0x3  }
0x43c: {  	[hbm:s2], [sflag:s0] =	dma.local [spmem:s22], $0x2800  }
0x43d: {  	_ =	swait.ge [sflag:s3], $0x2800  }
0x43e: {  	s23 =	rddreg [dreg:$0x1c]  }
0x43f: {  	s24 =	rddreg [dreg:$0x14];
	s1 =	sadd.s32 $0x1, s23  }
0x440: {  	p0 =	sne.s32 s1, s24  }
.Ltmp6:
0x441: {  	_ = 	snop;
	(pc) =	sbr.rel @p0 .LBB2_1-.Ltmp6, $3  }
0x442: {  	_ =	sdelay $0x1  }
0x443: {  	[sflag:s3] =	ssyncset.done $0x0  }
0x444: {  	[sflag:s3] =	ssyncadd.s32 $0xFFFFD800  }
0x445: {  	_ =	sfence.sel $0x180000  }
0x446: {  	[bflag:$0x0] =	sbarrier.arrive $0xFFFF  }
0x447: {  	_ =	strace $0x90000047  }
0x448: {  	s0 =	stileid.u32;
	[bflag:$0x2] =	sbarrier.arrive $0xFFFF  }
0x449: {  	p0 =	sne.s32 s0, $0x0;
	s0 =	rddreg [dreg:$0x3]  }
0x44a: {  	s0 =	sadd.s32 @!p0 $0x100000, s0  }
0x44b: {  	[sflag:s0] =	ssyncadd.tile.s32 @!p0 $0x1;
	_ =	shalt  }
.Lfunc_end2:
_tile_overlayer_lowered:
.L_overlay_start_2:
0x44c: {  	(tag) =	ssettag $0x2  }
0x44d: {  	s0 =	rddreg [dreg:$0x0];
	s2 =	stileid.u32  }
0x44e: {  	s1 =	rddreg [dreg:$0x1];
	p0 =	sne.s32 s2, $0x0  }
0x44f: {  	s3 =	rddreg [dreg:$0x2];
	[bflag:$0x3] =	sbarrier.arrive $0xFFFF;
	s2 =	simm.s32 @!p0 $0x1C0B  }
0x450: {  	[timem:s3], [sflag:s2] =	dma.local @!p0 [hbm:s0], s1  }
0x451: {  	s0 =	simm.s32 @!p0 $0xB  }
0x452: {  	_ =	swait.ge @!p0 [sflag:s0], s1  }
0x453: {  	s1 =	ssub.s32 @!p0 $0x0, s1;
	[sflag:s0] =	ssyncset.done @!p0 $0x0  }
0x454: {  	[sflag:s0] =	ssyncadd.s32 @!p0 s1  }
0x455: {  	[bflag:$0x3] =	sbarrier.arrive $0xFFFF  }
0x456: {  	_ =	shalt  }

</sc_bundles>
